<compile_context>
chip_gen: v7x
topology: tpu7x:2x2x1
jax: 0.10.2.dev20260603
libtpu: 0.0.44.dev20260713+nightly
codegen_flags: <defaults>
</compile_context>

<pallas_src>
import functools

import jax
import jax.numpy as jnp
from jax import lax
from jax.experimental import pallas as pl
from jax.experimental.pallas import tpu as pltpu
from jax.experimental.pallas import tpu_sc as plsc

V = 30522
H = 768
P = 514
D = 50
U = 32
TAGV = 256
SUBV = 1024
B = 16
S = 512
N_TOK = B * S
PPAD = 640

DP = 56
KP = DP * U
NW = 32
TOK_PER_W = N_TOK // NW
WCH = 64
W_CHUNKS = TOK_PER_W // WCH
XT = 16
N_SUP = TOK_PER_W // XT


def _sc_xpath_body(tagidx_hbm, subidx_hbm, tagtab_hbm, subtab_hbm,
                   tag_out, sub_out, tidx_v, sidx_v, tval_v, sval_v, sem):
    wid = lax.axis_index("s") * 2 + lax.axis_index("c")

    pltpu.sync_copy(tagidx_hbm.at[wid], tidx_v)
    pltpu.sync_copy(subidx_hbm.at[wid], sidx_v)

    R = XT * DP
    obase = wid * TOK_PER_W * DP

    def gathers(i):
        p = (i % 2) * R
        ct = pltpu.async_copy(tagtab_hbm.at[tidx_v.at[pl.ds(i * R, R)]],
                              tval_v.at[pl.ds(p, R)], sem)
        cs = pltpu.async_copy(subtab_hbm.at[sidx_v.at[pl.ds(i * R, R)]],
                              sval_v.at[pl.ds(p, R)], sem)
        return ct, cs

    pend = gathers(0)
    for i in range(N_SUP):
        cur = pend
        if i + 1 < N_SUP:
            pend = gathers(i + 1)
        p = (i % 2) * R
        cur[0].wait()
        pltpu.sync_copy(tval_v.at[pl.ds(p, R)],
                        tag_out.at[pl.ds(obase + i * R, R)])
        cur[1].wait()
        pltpu.sync_copy(sval_v.at[pl.ds(p, R)],
                        sub_out.at[pl.ds(obase + i * R, R)])


def _sc_word_body(ids_hbm, wemb_hbm, words_out, widx_v, wrows_v, sem):
    wid = lax.axis_index("s") * 2 + lax.axis_index("c")
    wbase = wid * TOK_PER_W
    pltpu.sync_copy(ids_hbm.at[wid], widx_v)
    for j in range(W_CHUNKS):
        pltpu.async_copy(wemb_hbm.at[widx_v.at[j]], wrows_v, sem).wait()
        pltpu.sync_copy(wrows_v, words_out.at[pl.ds(wbase + j * WCH, WCH)])


@functools.cache
def _make_sc_kernels():
    mesh = plsc.VectorSubcoreMesh(core_axis_name="c", subcore_axis_name="s")
    xpath = functools.partial(
        pl.kernel,
        mesh=mesh,
        out_type=[
            jax.ShapeDtypeStruct((N_TOK * DP, U), jnp.bfloat16),
            jax.ShapeDtypeStruct((N_TOK * DP, U), jnp.bfloat16),
        ],
        scratch_types=[
            pltpu.VMEM((TOK_PER_W * DP,), jnp.int32),
            pltpu.VMEM((TOK_PER_W * DP,), jnp.int32),
            pltpu.VMEM((2 * XT * DP, U), jnp.bfloat16),
            pltpu.VMEM((2 * XT * DP, U), jnp.bfloat16),
            pltpu.SemaphoreType.DMA,
        ],
        compiler_params=pltpu.CompilerParams(use_tc_tiling_on_sc=False),
    )(_sc_xpath_body)
    word = functools.partial(
        pl.kernel,
        mesh=mesh,
        out_type=jax.ShapeDtypeStruct((N_TOK, H), jnp.float32),
        scratch_types=[
            pltpu.VMEM((W_CHUNKS, WCH), jnp.int32),
            pltpu.VMEM((WCH, H), jnp.float32),
            pltpu.SemaphoreType.DMA,
        ],
        compiler_params=pltpu.CompilerParams(use_tc_tiling_on_sc=False),
    )(_sc_word_body)
    return xpath, word


def _tc1_body(tag_ref, sub_ref, w1_ref, b1_ref, w2_ref, b2_ref, xpe_ref):
    xp = (tag_ref[...] + sub_ref[...]).reshape(S, KP).astype(jnp.bfloat16)
    inner = jnp.dot(xp, w1_ref[...], preferred_element_type=jnp.float32)
    inner = jnp.maximum(inner + b1_ref[...], 0.0).astype(jnp.bfloat16)
    xpe = jnp.dot(inner, w2_ref[...], preferred_element_type=jnp.float32)
    xpe_ref[...] = xpe + b2_ref[...]


_tc1 = pl.pallas_call(
    _tc1_body,
    grid=(B,),
    in_specs=[
        pl.BlockSpec((S * KP // 128, 128), lambda i: (i, 0)),
        pl.BlockSpec((S * KP // 128, 128), lambda i: (i, 0)),
        pl.BlockSpec((KP, 4 * H), lambda i: (0, 0)),
        pl.BlockSpec((1, 4 * H), lambda i: (0, 0)),
        pl.BlockSpec((4 * H, H), lambda i: (0, 0)),
        pl.BlockSpec((1, H), lambda i: (0, 0)),
    ],
    out_specs=pl.BlockSpec((S, H), lambda i: (i, 0)),
    out_shape=jax.ShapeDtypeStruct((N_TOK, H), jnp.float32),
)


def _tc2_body(idsT_ref, words_ref, xpe_ref, pos_ref, tt_ref,
              g_ref, bta_ref, out_ref):
    maskf = (idsT_ref[...][0] != 0).astype(jnp.float32)
    row = lax.broadcasted_iota(jnp.int32, (S, S), 0)
    col = lax.broadcasted_iota(jnp.int32, (S, S), 1)
    tri = (col <= row).astype(jnp.float32)
    posid = jnp.dot(tri, maskf, preferred_element_type=jnp.float32) * maskf

    colp = lax.broadcasted_iota(jnp.int32, (S, PPAD), 1)
    oneh = (colp == posid.astype(jnp.int32)).astype(jnp.bfloat16)
    pos = jnp.dot(oneh, pos_ref[...], preferred_element_type=jnp.float32)

    words = words_ref[...].reshape(S, H)
    emb = words + pos + xpe_ref[...] + tt_ref[...]
    mu = jnp.mean(emb, axis=1, keepdims=True)
    var = jnp.mean(emb * emb, axis=1, keepdims=True) - mu * mu
    inv = lax.rsqrt(var + 1e-12)
    out_ref[...] = (emb - mu) * inv * g_ref[...] + bta_ref[...]


_tc2 = pl.pallas_call(
    _tc2_body,
    grid=(B,),
    in_specs=[
        pl.BlockSpec((1, S, 1), lambda i: (i, 0, 0)),
        pl.BlockSpec((S * H // 128, 128), lambda i: (i, 0)),
        pl.BlockSpec((S, H), lambda i: (i, 0)),
        pl.BlockSpec((PPAD, H), lambda i: (0, 0)),
        pl.BlockSpec((1, H), lambda i: (0, 0)),
        pl.BlockSpec((1, H), lambda i: (0, 0)),
        pl.BlockSpec((1, H), lambda i: (0, 0)),
    ],
    out_specs=pl.BlockSpec((S, H), lambda i: (i, 0)),
    out_shape=jax.ShapeDtypeStruct((N_TOK, H), jnp.float32),
)


def kernel(input_ids, xpath_tags_seq, xpath_subs_seq, word_emb, pos_emb,
           tok_type_emb, tag_tables, subs_tables, W_inner, b_inner, W_out,
           b_out, ln_gamma, ln_beta):
    doff = jnp.arange(D, dtype=jnp.int32)
    zpad = jnp.zeros((N_TOK, DP - D), jnp.int32)
    tag_idx = jnp.concatenate(
        [xpath_tags_seq.reshape(N_TOK, D) + doff * TAGV, zpad],
        axis=1).reshape(NW, -1)
    sub_idx = jnp.concatenate(
        [xpath_subs_seq.reshape(N_TOK, D) + doff * SUBV, zpad],
        axis=1).reshape(NW, -1)
    tagtab = tag_tables.reshape(D * TAGV, U).astype(jnp.bfloat16)
    subtab = subs_tables.reshape(D * SUBV, U).astype(jnp.bfloat16)

    sc_xpath, sc_word = _make_sc_kernels()
    tag_g, sub_g = sc_xpath(tag_idx, sub_idx, tagtab, subtab)
    words = sc_word(input_ids.reshape(NW, W_CHUNKS, WCH), word_emb)

    w1p = jnp.pad(W_inner.astype(jnp.bfloat16), ((0, KP - D * U), (0, 0)))
    xpe = _tc1(
        tag_g.reshape(N_TOK * KP // 128, 128),
        sub_g.reshape(N_TOK * KP // 128, 128),
        w1p,
        b_inner.reshape(1, 4 * H),
        W_out.astype(jnp.bfloat16),
        b_out.reshape(1, H),
    )

    pos_pad = jnp.zeros((PPAD, H), jnp.bfloat16).at[:P].set(
        pos_emb.astype(jnp.bfloat16))
    out = _tc2(
        input_ids.reshape(B, S, 1),
        words.reshape(N_TOK * H // 128, 128),
        xpe,
        pos_pad,
        tok_type_emb[0:1],
        ln_gamma.reshape(1, H),
        ln_beta.reshape(1, H),
    )
    return out.reshape(B, S, H)

# --- scband reference (transcript-rebuilt; emitter-appended) ---
"""Pipeline reference for scband-markup-lmembeddings-55327768707786 (READ-ONLY COPY).

The authoritative reference and input builder live on the scoring server;
editing this copy changes nothing except your own understanding.
"""

import jax, jax.numpy as jnp
import numpy as np

V = 30522; H = 768; P = 514; T = 2; D = 50; U = 32; TAGV = 256; SUBV = 1024
B = 16; S = 512


def setup_inputs(seed: int = 0) -> dict:
    key = jax.random.key(seed)
    ks = jax.random.split(key, 12)
    input_ids = jax.random.randint(ks[0], (B, S), 0, V, dtype=jnp.int32)
    xpath_tags_seq = jax.random.randint(ks[1], (B, S, D), 0, TAGV, dtype=jnp.int32)
    xpath_subs_seq = jax.random.randint(ks[2], (B, S, D), 0, SUBV, dtype=jnp.int32)
    word_emb = jax.random.normal(ks[3], (V, H), dtype=jnp.float32) * 0.02
    pos_emb = jax.random.normal(ks[4], (P, H), dtype=jnp.float32) * 0.02
    tok_type_emb = jax.random.normal(ks[5], (T, H), dtype=jnp.float32) * 0.02
    tag_tables = jax.random.normal(ks[6], (D, TAGV, U), dtype=jnp.float32) * 0.02
    subs_tables = jax.random.normal(ks[7], (D, SUBV, U), dtype=jnp.float32) * 0.02
    W_inner = jax.random.normal(ks[8], (D * U, 4 * H), dtype=jnp.float32) * 0.02
    b_inner = jnp.zeros((4 * H,), dtype=jnp.float32)
    W_out = jax.random.normal(ks[9], (4 * H, H), dtype=jnp.float32) * 0.02
    b_out = jnp.zeros((H,), dtype=jnp.float32)
    ln_gamma = jnp.ones((H,), dtype=jnp.float32)
    ln_beta = jnp.zeros((H,), dtype=jnp.float32)
    return {"input_ids": input_ids, "xpath_tags_seq": xpath_tags_seq, "xpath_subs_seq": xpath_subs_seq,
            "word_emb": word_emb, "pos_emb": pos_emb, "tok_type_emb": tok_type_emb,
            "tag_tables": tag_tables, "subs_tables": subs_tables,
            "W_inner": W_inner, "b_inner": b_inner, "W_out": W_out, "b_out": b_out,
            "ln_gamma": ln_gamma, "ln_beta": ln_beta}


def reference(input_ids, xpath_tags_seq, xpath_subs_seq, word_emb, pos_emb, tok_type_emb,
              tag_tables, subs_tables, W_inner, b_inner, W_out, b_out, ln_gamma, ln_beta):
    # position ids per create_position_ids_from_input_ids (padding_idx=0, past_kv_len=0)
    mask = (input_ids != 0).astype(jnp.int32)
    position_ids = jnp.cumsum(mask, axis=1) * mask  # + padding_idx (=0)
    # embedding gathers (SparseCore-style)
    words = jnp.take(word_emb, input_ids, axis=0)
    pos = jnp.take(pos_emb, position_ids, axis=0)
    # token_type_ids default to zeros -> row 0 of type table
    tt = jnp.broadcast_to(tok_type_emb[0], words.shape)
    # xpath per-depth gathers, concatenated over depth (matches torch cat order)
    d_idx = jnp.arange(D)[None, None, :]
    tags = tag_tables[d_idx, xpath_tags_seq].reshape(input_ids.shape[0], input_ids.shape[1], D * U)
    subs = subs_tables[d_idx, xpath_subs_seq].reshape(input_ids.shape[0], input_ids.shape[1], D * U)
    xp = tags + subs
    inner = jax.nn.relu(xp @ W_inner + b_inner)
    xp_emb = inner @ W_out + b_out  # dropout = identity (eval mode)
    emb = words + pos + tt + xp_emb
    mu = jnp.mean(emb, axis=-1, keepdims=True)
    var = jnp.var(emb, axis=-1, keepdims=True)
    out = (emb - mu) / jnp.sqrt(var + 1e-12) * ln_gamma + ln_beta
    return out

if __name__ == "__main__":
    import jax
    _d = setup_inputs()
    print(jax.jit(kernel)(*tuple(_d.values())))

</pallas_src>

<mosaic_0001>
#map = affine_map<(d0, d1) -> (0, 0)>
module attributes {stable_mosaic.version = 14 : i64} {
  func.func @_sc_xpath_body(%arg0: i32, %arg1: i32, %arg2: memref<32x14336xi32, #tpu.memory_space<hbm>>, %arg3: memref<32x14336xi32, #tpu.memory_space<hbm>>, %arg4: memref<12800x32xbf16, #tpu.memory_space<hbm>>, %arg5: memref<51200x32xbf16, #tpu.memory_space<hbm>>, %arg6: memref<458752x32xbf16, #tpu.memory_space<hbm>>, %arg7: memref<458752x32xbf16, #tpu.memory_space<hbm>>, %arg8: memref<14336xi32, #tpu.memory_space<vmem>>, %arg9: memref<14336xi32, #tpu.memory_space<vmem>>, %arg10: memref<1792x32xbf16, #tpu.memory_space<vmem>>, %arg11: memref<1792x32xbf16, #tpu.memory_space<vmem>>, %arg12: memref<!tpu.dma_semaphore, #tpu.memory_space<semaphore_mem>>) attributes {dimension_semantics = [#tpu.dimension_semantics<core_parallel>, #tpu.dimension_semantics<subcore_parallel>], iteration_bounds = array<i64: 2, 16>, scalar_prefetch = 0 : i64, scratch_operands = 5 : i64, tpu.core_type = #tpu.core_type<sc_vector_subcore>, window_params = [{transform_indices = #map}, {transform_indices = #map}, {transform_indices = #map}, {transform_indices = #map}, {transform_indices = #map}, {transform_indices = #map}]} {
    %mul3A = arith.constant 2 : i32
    %mul3A_0 = arith.muli %arg1, %mul3A : i32
    %add3A = arith.addi %mul3A_0, %arg0 : i32
    "tpu.region"() ({
      %run_scoped3A = tpu.sem_alloc : memref<!tpu.dma_semaphore, #tpu.memory_space<semaphore_mem>>
      %dma_start3A_579 = arith.constant 0 : i32
      %dma_start3A_580 = tpu.memref_slice %arg2[%add3A, %dma_start3A_579] : memref<32x14336xi32, #tpu.memory_space<hbm>> -> memref<1x14336xi32, #tpu.memory_space<hbm>>
      %dma_start3A_581 = tpu.memref_squeeze %dma_start3A_580 : memref<1x14336xi32, #tpu.memory_space<hbm>> -> memref<14336xi32, #tpu.memory_space<hbm>>
      %dma_start3A_582 = arith.constant 0 : i32
      %dma_start3A_583 = tpu.memref_slice %arg2[%add3A, %dma_start3A_582] : memref<32x14336xi32, #tpu.memory_space<hbm>> -> memref<1x14336xi32, #tpu.memory_space<hbm>>
      %dma_start3A_584 = tpu.memref_squeeze %dma_start3A_583 : memref<1x14336xi32, #tpu.memory_space<hbm>> -> memref<14336xi32, #tpu.memory_space<hbm>>
      tpu.enqueue_dma source(%dma_start3A_584 : memref<14336xi32, #tpu.memory_space<hbm>>) target(%arg8 : memref<14336xi32, #tpu.memory_space<vmem>>) target_semaphore(%run_scoped3A : memref<!tpu.dma_semaphore, #tpu.memory_space<semaphore_mem>>)
      %dma_wait3A_585 = arith.constant 0 : i32
      %dma_wait3A_586 = tpu.memref_slice %arg2[%add3A, %dma_wait3A_585] : memref<32x14336xi32, #tpu.memory_space<hbm>> -> memref<1x14336xi32, #tpu.memory_space<hbm>>
      %dma_wait3A_587 = tpu.memref_squeeze %dma_wait3A_586 : memref<1x14336xi32, #tpu.memory_space<hbm>> -> memref<14336xi32, #tpu.memory_space<hbm>>
      %dma_wait3A_588 = arith.constant 0 : i32
      %dma_wait3A_589 = tpu.memref_slice %arg2[%add3A, %dma_wait3A_588] : memref<32x14336xi32, #tpu.memory_space<hbm>> -> memref<1x14336xi32, #tpu.memory_space<hbm>>
      %dma_wait3A_590 = tpu.memref_squeeze %dma_wait3A_589 : memref<1x14336xi32, #tpu.memory_space<hbm>> -> memref<14336xi32, #tpu.memory_space<hbm>>
      tpu.wait_dma2 semaphore(%run_scoped3A : memref<!tpu.dma_semaphore, #tpu.memory_space<semaphore_mem>>) src(%dma_wait3A_590 : memref<14336xi32, #tpu.memory_space<hbm>>) dst(%arg8 : memref<14336xi32, #tpu.memory_space<vmem>>)
      tpu.yield
    }) : () -> ()
    "tpu.region"() ({
      %run_scoped3A = tpu.sem_alloc : memref<!tpu.dma_semaphore, #tpu.memory_space<semaphore_mem>>
      %dma_start3A_579 = arith.constant 0 : i32
      %dma_start3A_580 = tpu.memref_slice %arg3[%add3A, %dma_start3A_579] : memref<32x14336xi32, #tpu.memory_space<hbm>> -> memref<1x14336xi32, #tpu.memory_space<hbm>>
      %dma_start3A_581 = tpu.memref_squeeze %dma_start3A_580 : memref<1x14336xi32, #tpu.memory_space<hbm>> -> memref<14336xi32, #tpu.memory_space<hbm>>
      %dma_start3A_582 = arith.constant 0 : i32
      %dma_start3A_583 = tpu.memref_slice %arg3[%add3A, %dma_start3A_582] : memref<32x14336xi32, #tpu.memory_space<hbm>> -> memref<1x14336xi32, #tpu.memory_space<hbm>>
      %dma_start3A_584 = tpu.memref_squeeze %dma_start3A_583 : memref<1x14336xi32, #tpu.memory_space<hbm>> -> memref<14336xi32, #tpu.memory_space<hbm>>
      tpu.enqueue_dma source(%dma_start3A_584 : memref<14336xi32, #tpu.memory_space<hbm>>) target(%arg9 : memref<14336xi32, #tpu.memory_space<vmem>>) target_semaphore(%run_scoped3A : memref<!tpu.dma_semaphore, #tpu.memory_space<semaphore_mem>>)
      %dma_wait3A_585 = arith.constant 0 : i32
      %dma_wait3A_586 = tpu.memref_slice %arg3[%add3A, %dma_wait3A_585] : memref<32x14336xi32, #tpu.memory_space<hbm>> -> memref<1x14336xi32, #tpu.memory_space<hbm>>
      %dma_wait3A_587 = tpu.memref_squeeze %dma_wait3A_586 : memref<1x14336xi32, #tpu.memory_space<hbm>> -> memref<14336xi32, #tpu.memory_space<hbm>>
      %dma_wait3A_588 = arith.constant 0 : i32
      %dma_wait3A_589 = tpu.memref_slice %arg3[%add3A, %dma_wait3A_588] : memref<32x14336xi32, #tpu.memory_space<hbm>> -> memref<1x14336xi32, #tpu.memory_space<hbm>>
      %dma_wait3A_590 = tpu.memref_squeeze %dma_wait3A_589 : memref<1x14336xi32, #tpu.memory_space<hbm>> -> memref<14336xi32, #tpu.memory_space<hbm>>
      tpu.wait_dma2 semaphore(%run_scoped3A : memref<!tpu.dma_semaphore, #tpu.memory_space<semaphore_mem>>) src(%dma_wait3A_590 : memref<14336xi32, #tpu.memory_space<hbm>>) dst(%arg9 : memref<14336xi32, #tpu.memory_space<vmem>>)
      tpu.yield
    }) : () -> ()
    %mul3A_1 = arith.constant 256 : i32
    %mul3A_2 = arith.muli %add3A, %mul3A_1 : i32
    %mul3A_3 = arith.constant 56 : i32
    %mul3A_4 = arith.muli %mul3A_2, %mul3A_3 : i32
    %dma_start3A = arith.constant 0 : i32
    %dma_start3A_5 = arith.constant 0 : i32
    %dma_start3A_6 = tpu.memref_slice %arg10[%dma_start3A, %dma_start3A_5] : memref<1792x32xbf16, #tpu.memory_space<vmem>> -> memref<896x32xbf16, #tpu.memory_space<vmem>>
    %dma_start3A_7 = arith.constant 0 : i32
    %dma_start3A_8 = tpu.memref_slice %arg8[%dma_start3A_7] : memref<14336xi32, #tpu.memory_space<vmem>> -> memref<896xi32, #tpu.memory_space<vmem>>
    %dma_start3A_9 = arith.constant 0 : i32
    %dma_start3A_10 = arith.constant 0 : i32
    %dma_start3A_11 = tpu.memref_slice %arg4[%dma_start3A_9, %dma_start3A_10] : memref<12800x32xbf16, #tpu.memory_space<hbm>> -> memref<12800x32xbf16, #tpu.memory_space<hbm>>
    tpu.enqueue_indirect_dma source(%dma_start3A_11 : memref<12800x32xbf16, #tpu.memory_space<hbm>>) target(%dma_start3A_6 : memref<896x32xbf16, #tpu.memory_space<vmem>>) offsets(%dma_start3A_8 : memref<896xi32, #tpu.memory_space<vmem>>) semaphore(%arg12 : memref<!tpu.dma_semaphore, #tpu.memory_space<semaphore_mem>>)
    %dma_start3A_12 = arith.constant 0 : i32
    %dma_start3A_13 = arith.constant 0 : i32
    %dma_start3A_14 = tpu.memref_slice %arg11[%dma_start3A_12, %dma_start3A_13] : memref<1792x32xbf16, #tpu.memory_space<vmem>> -> memref<896x32xbf16, #tpu.memory_space<vmem>>
    %dma_start3A_15 = arith.constant 0 : i32
    %dma_start3A_16 = tpu.memref_slice %arg9[%dma_start3A_15] : memref<14336xi32, #tpu.memory_space<vmem>> -> memref<896xi32, #tpu.memory_space<vmem>>
    %dma_start3A_17 = arith.constant 0 : i32
    %dma_start3A_18 = arith.constant 0 : i32
    %dma_start3A_19 = tpu.memref_slice %arg5[%dma_start3A_17, %dma_start3A_18] : memref<51200x32xbf16, #tpu.memory_space<hbm>> -> memref<51200x32xbf16, #tpu.memory_space<hbm>>
    tpu.enqueue_indirect_dma source(%dma_start3A_19 : memref<51200x32xbf16, #tpu.memory_space<hbm>>) target(%dma_start3A_14 : memref<896x32xbf16, #tpu.memory_space<vmem>>) offsets(%dma_start3A_16 : memref<896xi32, #tpu.memory_space<vmem>>) semaphore(%arg12 : memref<!tpu.dma_semaphore, #tpu.memory_space<semaphore_mem>>)
    %dma_start3A_20 = arith.constant 896 : i32
    %dma_start3A_21 = arith.constant 0 : i32
    %dma_start3A_22 = tpu.memref_slice %arg10[%dma_start3A_20, %dma_start3A_21] : memref<1792x32xbf16, #tpu.memory_space<vmem>> -> memref<896x32xbf16, #tpu.memory_space<vmem>>
    %dma_start3A_23 = arith.constant 896 : i32
    %dma_start3A_24 = tpu.memref_slice %arg8[%dma_start3A_23] : memref<14336xi32, #tpu.memory_space<vmem>> -> memref<896xi32, #tpu.memory_space<vmem>>
    %dma_start3A_25 = arith.constant 0 : i32
    %dma_start3A_26 = arith.constant 0 : i32
    %dma_start3A_27 = tpu.memref_slice %arg4[%dma_start3A_25, %dma_start3A_26] : memref<12800x32xbf16, #tpu.memory_space<hbm>> -> memref<12800x32xbf16, #tpu.memory_space<hbm>>
    tpu.enqueue_indirect_dma source(%dma_start3A_27 : memref<12800x32xbf16, #tpu.memory_space<hbm>>) target(%dma_start3A_22 : memref<896x32xbf16, #tpu.memory_space<vmem>>) offsets(%dma_start3A_24 : memref<896xi32, #tpu.memory_space<vmem>>) semaphore(%arg12 : memref<!tpu.dma_semaphore, #tpu.memory_space<semaphore_mem>>)
    %dma_start3A_28 = arith.constant 896 : i32
    %dma_start3A_29 = arith.constant 0 : i32
    %dma_start3A_30 = tpu.memref_slice %arg11[%dma_start3A_28, %dma_start3A_29] : memref<1792x32xbf16, #tpu.memory_space<vmem>> -> memref<896x32xbf16, #tpu.memory_space<vmem>>
    %dma_start3A_31 = arith.constant 896 : i32
    %dma_start3A_32 = tpu.memref_slice %arg9[%dma_start3A_31] : memref<14336xi32, #tpu.memory_space<vmem>> -> memref<896xi32, #tpu.memory_space<vmem>>
    %dma_start3A_33 = arith.constant 0 : i32
    %dma_start3A_34 = arith.constant 0 : i32
    %dma_start3A_35 = tpu.memref_slice %arg5[%dma_start3A_33, %dma_start3A_34] : memref<51200x32xbf16, #tpu.memory_space<hbm>> -> memref<51200x32xbf16, #tpu.memory_space<hbm>>
    tpu.enqueue_indirect_dma source(%dma_start3A_35 : memref<51200x32xbf16, #tpu.memory_space<hbm>>) target(%dma_start3A_30 : memref<896x32xbf16, #tpu.memory_space<vmem>>) offsets(%dma_start3A_32 : memref<896xi32, #tpu.memory_space<vmem>>) semaphore(%arg12 : memref<!tpu.dma_semaphore, #tpu.memory_space<semaphore_mem>>)
    %dma_wait3A = arith.constant 0 : i32
    %dma_wait3A_36 = arith.constant 0 : i32
    %dma_wait3A_37 = tpu.memref_slice %arg10[%dma_wait3A, %dma_wait3A_36] : memref<1792x32xbf16, #tpu.memory_space<vmem>> -> memref<896x32xbf16, #tpu.memory_space<vmem>>
    %dma_wait3A_38 = arith.constant 0 : i32
    %dma_wait3A_39 = tpu.memref_slice %arg8[%dma_wait3A_38] : memref<14336xi32, #tpu.memory_space<vmem>> -> memref<896xi32, #tpu.memory_space<vmem>>
    %dma_wait3A_40 = arith.constant 0 : i32
    %dma_wait3A_41 = arith.constant 0 : i32
    %dma_wait3A_42 = tpu.memref_slice %arg4[%dma_wait3A_40, %dma_wait3A_41] : memref<12800x32xbf16, #tpu.memory_space<hbm>> -> memref<12800x32xbf16, #tpu.memory_space<hbm>>
    tpu.wait_indirect_dma semaphore(%arg12 : memref<!tpu.dma_semaphore, #tpu.memory_space<semaphore_mem>>) src(%dma_wait3A_42 : memref<12800x32xbf16, #tpu.memory_space<hbm>>) dst(%dma_wait3A_37 : memref<896x32xbf16, #tpu.memory_space<vmem>>)
    %add3A_43 = arith.constant 0 : i32
    %add3A_44 = arith.addi %mul3A_4, %add3A_43 : i32
    "tpu.region"() ({
      %run_scoped3A = tpu.sem_alloc : memref<!tpu.dma_semaphore, #tpu.memory_space<semaphore_mem>>
      %dma_start3A_579 = arith.constant 0 : i32
      %dma_start3A_580 = arith.constant 0 : i32
      %dma_start3A_581 = tpu.memref_slice %arg10[%dma_start3A_579, %dma_start3A_580] : memref<1792x32xbf16, #tpu.memory_space<vmem>> -> memref<896x32xbf16, #tpu.memory_space<vmem>>
      %dma_start3A_582 = arith.constant 0 : i32
      %dma_start3A_583 = tpu.memref_slice %arg6[%add3A_44, %dma_start3A_582] : memref<458752x32xbf16, #tpu.memory_space<hbm>> -> memref<896x32xbf16, #tpu.memory_space<hbm>>
      %dma_start3A_584 = arith.constant 0 : i32
      %dma_start3A_585 = tpu.memref_slice %arg6[%add3A_44, %dma_start3A_584] : memref<458752x32xbf16, #tpu.memory_space<hbm>> -> memref<896x32xbf16, #tpu.memory_space<hbm>>
      %dma_start3A_586 = arith.constant 0 : i32
      %dma_start3A_587 = arith.constant 0 : i32
      %dma_start3A_588 = tpu.memref_slice %arg10[%dma_start3A_586, %dma_start3A_587] : memref<1792x32xbf16, #tpu.memory_space<vmem>> -> memref<896x32xbf16, #tpu.memory_space<vmem>>
      tpu.enqueue_dma source(%dma_start3A_588 : memref<896x32xbf16, #tpu.memory_space<vmem>>) target(%dma_start3A_585 : memref<896x32xbf16, #tpu.memory_space<hbm>>) target_semaphore(%run_scoped3A : memref<!tpu.dma_semaphore, #tpu.memory_space<semaphore_mem>>)
      %dma_wait3A_589 = arith.constant 0 : i32
      %dma_wait3A_590 = arith.constant 0 : i32
      %dma_wait3A_591 = tpu.memref_slice %arg10[%dma_wait3A_589, %dma_wait3A_590] : memref<1792x32xbf16, #tpu.memory_space<vmem>> -> memref<896x32xbf16, #tpu.memory_space<vmem>>
      %dma_wait3A_592 = arith.constant 0 : i32
      %dma_wait3A_593 = tpu.memref_slice %arg6[%add3A_44, %dma_wait3A_592] : memref<458752x32xbf16, #tpu.memory_space<hbm>> -> memref<896x32xbf16, #tpu.memory_space<hbm>>
      %dma_wait3A_594 = arith.constant 0 : i32
      %dma_wait3A_595 = tpu.memref_slice %arg6[%add3A_44, %dma_wait3A_594] : memref<458752x32xbf16, #tpu.memory_space<hbm>> -> memref<896x32xbf16, #tpu.memory_space<hbm>>
      %dma_wait3A_596 = arith.constant 0 : i32
      %dma_wait3A_597 = arith.constant 0 : i32
      %dma_wait3A_598 = tpu.memref_slice %arg10[%dma_wait3A_596, %dma_wait3A_597] : memref<1792x32xbf16, #tpu.memory_space<vmem>> -> memref<896x32xbf16, #tpu.memory_space<vmem>>
      tpu.wait_dma2 semaphore(%run_scoped3A : memref<!tpu.dma_semaphore, #tpu.memory_space<semaphore_mem>>) src(%dma_wait3A_598 : memref<896x32xbf16, #tpu.memory_space<vmem>>) dst(%dma_wait3A_595 : memref<896x32xbf16, #tpu.memory_space<hbm>>)
      tpu.yield
    }) : () -> ()
    %dma_wait3A_45 = arith.constant 0 : i32
    %dma_wait3A_46 = arith.constant 0 : i32
    %dma_wait3A_47 = tpu.memref_slice %arg11[%dma_wait3A_45, %dma_wait3A_46] : memref<1792x32xbf16, #tpu.memory_space<vmem>> -> memref<896x32xbf16, #tpu.memory_space<vmem>>
    %dma_wait3A_48 = arith.constant 0 : i32
    %dma_wait3A_49 = tpu.memref_slice %arg9[%dma_wait3A_48] : memref<14336xi32, #tpu.memory_space<vmem>> -> memref<896xi32, #tpu.memory_space<vmem>>
    %dma_wait3A_50 = arith.constant 0 : i32
    %dma_wait3A_51 = arith.constant 0 : i32
    %dma_wait3A_52 = tpu.memref_slice %arg5[%dma_wait3A_50, %dma_wait3A_51] : memref<51200x32xbf16, #tpu.memory_space<hbm>> -> memref<51200x32xbf16, #tpu.memory_space<hbm>>
    tpu.wait_indirect_dma semaphore(%arg12 : memref<!tpu.dma_semaphore, #tpu.memory_space<semaphore_mem>>) src(%dma_wait3A_52 : memref<51200x32xbf16, #tpu.memory_space<hbm>>) dst(%dma_wait3A_47 : memref<896x32xbf16, #tpu.memory_space<vmem>>)
    %add3A_53 = arith.constant 0 : i32
    %add3A_54 = arith.addi %mul3A_4, %add3A_53 : i32
    "tpu.region"() ({
      %run_scoped3A = tpu.sem_alloc : memref<!tpu.dma_semaphore, #tpu.memory_space<semaphore_mem>>
      %dma_start3A_579 = arith.constant 0 : i32
      %dma_start3A_580 = arith.constant 0 : i32
      %dma_start3A_581 = tpu.memref_slice %arg11[%dma_start3A_579, %dma_start3A_580] : memref<1792x32xbf16, #tpu.memory_space<vmem>> -> memref<896x32xbf16, #tpu.memory_space<vmem>>
      %dma_start3A_582 = arith.constant 0 : i32
      %dma_start3A_583 = tpu.memref_slice %arg7[%add3A_54, %dma_start3A_582] : memref<458752x32xbf16, #tpu.memory_space<hbm>> -> memref<896x32xbf16, #tpu.memory_space<hbm>>
      %dma_start3A_584 = arith.constant 0 : i32
      %dma_start3A_585 = tpu.memref_slice %arg7[%add3A_54, %dma_start3A_584] : memref<458752x32xbf16, #tpu.memory_space<hbm>> -> memref<896x32xbf16, #tpu.memory_space<hbm>>
      %dma_start3A_586 = arith.constant 0 : i32
      %dma_start3A_587 = arith.constant 0 : i32
      %dma_start3A_588 = tpu.memref_slice %arg11[%dma_start3A_586, %dma_start3A_587] : memref<1792x32xbf16, #tpu.memory_space<vmem>> -> memref<896x32xbf16, #tpu.memory_space<vmem>>
      tpu.enqueue_dma source(%dma_start3A_588 : memref<896x32xbf16, #tpu.memory_space<vmem>>) target(%dma_start3A_585 : memref<896x32xbf16, #tpu.memory_space<hbm>>) target_semaphore(%run_scoped3A : memref<!tpu.dma_semaphore, #tpu.memory_space<semaphore_mem>>)
      %dma_wait3A_589 = arith.constant 0 : i32
      %dma_wait3A_590 = arith.constant 0 : i32
      %dma_wait3A_591 = tpu.memref_slice %arg11[%dma_wait3A_589, %dma_wait3A_590] : memref<1792x32xbf16, #tpu.memory_space<vmem>> -> memref<896x32xbf16, #tpu.memory_space<vmem>>
      %dma_wait3A_592 = arith.constant 0 : i32
      %dma_wait3A_593 = tpu.memref_slice %arg7[%add3A_54, %dma_wait3A_592] : memref<458752x32xbf16, #tpu.memory_space<hbm>> -> memref<896x32xbf16, #tpu.memory_space<hbm>>
      %dma_wait3A_594 = arith.constant 0 : i32
      %dma_wait3A_595 = tpu.memref_slice %arg7[%add3A_54, %dma_wait3A_594] : memref<458752x32xbf16, #tpu.memory_space<hbm>> -> memref<896x32xbf16, #tpu.memory_space<hbm>>
      %dma_wait3A_596 = arith.constant 0 : i32
      %dma_wait3A_597 = arith.constant 0 : i32
      %dma_wait3A_598 = tpu.memref_slice %arg11[%dma_wait3A_596, %dma_wait3A_597] : memref<1792x32xbf16, #tpu.memory_space<vmem>> -> memref<896x32xbf16, #tpu.memory_space<vmem>>
      tpu.wait_dma2 semaphore(%run_scoped3A : memref<!tpu.dma_semaphore, #tpu.memory_space<semaphore_mem>>) src(%dma_wait3A_598 : memref<896x32xbf16, #tpu.memory_space<vmem>>) dst(%dma_wait3A_595 : memref<896x32xbf16, #tpu.memory_space<hbm>>)
      tpu.yield
    }) : () -> ()
    %dma_start3A_55 = arith.constant 0 : i32
    %dma_start3A_56 = arith.constant 0 : i32
    %dma_start3A_57 = tpu.memref_slice %arg10[%dma_start3A_55, %dma_start3A_56] : memref<1792x32xbf16, #tpu.memory_space<vmem>> -> memref<896x32xbf16, #tpu.memory_space<vmem>>
    %dma_start3A_58 = arith.constant 1792 : i32
    %dma_start3A_59 = tpu.memref_slice %arg8[%dma_start3A_58] : memref<14336xi32, #tpu.memory_space<vmem>> -> memref<896xi32, #tpu.memory_space<vmem>>
    %dma_start3A_60 = arith.constant 0 : i32
    %dma_start3A_61 = arith.constant 0 : i32
    %dma_start3A_62 = tpu.memref_slice %arg4[%dma_start3A_60, %dma_start3A_61] : memref<12800x32xbf16, #tpu.memory_space<hbm>> -> memref<12800x32xbf16, #tpu.memory_space<hbm>>
    tpu.enqueue_indirect_dma source(%dma_start3A_62 : memref<12800x32xbf16, #tpu.memory_space<hbm>>) target(%dma_start3A_57 : memref<896x32xbf16, #tpu.memory_space<vmem>>) offsets(%dma_start3A_59 : memref<896xi32, #tpu.memory_space<vmem>>) semaphore(%arg12 : memref<!tpu.dma_semaphore, #tpu.memory_space<semaphore_mem>>)
    %dma_start3A_63 = arith.constant 0 : i32
    %dma_start3A_64 = arith.constant 0 : i32
    %dma_start3A_65 = tpu.memref_slice %arg11[%dma_start3A_63, %dma_start3A_64] : memref<1792x32xbf16, #tpu.memory_space<vmem>> -> memref<896x32xbf16, #tpu.memory_space<vmem>>
    %dma_start3A_66 = arith.constant 1792 : i32
    %dma_start3A_67 = tpu.memref_slice %arg9[%dma_start3A_66] : memref<14336xi32, #tpu.memory_space<vmem>> -> memref<896xi32, #tpu.memory_space<vmem>>
    %dma_start3A_68 = arith.constant 0 : i32
    %dma_start3A_69 = arith.constant 0 : i32
    %dma_start3A_70 = tpu.memref_slice %arg5[%dma_start3A_68, %dma_start3A_69] : memref<51200x32xbf16, #tpu.memory_space<hbm>> -> memref<51200x32xbf16, #tpu.memory_space<hbm>>
    tpu.enqueue_indirect_dma source(%dma_start3A_70 : memref<51200x32xbf16, #tpu.memory_space<hbm>>) target(%dma_start3A_65 : memref<896x32xbf16, #tpu.memory_space<vmem>>) offsets(%dma_start3A_67 : memref<896xi32, #tpu.memory_space<vmem>>) semaphore(%arg12 : memref<!tpu.dma_semaphore, #tpu.memory_space<semaphore_mem>>)
    %dma_wait3A_71 = arith.constant 896 : i32
    %dma_wait3A_72 = arith.constant 0 : i32
    %dma_wait3A_73 = tpu.memref_slice %arg10[%dma_wait3A_71, %dma_wait3A_72] : memref<1792x32xbf16, #tpu.memory_space<vmem>> -> memref<896x32xbf16, #tpu.memory_space<vmem>>
    %dma_wait3A_74 = arith.constant 896 : i32
    %dma_wait3A_75 = tpu.memref_slice %arg8[%dma_wait3A_74] : memref<14336xi32, #tpu.memory_space<vmem>> -> memref<896xi32, #tpu.memory_space<vmem>>
    %dma_wait3A_76 = arith.constant 0 : i32
    %dma_wait3A_77 = arith.constant 0 : i32
    %dma_wait3A_78 = tpu.memref_slice %arg4[%dma_wait3A_76, %dma_wait3A_77] : memref<12800x32xbf16, #tpu.memory_space<hbm>> -> memref<12800x32xbf16, #tpu.memory_space<hbm>>
    tpu.wait_indirect_dma semaphore(%arg12 : memref<!tpu.dma_semaphore, #tpu.memory_space<semaphore_mem>>) src(%dma_wait3A_78 : memref<12800x32xbf16, #tpu.memory_space<hbm>>) dst(%dma_wait3A_73 : memref<896x32xbf16, #tpu.memory_space<vmem>>)
    %add3A_79 = arith.constant 896 : i32
    %add3A_80 = arith.addi %mul3A_4, %add3A_79 : i32
    "tpu.region"() ({
      %run_scoped3A = tpu.sem_alloc : memref<!tpu.dma_semaphore, #tpu.memory_space<semaphore_mem>>
      %dma_start3A_579 = arith.constant 896 : i32
      %dma_start3A_580 = arith.constant 0 : i32
      %dma_start3A_581 = tpu.memref_slice %arg10[%dma_start3A_579, %dma_start3A_580] : memref<1792x32xbf16, #tpu.memory_space<vmem>> -> memref<896x32xbf16, #tpu.memory_space<vmem>>
      %dma_start3A_582 = arith.constant 0 : i32
      %dma_start3A_583 = tpu.memref_slice %arg6[%add3A_80, %dma_start3A_582] : memref<458752x32xbf16, #tpu.memory_space<hbm>> -> memref<896x32xbf16, #tpu.memory_space<hbm>>
      %dma_start3A_584 = arith.constant 0 : i32
      %dma_start3A_585 = tpu.memref_slice %arg6[%add3A_80, %dma_start3A_584] : memref<458752x32xbf16, #tpu.memory_space<hbm>> -> memref<896x32xbf16, #tpu.memory_space<hbm>>
      %dma_start3A_586 = arith.constant 896 : i32
      %dma_start3A_587 = arith.constant 0 : i32
      %dma_start3A_588 = tpu.memref_slice %arg10[%dma_start3A_586, %dma_start3A_587] : memref<1792x32xbf16, #tpu.memory_space<vmem>> -> memref<896x32xbf16, #tpu.memory_space<vmem>>
      tpu.enqueue_dma source(%dma_start3A_588 : memref<896x32xbf16, #tpu.memory_space<vmem>>) target(%dma_start3A_585 : memref<896x32xbf16, #tpu.memory_space<hbm>>) target_semaphore(%run_scoped3A : memref<!tpu.dma_semaphore, #tpu.memory_space<semaphore_mem>>)
      %dma_wait3A_589 = arith.constant 896 : i32
      %dma_wait3A_590 = arith.constant 0 : i32
      %dma_wait3A_591 = tpu.memref_slice %arg10[%dma_wait3A_589, %dma_wait3A_590] : memref<1792x32xbf16, #tpu.memory_space<vmem>> -> memref<896x32xbf16, #tpu.memory_space<vmem>>
      %dma_wait3A_592 = arith.constant 0 : i32
      %dma_wait3A_593 = tpu.memref_slice %arg6[%add3A_80, %dma_wait3A_592] : memref<458752x32xbf16, #tpu.memory_space<hbm>> -> memref<896x32xbf16, #tpu.memory_space<hbm>>
      %dma_wait3A_594 = arith.constant 0 : i32
      %dma_wait3A_595 = tpu.memref_slice %arg6[%add3A_80, %dma_wait3A_594] : memref<458752x32xbf16, #tpu.memory_space<hbm>> -> memref<896x32xbf16, #tpu.memory_space<hbm>>
      %dma_wait3A_596 = arith.constant 896 : i32
      %dma_wait3A_597 = arith.constant 0 : i32
      %dma_wait3A_598 = tpu.memref_slice %arg10[%dma_wait3A_596, %dma_wait3A_597] : memref<1792x32xbf16, #tpu.memory_space<vmem>> -> memref<896x32xbf16, #tpu.memory_space<vmem>>
      tpu.wait_dma2 semaphore(%run_scoped3A : memref<!tpu.dma_semaphore, #tpu.memory_space<semaphore_mem>>) src(%dma_wait3A_598 : memref<896x32xbf16, #tpu.memory_space<vmem>>) dst(%dma_wait3A_595 : memref<896x32xbf16, #tpu.memory_space<hbm>>)
      tpu.yield
    }) : () -> ()
    %dma_wait3A_81 = arith.constant 896 : i32
    %dma_wait3A_82 = arith.constant 0 : i32
    %dma_wait3A_83 = tpu.memref_slice %arg11[%dma_wait3A_81, %dma_wait3A_82] : memref<1792x32xbf16, #tpu.memory_space<vmem>> -> memref<896x32xbf16, #tpu.memory_space<vmem>>
    %dma_wait3A_84 = arith.constant 896 : i32
    %dma_wait3A_85 = tpu.memref_slice %arg9[%dma_wait3A_84] : memref<14336xi32, #tpu.memory_space<vmem>> -> memref<896xi32, #tpu.memory_space<vmem>>
    %dma_wait3A_86 = arith.constant 0 : i32
    %dma_wait3A_87 = arith.constant 0 : i32
    %dma_wait3A_88 = tpu.memref_slice %arg5[%dma_wait3A_86, %dma_wait3A_87] : memref<51200x32xbf16, #tpu.memory_space<hbm>> -> memref<51200x32xbf16, #tpu.memory_space<hbm>>
    tpu.wait_indirect_dma semaphore(%arg12 : memref<!tpu.dma_semaphore, #tpu.memory_space<semaphore_mem>>) src(%dma_wait3A_88 : memref<51200x32xbf16, #tpu.memory_space<hbm>>) dst(%dma_wait3A_83 : memref<896x32xbf16, #tpu.memory_space<vmem>>)
    %add3A_89 = arith.constant 896 : i32
    %add3A_90 = arith.addi %mul3A_4, %add3A_89 : i32
    "tpu.region"() ({
      %run_scoped3A = tpu.sem_alloc : memref<!tpu.dma_semaphore, #tpu.memory_space<semaphore_mem>>
      %dma_start3A_579 = arith.constant 896 : i32
      %dma_start3A_580 = arith.constant 0 : i32
      %dma_start3A_581 = tpu.memref_slice %arg11[%dma_start3A_579, %dma_start3A_580] : memref<1792x32xbf16, #tpu.memory_space<vmem>> -> memref<896x32xbf16, #tpu.memory_space<vmem>>
      %dma_start3A_582 = arith.constant 0 : i32
      %dma_start3A_583 = tpu.memref_slice %arg7[%add3A_90, %dma_start3A_582] : memref<458752x32xbf16, #tpu.memory_space<hbm>> -> memref<896x32xbf16, #tpu.memory_space<hbm>>
      %dma_start3A_584 = arith.constant 0 : i32
      %dma_start3A_585 = tpu.memref_slice %arg7[%add3A_90, %dma_start3A_584] : memref<458752x32xbf16, #tpu.memory_space<hbm>> -> memref<896x32xbf16, #tpu.memory_space<hbm>>
      %dma_start3A_586 = arith.constant 896 : i32
      %dma_start3A_587 = arith.constant 0 : i32
      %dma_start3A_588 = tpu.memref_slice %arg11[%dma_start3A_586, %dma_start3A_587] : memref<1792x32xbf16, #tpu.memory_space<vmem>> -> memref<896x32xbf16, #tpu.memory_space<vmem>>
      tpu.enqueue_dma source(%dma_start3A_588 : memref<896x32xbf16, #tpu.memory_space<vmem>>) target(%dma_start3A_585 : memref<896x32xbf16, #tpu.memory_space<hbm>>) target_semaphore(%run_scoped3A : memref<!tpu.dma_semaphore, #tpu.memory_space<semaphore_mem>>)
      %dma_wait3A_589 = arith.constant 896 : i32
      %dma_wait3A_590 = arith.constant 0 : i32
      %dma_wait3A_591 = tpu.memref_slice %arg11[%dma_wait3A_589, %dma_wait3A_590] : memref<1792x32xbf16, #tpu.memory_space<vmem>> -> memref<896x32xbf16, #tpu.memory_space<vmem>>
      %dma_wait3A_592 = arith.constant 0 : i32
      %dma_wait3A_593 = tpu.memref_slice %arg7[%add3A_90, %dma_wait3A_592] : memref<458752x32xbf16, #tpu.memory_space<hbm>> -> memref<896x32xbf16, #tpu.memory_space<hbm>>
      %dma_wait3A_594 = arith.constant 0 : i32
      %dma_wait3A_595 = tpu.memref_slice %arg7[%add3A_90, %dma_wait3A_594] : memref<458752x32xbf16, #tpu.memory_space<hbm>> -> memref<896x32xbf16, #tpu.memory_space<hbm>>
      %dma_wait3A_596 = arith.constant 896 : i32
      %dma_wait3A_597 = arith.constant 0 : i32
      %dma_wait3A_598 = tpu.memref_slice %arg11[%dma_wait3A_596, %dma_wait3A_597] : memref<1792x32xbf16, #tpu.memory_space<vmem>> -> memref<896x32xbf16, #tpu.memory_space<vmem>>
      tpu.wait_dma2 semaphore(%run_scoped3A : memref<!tpu.dma_semaphore, #tpu.memory_space<semaphore_mem>>) src(%dma_wait3A_598 : memref<896x32xbf16, #tpu.memory_space<vmem>>) dst(%dma_wait3A_595 : memref<896x32xbf16, #tpu.memory_space<hbm>>)
      tpu.yield
    }) : () -> ()
    %dma_start3A_91 = arith.constant 896 : i32
    %dma_start3A_92 = arith.constant 0 : i32
    %dma_start3A_93 = tpu.memref_slice %arg10[%dma_start3A_91, %dma_start3A_92] : memref<1792x32xbf16, #tpu.memory_space<vmem>> -> memref<896x32xbf16, #tpu.memory_space<vmem>>
    %dma_start3A_94 = arith.constant 2688 : i32
    %dma_start3A_95 = tpu.memref_slice %arg8[%dma_start3A_94] : memref<14336xi32, #tpu.memory_space<vmem>> -> memref<896xi32, #tpu.memory_space<vmem>>
    %dma_start3A_96 = arith.constant 0 : i32
    %dma_start3A_97 = arith.constant 0 : i32
    %dma_start3A_98 = tpu.memref_slice %arg4[%dma_start3A_96, %dma_start3A_97] : memref<12800x32xbf16, #tpu.memory_space<hbm>> -> memref<12800x32xbf16, #tpu.memory_space<hbm>>
    tpu.enqueue_indirect_dma source(%dma_start3A_98 : memref<12800x32xbf16, #tpu.memory_space<hbm>>) target(%dma_start3A_93 : memref<896x32xbf16, #tpu.memory_space<vmem>>) offsets(%dma_start3A_95 : memref<896xi32, #tpu.memory_space<vmem>>) semaphore(%arg12 : memref<!tpu.dma_semaphore, #tpu.memory_space<semaphore_mem>>)
    %dma_start3A_99 = arith.constant 896 : i32
    %dma_start3A_100 = arith.constant 0 : i32
    %dma_start3A_101 = tpu.memref_slice %arg11[%dma_start3A_99, %dma_start3A_100] : memref<1792x32xbf16, #tpu.memory_space<vmem>> -> memref<896x32xbf16, #tpu.memory_space<vmem>>
    %dma_start3A_102 = arith.constant 2688 : i32
    %dma_start3A_103 = tpu.memref_slice %arg9[%dma_start3A_102] : memref<14336xi32, #tpu.memory_space<vmem>> -> memref<896xi32, #tpu.memory_space<vmem>>
    %dma_start3A_104 = arith.constant 0 : i32
    %dma_start3A_105 = arith.constant 0 : i32
    %dma_start3A_106 = tpu.memref_slice %arg5[%dma_start3A_104, %dma_start3A_105] : memref<51200x32xbf16, #tpu.memory_space<hbm>> -> memref<51200x32xbf16, #tpu.memory_space<hbm>>
    tpu.enqueue_indirect_dma source(%dma_start3A_106 : memref<51200x32xbf16, #tpu.memory_space<hbm>>) target(%dma_start3A_101 : memref<896x32xbf16, #tpu.memory_space<vmem>>) offsets(%dma_start3A_103 : memref<896xi32, #tpu.memory_space<vmem>>) semaphore(%arg12 : memref<!tpu.dma_semaphore, #tpu.memory_space<semaphore_mem>>)
    %dma_wait3A_107 = arith.constant 0 : i32
    %dma_wait3A_108 = arith.constant 0 : i32
    %dma_wait3A_109 = tpu.memref_slice %arg10[%dma_wait3A_107, %dma_wait3A_108] : memref<1792x32xbf16, #tpu.memory_space<vmem>> -> memref<896x32xbf16, #tpu.memory_space<vmem>>
    %dma_wait3A_110 = arith.constant 1792 : i32
    %dma_wait3A_111 = tpu.memref_slice %arg8[%dma_wait3A_110] : memref<14336xi32, #tpu.memory_space<vmem>> -> memref<896xi32, #tpu.memory_space<vmem>>
    %dma_wait3A_112 = arith.constant 0 : i32
    %dma_wait3A_113 = arith.constant 0 : i32
    %dma_wait3A_114 = tpu.memref_slice %arg4[%dma_wait3A_112, %dma_wait3A_113] : memref<12800x32xbf16, #tpu.memory_space<hbm>> -> memref<12800x32xbf16, #tpu.memory_space<hbm>>
    tpu.wait_indirect_dma semaphore(%arg12 : memref<!tpu.dma_semaphore, #tpu.memory_space<semaphore_mem>>) src(%dma_wait3A_114 : memref<12800x32xbf16, #tpu.memory_space<hbm>>) dst(%dma_wait3A_109 : memref<896x32xbf16, #tpu.memory_space<vmem>>)
    %add3A_115 = arith.constant 1792 : i32
    %add3A_116 = arith.addi %mul3A_4, %add3A_115 : i32
    "tpu.region"() ({
      %run_scoped3A = tpu.sem_alloc : memref<!tpu.dma_semaphore, #tpu.memory_space<semaphore_mem>>
      %dma_start3A_579 = arith.constant 0 : i32
      %dma_start3A_580 = arith.constant 0 : i32
      %dma_start3A_581 = tpu.memref_slice %arg10[%dma_start3A_579, %dma_start3A_580] : memref<1792x32xbf16, #tpu.memory_space<vmem>> -> memref<896x32xbf16, #tpu.memory_space<vmem>>
      %dma_start3A_582 = arith.constant 0 : i32
      %dma_start3A_583 = tpu.memref_slice %arg6[%add3A_116, %dma_start3A_582] : memref<458752x32xbf16, #tpu.memory_space<hbm>> -> memref<896x32xbf16, #tpu.memory_space<hbm>>
      %dma_start3A_584 = arith.constant 0 : i32
      %dma_start3A_585 = tpu.memref_slice %arg6[%add3A_116, %dma_start3A_584] : memref<458752x32xbf16, #tpu.memory_space<hbm>> -> memref<896x32xbf16, #tpu.memory_space<hbm>>
      %dma_start3A_586 = arith.constant 0 : i32
      %dma_start3A_587 = arith.constant 0 : i32
      %dma_start3A_588 = tpu.memref_slice %arg10[%dma_start3A_586, %dma_start3A_587] : memref<1792x32xbf16, #tpu.memory_space<vmem>> -> memref<896x32xbf16, #tpu.memory_space<vmem>>
      tpu.enqueue_dma source(%dma_start3A_588 : memref<896x32xbf16, #tpu.memory_space<vmem>>) target(%dma_start3A_585 : memref<896x32xbf16, #tpu.memory_space<hbm>>) target_semaphore(%run_scoped3A : memref<!tpu.dma_semaphore, #tpu.memory_space<semaphore_mem>>)
      %dma_wait3A_589 = arith.constant 0 : i32
      %dma_wait3A_590 = arith.constant 0 : i32
      %dma_wait3A_591 = tpu.memref_slice %arg10[%dma_wait3A_589, %dma_wait3A_590] : memref<1792x32xbf16, #tpu.memory_space<vmem>> -> memref<896x32xbf16, #tpu.memory_space<vmem>>
      %dma_wait3A_592 = arith.constant 0 : i32
      %dma_wait3A_593 = tpu.memref_slice %arg6[%add3A_116, %dma_wait3A_592] : memref<458752x32xbf16, #tpu.memory_space<hbm>> -> memref<896x32xbf16, #tpu.memory_space<hbm>>
      %dma_wait3A_594 = arith.constant 0 : i32
      %dma_wait3A_595 = tpu.memref_slice %arg6[%add3A_116, %dma_wait3A_594] : memref<458752x32xbf16, #tpu.memory_space<hbm>> -> memref<896x32xbf16, #tpu.memory_space<hbm>>
      %dma_wait3A_596 = arith.constant 0 : i32
      %dma_wait3A_597 = arith.constant 0 : i32
      %dma_wait3A_598 = tpu.memref_slice %arg10[%dma_wait3A_596, %dma_wait3A_597] : memref<1792x32xbf16, #tpu.memory_space<vmem>> -> memref<896x32xbf16, #tpu.memory_space<vmem>>
      tpu.wait_dma2 semaphore(%run_scoped3A : memref<!tpu.dma_semaphore, #tpu.memory_space<semaphore_mem>>) src(%dma_wait3A_598 : memref<896x32xbf16, #tpu.memory_space<vmem>>) dst(%dma_wait3A_595 : memref<896x32xbf16, #tpu.memory_space<hbm>>)
      tpu.yield
    }) : () -> ()
    %dma_wait3A_117 = arith.constant 0 : i32
    %dma_wait3A_118 = arith.constant 0 : i32
    %dma_wait3A_119 = tpu.memref_slice %arg11[%dma_wait3A_117, %dma_wait3A_118] : memref<1792x32xbf16, #tpu.memory_space<vmem>> -> memref<896x32xbf16, #tpu.memory_space<vmem>>
    %dma_wait3A_120 = arith.constant 1792 : i32
    %dma_wait3A_121 = tpu.memref_slice %arg9[%dma_wait3A_120] : memref<14336xi32, #tpu.memory_space<vmem>> -> memref<896xi32, #tpu.memory_space<vmem>>
    %dma_wait3A_122 = arith.constant 0 : i32
    %dma_wait3A_123 = arith.constant 0 : i32
    %dma_wait3A_124 = tpu.memref_slice %arg5[%dma_wait3A_122, %dma_wait3A_123] : memref<51200x32xbf16, #tpu.memory_space<hbm>> -> memref<51200x32xbf16, #tpu.memory_space<hbm>>
    tpu.wait_indirect_dma semaphore(%arg12 : memref<!tpu.dma_semaphore, #tpu.memory_space<semaphore_mem>>) src(%dma_wait3A_124 : memref<51200x32xbf16, #tpu.memory_space<hbm>>) dst(%dma_wait3A_119 : memref<896x32xbf16, #tpu.memory_space<vmem>>)
    %add3A_125 = arith.constant 1792 : i32
    %add3A_126 = arith.addi %mul3A_4, %add3A_125 : i32
    "tpu.region"() ({
      %run_scoped3A = tpu.sem_alloc : memref<!tpu.dma_semaphore, #tpu.memory_space<semaphore_mem>>
      %dma_start3A_579 = arith.constant 0 : i32
      %dma_start3A_580 = arith.constant 0 : i32
      %dma_start3A_581 = tpu.memref_slice %arg11[%dma_start3A_579, %dma_start3A_580] : memref<1792x32xbf16, #tpu.memory_space<vmem>> -> memref<896x32xbf16, #tpu.memory_space<vmem>>
      %dma_start3A_582 = arith.constant 0 : i32
      %dma_start3A_583 = tpu.memref_slice %arg7[%add3A_126, %dma_start3A_582] : memref<458752x32xbf16, #tpu.memory_space<hbm>> -> memref<896x32xbf16, #tpu.memory_space<hbm>>
      %dma_start3A_584 = arith.constant 0 : i32
      %dma_start3A_585 = tpu.memref_slice %arg7[%add3A_126, %dma_start3A_584] : memref<458752x32xbf16, #tpu.memory_space<hbm>> -> memref<896x32xbf16, #tpu.memory_space<hbm>>
      %dma_start3A_586 = arith.constant 0 : i32
      %dma_start3A_587 = arith.constant 0 : i32
      %dma_start3A_588 = tpu.memref_slice %arg11[%dma_start3A_586, %dma_start3A_587] : memref<1792x32xbf16, #tpu.memory_space<vmem>> -> memref<896x32xbf16, #tpu.memory_space<vmem>>
      tpu.enqueue_dma source(%dma_start3A_588 : memref<896x32xbf16, #tpu.memory_space<vmem>>) target(%dma_start3A_585 : memref<896x32xbf16, #tpu.memory_space<hbm>>) target_semaphore(%run_scoped3A : memref<!tpu.dma_semaphore, #tpu.memory_space<semaphore_mem>>)
      %dma_wait3A_589 = arith.constant 0 : i32
      %dma_wait3A_590 = arith.constant 0 : i32
      %dma_wait3A_591 = tpu.memref_slice %arg11[%dma_wait3A_589, %dma_wait3A_590] : memref<1792x32xbf16, #tpu.memory_space<vmem>> -> memref<896x32xbf16, #tpu.memory_space<vmem>>
      %dma_wait3A_592 = arith.constant 0 : i32
      %dma_wait3A_593 = tpu.memref_slice %arg7[%add3A_126, %dma_wait3A_592] : memref<458752x32xbf16, #tpu.memory_space<hbm>> -> memref<896x32xbf16, #tpu.memory_space<hbm>>
      %dma_wait3A_594 = arith.constant 0 : i32
      %dma_wait3A_595 = tpu.memref_slice %arg7[%add3A_126, %dma_wait3A_594] : memref<458752x32xbf16, #tpu.memory_space<hbm>> -> memref<896x32xbf16, #tpu.memory_space<hbm>>
      %dma_wait3A_596 = arith.constant 0 : i32
      %dma_wait3A_597 = arith.constant 0 : i32
      %dma_wait3A_598 = tpu.memref_slice %arg11[%dma_wait3A_596, %dma_wait3A_597] : memref<1792x32xbf16, #tpu.memory_space<vmem>> -> memref<896x32xbf16, #tpu.memory_space<vmem>>
      tpu.wait_dma2 semaphore(%run_scoped3A : memref<!tpu.dma_semaphore, #tpu.memory_space<semaphore_mem>>) src(%dma_wait3A_598 : memref<896x32xbf16, #tpu.memory_space<vmem>>) dst(%dma_wait3A_595 : memref<896x32xbf16, #tpu.memory_space<hbm>>)
      tpu.yield
    }) : () -> ()
    %dma_start3A_127 = arith.constant 0 : i32
    %dma_start3A_128 = arith.constant 0 : i32
    %dma_start3A_129 = tpu.memref_slice %arg10[%dma_start3A_127, %dma_start3A_128] : memref<1792x32xbf16, #tpu.memory_space<vmem>> -> memref<896x32xbf16, #tpu.memory_space<vmem>>
    %dma_start3A_130 = arith.constant 3584 : i32
    %dma_start3A_131 = tpu.memref_slice %arg8[%dma_start3A_130] : memref<14336xi32, #tpu.memory_space<vmem>> -> memref<896xi32, #tpu.memory_space<vmem>>
    %dma_start3A_132 = arith.constant 0 : i32
    %dma_start3A_133 = arith.constant 0 : i32
    %dma_start3A_134 = tpu.memref_slice %arg4[%dma_start3A_132, %dma_start3A_133] : memref<12800x32xbf16, #tpu.memory_space<hbm>> -> memref<12800x32xbf16, #tpu.memory_space<hbm>>
    tpu.enqueue_indirect_dma source(%dma_start3A_134 : memref<12800x32xbf16, #tpu.memory_space<hbm>>) target(%dma_start3A_129 : memref<896x32xbf16, #tpu.memory_space<vmem>>) offsets(%dma_start3A_131 : memref<896xi32, #tpu.memory_space<vmem>>) semaphore(%arg12 : memref<!tpu.dma_semaphore, #tpu.memory_space<semaphore_mem>>)
    %dma_start3A_135 = arith.constant 0 : i32
    %dma_start3A_136 = arith.constant 0 : i32
    %dma_start3A_137 = tpu.memref_slice %arg11[%dma_start3A_135, %dma_start3A_136] : memref<1792x32xbf16, #tpu.memory_space<vmem>> -> memref<896x32xbf16, #tpu.memory_space<vmem>>
    %dma_start3A_138 = arith.constant 3584 : i32
    %dma_start3A_139 = tpu.memref_slice %arg9[%dma_start3A_138] : memref<14336xi32, #tpu.memory_space<vmem>> -> memref<896xi32, #tpu.memory_space<vmem>>
    %dma_start3A_140 = arith.constant 0 : i32
    %dma_start3A_141 = arith.constant 0 : i32
    %dma_start3A_142 = tpu.memref_slice %arg5[%dma_start3A_140, %dma_start3A_141] : memref<51200x32xbf16, #tpu.memory_space<hbm>> -> memref<51200x32xbf16, #tpu.memory_space<hbm>>
    tpu.enqueue_indirect_dma source(%dma_start3A_142 : memref<51200x32xbf16, #tpu.memory_space<hbm>>) target(%dma_start3A_137 : memref<896x32xbf16, #tpu.memory_space<vmem>>) offsets(%dma_start3A_139 : memref<896xi32, #tpu.memory_space<vmem>>) semaphore(%arg12 : memref<!tpu.dma_semaphore, #tpu.memory_space<semaphore_mem>>)
    %dma_wait3A_143 = arith.constant 896 : i32
    %dma_wait3A_144 = arith.constant 0 : i32
    %dma_wait3A_145 = tpu.memref_slice %arg10[%dma_wait3A_143, %dma_wait3A_144] : memref<1792x32xbf16, #tpu.memory_space<vmem>> -> memref<896x32xbf16, #tpu.memory_space<vmem>>
    %dma_wait3A_146 = arith.constant 2688 : i32
    %dma_wait3A_147 = tpu.memref_slice %arg8[%dma_wait3A_146] : memref<14336xi32, #tpu.memory_space<vmem>> -> memref<896xi32, #tpu.memory_space<vmem>>
    %dma_wait3A_148 = arith.constant 0 : i32
    %dma_wait3A_149 = arith.constant 0 : i32
    %dma_wait3A_150 = tpu.memref_slice %arg4[%dma_wait3A_148, %dma_wait3A_149] : memref<12800x32xbf16, #tpu.memory_space<hbm>> -> memref<12800x32xbf16, #tpu.memory_space<hbm>>
    tpu.wait_indirect_dma semaphore(%arg12 : memref<!tpu.dma_semaphore, #tpu.memory_space<semaphore_mem>>) src(%dma_wait3A_150 : memref<12800x32xbf16, #tpu.memory_space<hbm>>) dst(%dma_wait3A_145 : memref<896x32xbf16, #tpu.memory_space<vmem>>)
    %add3A_151 = arith.constant 2688 : i32
    %add3A_152 = arith.addi %mul3A_4, %add3A_151 : i32
    "tpu.region"() ({
      %run_scoped3A = tpu.sem_alloc : memref<!tpu.dma_semaphore, #tpu.memory_space<semaphore_mem>>
      %dma_start3A_579 = arith.constant 896 : i32
      %dma_start3A_580 = arith.constant 0 : i32
      %dma_start3A_581 = tpu.memref_slice %arg10[%dma_start3A_579, %dma_start3A_580] : memref<1792x32xbf16, #tpu.memory_space<vmem>> -> memref<896x32xbf16, #tpu.memory_space<vmem>>
      %dma_start3A_582 = arith.constant 0 : i32
      %dma_start3A_583 = tpu.memref_slice %arg6[%add3A_152, %dma_start3A_582] : memref<458752x32xbf16, #tpu.memory_space<hbm>> -> memref<896x32xbf16, #tpu.memory_space<hbm>>
      %dma_start3A_584 = arith.constant 0 : i32
      %dma_start3A_585 = tpu.memref_slice %arg6[%add3A_152, %dma_start3A_584] : memref<458752x32xbf16, #tpu.memory_space<hbm>> -> memref<896x32xbf16, #tpu.memory_space<hbm>>
      %dma_start3A_586 = arith.constant 896 : i32
      %dma_start3A_587 = arith.constant 0 : i32
      %dma_start3A_588 = tpu.memref_slice %arg10[%dma_start3A_586, %dma_start3A_587] : memref<1792x32xbf16, #tpu.memory_space<vmem>> -> memref<896x32xbf16, #tpu.memory_space<vmem>>
      tpu.enqueue_dma source(%dma_start3A_588 : memref<896x32xbf16, #tpu.memory_space<vmem>>) target(%dma_start3A_585 : memref<896x32xbf16, #tpu.memory_space<hbm>>) target_semaphore(%run_scoped3A : memref<!tpu.dma_semaphore, #tpu.memory_space<semaphore_mem>>)
      %dma_wait3A_589 = arith.constant 896 : i32
      %dma_wait3A_590 = arith.constant 0 : i32
      %dma_wait3A_591 = tpu.memref_slice %arg10[%dma_wait3A_589, %dma_wait3A_590] : memref<1792x32xbf16, #tpu.memory_space<vmem>> -> memref<896x32xbf16, #tpu.memory_space<vmem>>
      %dma_wait3A_592 = arith.constant 0 : i32
      %dma_wait3A_593 = tpu.memref_slice %arg6[%add3A_152, %dma_wait3A_592] : memref<458752x32xbf16, #tpu.memory_space<hbm>> -> memref<896x32xbf16, #tpu.memory_space<hbm>>
      %dma_wait3A_594 = arith.constant 0 : i32
      %dma_wait3A_595 = tpu.memref_slice %arg6[%add3A_152, %dma_wait3A_594] : memref<458752x32xbf16, #tpu.memory_space<hbm>> -> memref<896x32xbf16, #tpu.memory_space<hbm>>
      %dma_wait3A_596 = arith.constant 896 : i32
      %dma_wait3A_597 = arith.constant 0 : i32
      %dma_wait3A_598 = tpu.memref_slice %arg10[%dma_wait3A_596, %dma_wait3A_597] : memref<1792x32xbf16, #tpu.memory_space<vmem>> -> memref<896x32xbf16, #tpu.memory_space<vmem>>
      tpu.wait_dma2 semaphore(%run_scoped3A : memref<!tpu.dma_semaphore, #tpu.memory_space<semaphore_mem>>) src(%dma_wait3A_598 : memref<896x32xbf16, #tpu.memory_space<vmem>>) dst(%dma_wait3A_595 : memref<896x32xbf16, #tpu.memory_space<hbm>>)
      tpu.yield
    }) : () -> ()
    %dma_wait3A_153 = arith.constant 896 : i32
    %dma_wait3A_154 = arith.constant 0 : i32
    %dma_wait3A_155 = tpu.memref_slice %arg11[%dma_wait3A_153, %dma_wait3A_154] : memref<1792x32xbf16, #tpu.memory_space<vmem>> -> memref<896x32xbf16, #tpu.memory_space<vmem>>
    %dma_wait3A_156 = arith.constant 2688 : i32
    %dma_wait3A_157 = tpu.memref_slice %arg9[%dma_wait3A_156] : memref<14336xi32, #tpu.memory_space<vmem>> -> memref<896xi32, #tpu.memory_space<vmem>>
    %dma_wait3A_158 = arith.constant 0 : i32
    %dma_wait3A_159 = arith.constant 0 : i32
    %dma_wait3A_160 = tpu.memref_slice %arg5[%dma_wait3A_158, %dma_wait3A_159] : memref<51200x32xbf16, #tpu.memory_space<hbm>> -> memref<51200x32xbf16, #tpu.memory_space<hbm>>
    tpu.wait_indirect_dma semaphore(%arg12 : memref<!tpu.dma_semaphore, #tpu.memory_space<semaphore_mem>>) src(%dma_wait3A_160 : memref<51200x32xbf16, #tpu.memory_space<hbm>>) dst(%dma_wait3A_155 : memref<896x32xbf16, #tpu.memory_space<vmem>>)
    %add3A_161 = arith.constant 2688 : i32
    %add3A_162 = arith.addi %mul3A_4, %add3A_161 : i32
    "tpu.region"() ({
      %run_scoped3A = tpu.sem_alloc : memref<!tpu.dma_semaphore, #tpu.memory_space<semaphore_mem>>
      %dma_start3A_579 = arith.constant 896 : i32
      %dma_start3A_580 = arith.constant 0 : i32
      %dma_start3A_581 = tpu.memref_slice %arg11[%dma_start3A_579, %dma_start3A_580] : memref<1792x32xbf16, #tpu.memory_space<vmem>> -> memref<896x32xbf16, #tpu.memory_space<vmem>>
      %dma_start3A_582 = arith.constant 0 : i32
      %dma_start3A_583 = tpu.memref_slice %arg7[%add3A_162, %dma_start3A_582] : memref<458752x32xbf16, #tpu.memory_space<hbm>> -> memref<896x32xbf16, #tpu.memory_space<hbm>>
      %dma_start3A_584 = arith.constant 0 : i32
      %dma_start3A_585 = tpu.memref_slice %arg7[%add3A_162, %dma_start3A_584] : memref<458752x32xbf16, #tpu.memory_space<hbm>> -> memref<896x32xbf16, #tpu.memory_space<hbm>>
      %dma_start3A_586 = arith.constant 896 : i32
      %dma_start3A_587 = arith.constant 0 : i32
      %dma_start3A_588 = tpu.memref_slice %arg11[%dma_start3A_586, %dma_start3A_587] : memref<1792x32xbf16, #tpu.memory_space<vmem>> -> memref<896x32xbf16, #tpu.memory_space<vmem>>
      tpu.enqueue_dma source(%dma_start3A_588 : memref<896x32xbf16, #tpu.memory_space<vmem>>) target(%dma_start3A_585 : memref<896x32xbf16, #tpu.memory_space<hbm>>) target_semaphore(%run_scoped3A : memref<!tpu.dma_semaphore, #tpu.memory_space<semaphore_mem>>)
      %dma_wait3A_589 = arith.constant 896 : i32
      %dma_wait3A_590 = arith.constant 0 : i32
      %dma_wait3A_591 = tpu.memref_slice %arg11[%dma_wait3A_589, %dma_wait3A_590] : memref<1792x32xbf16, #tpu.memory_space<vmem>> -> memref<896x32xbf16, #tpu.memory_space<vmem>>
      %dma_wait3A_592 = arith.constant 0 : i32
      %dma_wait3A_593 = tpu.memref_slice %arg7[%add3A_162, %dma_wait3A_592] : memref<458752x32xbf16, #tpu.memory_space<hbm>> -> memref<896x32xbf16, #tpu.memory_space<hbm>>
      %dma_wait3A_594 = arith.constant 0 : i32
      %dma_wait3A_595 = tpu.memref_slice %arg7[%add3A_162, %dma_wait3A_594] : memref<458752x32xbf16, #tpu.memory_space<hbm>> -> memref<896x32xbf16, #tpu.memory_space<hbm>>
      %dma_wait3A_596 = arith.constant 896 : i32
      %dma_wait3A_597 = arith.constant 0 : i32
      %dma_wait3A_598 = tpu.memref_slice %arg11[%dma_wait3A_596, %dma_wait3A_597] : memref<1792x32xbf16, #tpu.memory_space<vmem>> -> memref<896x32xbf16, #tpu.memory_space<vmem>>
      tpu.wait_dma2 semaphore(%run_scoped3A : memref<!tpu.dma_semaphore, #tpu.memory_space<semaphore_mem>>) src(%dma_wait3A_598 : memref<896x32xbf16, #tpu.memory_space<vmem>>) dst(%dma_wait3A_595 : memref<896x32xbf16, #tpu.memory_space<hbm>>)
      tpu.yield
    }) : () -> ()
    %dma_start3A_163 = arith.constant 896 : i32
    %dma_start3A_164 = arith.constant 0 : i32
    %dma_start3A_165 = tpu.memref_slice %arg10[%dma_start3A_163, %dma_start3A_164] : memref<1792x32xbf16, #tpu.memory_space<vmem>> -> memref<896x32xbf16, #tpu.memory_space<vmem>>
    %dma_start3A_166 = arith.constant 4480 : i32
    %dma_start3A_167 = tpu.memref_slice %arg8[%dma_start3A_166] : memref<14336xi32, #tpu.memory_space<vmem>> -> memref<896xi32, #tpu.memory_space<vmem>>
    %dma_start3A_168 = arith.constant 0 : i32
    %dma_start3A_169 = arith.constant 0 : i32
    %dma_start3A_170 = tpu.memref_slice %arg4[%dma_start3A_168, %dma_start3A_169] : memref<12800x32xbf16, #tpu.memory_space<hbm>> -> memref<12800x32xbf16, #tpu.memory_space<hbm>>
    tpu.enqueue_indirect_dma source(%dma_start3A_170 : memref<12800x32xbf16, #tpu.memory_space<hbm>>) target(%dma_start3A_165 : memref<896x32xbf16, #tpu.memory_space<vmem>>) offsets(%dma_start3A_167 : memref<896xi32, #tpu.memory_space<vmem>>) semaphore(%arg12 : memref<!tpu.dma_semaphore, #tpu.memory_space<semaphore_mem>>)
    %dma_start3A_171 = arith.constant 896 : i32
    %dma_start3A_172 = arith.constant 0 : i32
    %dma_start3A_173 = tpu.memref_slice %arg11[%dma_start3A_171, %dma_start3A_172] : memref<1792x32xbf16, #tpu.memory_space<vmem>> -> memref<896x32xbf16, #tpu.memory_space<vmem>>
    %dma_start3A_174 = arith.constant 4480 : i32
    %dma_start3A_175 = tpu.memref_slice %arg9[%dma_start3A_174] : memref<14336xi32, #tpu.memory_space<vmem>> -> memref<896xi32, #tpu.memory_space<vmem>>
    %dma_start3A_176 = arith.constant 0 : i32
    %dma_start3A_177 = arith.constant 0 : i32
    %dma_start3A_178 = tpu.memref_slice %arg5[%dma_start3A_176, %dma_start3A_177] : memref<51200x32xbf16, #tpu.memory_space<hbm>> -> memref<51200x32xbf16, #tpu.memory_space<hbm>>
    tpu.enqueue_indirect_dma source(%dma_start3A_178 : memref<51200x32xbf16, #tpu.memory_space<hbm>>) target(%dma_start3A_173 : memref<896x32xbf16, #tpu.memory_space<vmem>>) offsets(%dma_start3A_175 : memref<896xi32, #tpu.memory_space<vmem>>) semaphore(%arg12 : memref<!tpu.dma_semaphore, #tpu.memory_space<semaphore_mem>>)
    %dma_wait3A_179 = arith.constant 0 : i32
    %dma_wait3A_180 = arith.constant 0 : i32
    %dma_wait3A_181 = tpu.memref_slice %arg10[%dma_wait3A_179, %dma_wait3A_180] : memref<1792x32xbf16, #tpu.memory_space<vmem>> -> memref<896x32xbf16, #tpu.memory_space<vmem>>
    %dma_wait3A_182 = arith.constant 3584 : i32
    %dma_wait3A_183 = tpu.memref_slice %arg8[%dma_wait3A_182] : memref<14336xi32, #tpu.memory_space<vmem>> -> memref<896xi32, #tpu.memory_space<vmem>>
    %dma_wait3A_184 = arith.constant 0 : i32
    %dma_wait3A_185 = arith.constant 0 : i32
    %dma_wait3A_186 = tpu.memref_slice %arg4[%dma_wait3A_184, %dma_wait3A_185] : memref<12800x32xbf16, #tpu.memory_space<hbm>> -> memref<12800x32xbf16, #tpu.memory_space<hbm>>
    tpu.wait_indirect_dma semaphore(%arg12 : memref<!tpu.dma_semaphore, #tpu.memory_space<semaphore_mem>>) src(%dma_wait3A_186 : memref<12800x32xbf16, #tpu.memory_space<hbm>>) dst(%dma_wait3A_181 : memref<896x32xbf16, #tpu.memory_space<vmem>>)
    %add3A_187 = arith.constant 3584 : i32
    %add3A_188 = arith.addi %mul3A_4, %add3A_187 : i32
    "tpu.region"() ({
      %run_scoped3A = tpu.sem_alloc : memref<!tpu.dma_semaphore, #tpu.memory_space<semaphore_mem>>
      %dma_start3A_579 = arith.constant 0 : i32
      %dma_start3A_580 = arith.constant 0 : i32
      %dma_start3A_581 = tpu.memref_slice %arg10[%dma_start3A_579, %dma_start3A_580] : memref<1792x32xbf16, #tpu.memory_space<vmem>> -> memref<896x32xbf16, #tpu.memory_space<vmem>>
      %dma_start3A_582 = arith.constant 0 : i32
      %dma_start3A_583 = tpu.memref_slice %arg6[%add3A_188, %dma_start3A_582] : memref<458752x32xbf16, #tpu.memory_space<hbm>> -> memref<896x32xbf16, #tpu.memory_space<hbm>>
      %dma_start3A_584 = arith.constant 0 : i32
      %dma_start3A_585 = tpu.memref_slice %arg6[%add3A_188, %dma_start3A_584] : memref<458752x32xbf16, #tpu.memory_space<hbm>> -> memref<896x32xbf16, #tpu.memory_space<hbm>>
      %dma_start3A_586 = arith.constant 0 : i32
      %dma_start3A_587 = arith.constant 0 : i32
      %dma_start3A_588 = tpu.memref_slice %arg10[%dma_start3A_586, %dma_start3A_587] : memref<1792x32xbf16, #tpu.memory_space<vmem>> -> memref<896x32xbf16, #tpu.memory_space<vmem>>
      tpu.enqueue_dma source(%dma_start3A_588 : memref<896x32xbf16, #tpu.memory_space<vmem>>) target(%dma_start3A_585 : memref<896x32xbf16, #tpu.memory_space<hbm>>) target_semaphore(%run_scoped3A : memref<!tpu.dma_semaphore, #tpu.memory_space<semaphore_mem>>)
      %dma_wait3A_589 = arith.constant 0 : i32
      %dma_wait3A_590 = arith.constant 0 : i32
      %dma_wait3A_591 = tpu.memref_slice %arg10[%dma_wait3A_589, %dma_wait3A_590] : memref<1792x32xbf16, #tpu.memory_space<vmem>> -> memref<896x32xbf16, #tpu.memory_space<vmem>>
      %dma_wait3A_592 = arith.constant 0 : i32
      %dma_wait3A_593 = tpu.memref_slice %arg6[%add3A_188, %dma_wait3A_592] : memref<458752x32xbf16, #tpu.memory_space<hbm>> -> memref<896x32xbf16, #tpu.memory_space<hbm>>
      %dma_wait3A_594 = arith.constant 0 : i32
      %dma_wait3A_595 = tpu.memref_slice %arg6[%add3A_188, %dma_wait3A_594] : memref<458752x32xbf16, #tpu.memory_space<hbm>> -> memref<896x32xbf16, #tpu.memory_space<hbm>>
      %dma_wait3A_596 = arith.constant 0 : i32
      %dma_wait3A_597 = arith.constant 0 : i32
      %dma_wait3A_598 = tpu.memref_slice %arg10[%dma_wait3A_596, %dma_wait3A_597] : memref<1792x32xbf16, #tpu.memory_space<vmem>> -> memref<896x32xbf16, #tpu.memory_space<vmem>>
      tpu.wait_dma2 semaphore(%run_scoped3A : memref<!tpu.dma_semaphore, #tpu.memory_space<semaphore_mem>>) src(%dma_wait3A_598 : memref<896x32xbf16, #tpu.memory_space<vmem>>) dst(%dma_wait3A_595 : memref<896x32xbf16, #tpu.memory_space<hbm>>)
      tpu.yield
    }) : () -> ()
    %dma_wait3A_189 = arith.constant 0 : i32
    %dma_wait3A_190 = arith.constant 0 : i32
    %dma_wait3A_191 = tpu.memref_slice %arg11[%dma_wait3A_189, %dma_wait3A_190] : memref<1792x32xbf16, #tpu.memory_space<vmem>> -> memref<896x32xbf16, #tpu.memory_space<vmem>>
    %dma_wait3A_192 = arith.constant 3584 : i32
    %dma_wait3A_193 = tpu.memref_slice %arg9[%dma_wait3A_192] : memref<14336xi32, #tpu.memory_space<vmem>> -> memref<896xi32, #tpu.memory_space<vmem>>
    %dma_wait3A_194 = arith.constant 0 : i32
    %dma_wait3A_195 = arith.constant 0 : i32
    %dma_wait3A_196 = tpu.memref_slice %arg5[%dma_wait3A_194, %dma_wait3A_195] : memref<51200x32xbf16, #tpu.memory_space<hbm>> -> memref<51200x32xbf16, #tpu.memory_space<hbm>>
    tpu.wait_indirect_dma semaphore(%arg12 : memref<!tpu.dma_semaphore, #tpu.memory_space<semaphore_mem>>) src(%dma_wait3A_196 : memref<51200x32xbf16, #tpu.memory_space<hbm>>) dst(%dma_wait3A_191 : memref<896x32xbf16, #tpu.memory_space<vmem>>)
    %add3A_197 = arith.constant 3584 : i32
    %add3A_198 = arith.addi %mul3A_4, %add3A_197 : i32
    "tpu.region"() ({
      %run_scoped3A = tpu.sem_alloc : memref<!tpu.dma_semaphore, #tpu.memory_space<semaphore_mem>>
      %dma_start3A_579 = arith.constant 0 : i32
      %dma_start3A_580 = arith.constant 0 : i32
      %dma_start3A_581 = tpu.memref_slice %arg11[%dma_start3A_579, %dma_start3A_580] : memref<1792x32xbf16, #tpu.memory_space<vmem>> -> memref<896x32xbf16, #tpu.memory_space<vmem>>
      %dma_start3A_582 = arith.constant 0 : i32
      %dma_start3A_583 = tpu.memref_slice %arg7[%add3A_198, %dma_start3A_582] : memref<458752x32xbf16, #tpu.memory_space<hbm>> -> memref<896x32xbf16, #tpu.memory_space<hbm>>
      %dma_start3A_584 = arith.constant 0 : i32
      %dma_start3A_585 = tpu.memref_slice %arg7[%add3A_198, %dma_start3A_584] : memref<458752x32xbf16, #tpu.memory_space<hbm>> -> memref<896x32xbf16, #tpu.memory_space<hbm>>
      %dma_start3A_586 = arith.constant 0 : i32
      %dma_start3A_587 = arith.constant 0 : i32
      %dma_start3A_588 = tpu.memref_slice %arg11[%dma_start3A_586, %dma_start3A_587] : memref<1792x32xbf16, #tpu.memory_space<vmem>> -> memref<896x32xbf16, #tpu.memory_space<vmem>>
      tpu.enqueue_dma source(%dma_start3A_588 : memref<896x32xbf16, #tpu.memory_space<vmem>>) target(%dma_start3A_585 : memref<896x32xbf16, #tpu.memory_space<hbm>>) target_semaphore(%run_scoped3A : memref<!tpu.dma_semaphore, #tpu.memory_space<semaphore_mem>>)
      %dma_wait3A_589 = arith.constant 0 : i32
      %dma_wait3A_590 = arith.constant 0 : i32
      %dma_wait3A_591 = tpu.memref_slice %arg11[%dma_wait3A_589, %dma_wait3A_590] : memref<1792x32xbf16, #tpu.memory_space<vmem>> -> memref<896x32xbf16, #tpu.memory_space<vmem>>
      %dma_wait3A_592 = arith.constant 0 : i32
      %dma_wait3A_593 = tpu.memref_slice %arg7[%add3A_198, %dma_wait3A_592] : memref<458752x32xbf16, #tpu.memory_space<hbm>> -> memref<896x32xbf16, #tpu.memory_space<hbm>>
      %dma_wait3A_594 = arith.constant 0 : i32
      %dma_wait3A_595 = tpu.memref_slice %arg7[%add3A_198, %dma_wait3A_594] : memref<458752x32xbf16, #tpu.memory_space<hbm>> -> memref<896x32xbf16, #tpu.memory_space<hbm>>
      %dma_wait3A_596 = arith.constant 0 : i32
      %dma_wait3A_597 = arith.constant 0 : i32
      %dma_wait3A_598 = tpu.memref_slice %arg11[%dma_wait3A_596, %dma_wait3A_597] : memref<1792x32xbf16, #tpu.memory_space<vmem>> -> memref<896x32xbf16, #tpu.memory_space<vmem>>
      tpu.wait_dma2 semaphore(%run_scoped3A : memref<!tpu.dma_semaphore, #tpu.memory_space<semaphore_mem>>) src(%dma_wait3A_598 : memref<896x32xbf16, #tpu.memory_space<vmem>>) dst(%dma_wait3A_595 : memref<896x32xbf16, #tpu.memory_space<hbm>>)
      tpu.yield
    }) : () -> ()
    %dma_start3A_199 = arith.constant 0 : i32
    %dma_start3A_200 = arith.constant 0 : i32
    %dma_start3A_201 = tpu.memref_slice %arg10[%dma_start3A_199, %dma_start3A_200] : memref<1792x32xbf16, #tpu.memory_space<vmem>> -> memref<896x32xbf16, #tpu.memory_space<vmem>>
    %dma_start3A_202 = arith.constant 5376 : i32
    %dma_start3A_203 = tpu.memref_slice %arg8[%dma_start3A_202] : memref<14336xi32, #tpu.memory_space<vmem>> -> memref<896xi32, #tpu.memory_space<vmem>>
    %dma_start3A_204 = arith.constant 0 : i32
    %dma_start3A_205 = arith.constant 0 : i32
    %dma_start3A_206 = tpu.memref_slice %arg4[%dma_start3A_204, %dma_start3A_205] : memref<12800x32xbf16, #tpu.memory_space<hbm>> -> memref<12800x32xbf16, #tpu.memory_space<hbm>>
    tpu.enqueue_indirect_dma source(%dma_start3A_206 : memref<12800x32xbf16, #tpu.memory_space<hbm>>) target(%dma_start3A_201 : memref<896x32xbf16, #tpu.memory_space<vmem>>) offsets(%dma_start3A_203 : memref<896xi32, #tpu.memory_space<vmem>>) semaphore(%arg12 : memref<!tpu.dma_semaphore, #tpu.memory_space<semaphore_mem>>)
    %dma_start3A_207 = arith.constant 0 : i32
    %dma_start3A_208 = arith.constant 0 : i32
    %dma_start3A_209 = tpu.memref_slice %arg11[%dma_start3A_207, %dma_start3A_208] : memref<1792x32xbf16, #tpu.memory_space<vmem>> -> memref<896x32xbf16, #tpu.memory_space<vmem>>
    %dma_start3A_210 = arith.constant 5376 : i32
    %dma_start3A_211 = tpu.memref_slice %arg9[%dma_start3A_210] : memref<14336xi32, #tpu.memory_space<vmem>> -> memref<896xi32, #tpu.memory_space<vmem>>
    %dma_start3A_212 = arith.constant 0 : i32
    %dma_start3A_213 = arith.constant 0 : i32
    %dma_start3A_214 = tpu.memref_slice %arg5[%dma_start3A_212, %dma_start3A_213] : memref<51200x32xbf16, #tpu.memory_space<hbm>> -> memref<51200x32xbf16, #tpu.memory_space<hbm>>
    tpu.enqueue_indirect_dma source(%dma_start3A_214 : memref<51200x32xbf16, #tpu.memory_space<hbm>>) target(%dma_start3A_209 : memref<896x32xbf16, #tpu.memory_space<vmem>>) offsets(%dma_start3A_211 : memref<896xi32, #tpu.memory_space<vmem>>) semaphore(%arg12 : memref<!tpu.dma_semaphore, #tpu.memory_space<semaphore_mem>>)
    %dma_wait3A_215 = arith.constant 896 : i32
    %dma_wait3A_216 = arith.constant 0 : i32
    %dma_wait3A_217 = tpu.memref_slice %arg10[%dma_wait3A_215, %dma_wait3A_216] : memref<1792x32xbf16, #tpu.memory_space<vmem>> -> memref<896x32xbf16, #tpu.memory_space<vmem>>
    %dma_wait3A_218 = arith.constant 4480 : i32
    %dma_wait3A_219 = tpu.memref_slice %arg8[%dma_wait3A_218] : memref<14336xi32, #tpu.memory_space<vmem>> -> memref<896xi32, #tpu.memory_space<vmem>>
    %dma_wait3A_220 = arith.constant 0 : i32
    %dma_wait3A_221 = arith.constant 0 : i32
    %dma_wait3A_222 = tpu.memref_slice %arg4[%dma_wait3A_220, %dma_wait3A_221] : memref<12800x32xbf16, #tpu.memory_space<hbm>> -> memref<12800x32xbf16, #tpu.memory_space<hbm>>
    tpu.wait_indirect_dma semaphore(%arg12 : memref<!tpu.dma_semaphore, #tpu.memory_space<semaphore_mem>>) src(%dma_wait3A_222 : memref<12800x32xbf16, #tpu.memory_space<hbm>>) dst(%dma_wait3A_217 : memref<896x32xbf16, #tpu.memory_space<vmem>>)
    %add3A_223 = arith.constant 4480 : i32
    %add3A_224 = arith.addi %mul3A_4, %add3A_223 : i32
    "tpu.region"() ({
      %run_scoped3A = tpu.sem_alloc : memref<!tpu.dma_semaphore, #tpu.memory_space<semaphore_mem>>
      %dma_start3A_579 = arith.constant 896 : i32
      %dma_start3A_580 = arith.constant 0 : i32
      %dma_start3A_581 = tpu.memref_slice %arg10[%dma_start3A_579, %dma_start3A_580] : memref<1792x32xbf16, #tpu.memory_space<vmem>> -> memref<896x32xbf16, #tpu.memory_space<vmem>>
      %dma_start3A_582 = arith.constant 0 : i32
      %dma_start3A_583 = tpu.memref_slice %arg6[%add3A_224, %dma_start3A_582] : memref<458752x32xbf16, #tpu.memory_space<hbm>> -> memref<896x32xbf16, #tpu.memory_space<hbm>>
      %dma_start3A_584 = arith.constant 0 : i32
      %dma_start3A_585 = tpu.memref_slice %arg6[%add3A_224, %dma_start3A_584] : memref<458752x32xbf16, #tpu.memory_space<hbm>> -> memref<896x32xbf16, #tpu.memory_space<hbm>>
      %dma_start3A_586 = arith.constant 896 : i32
      %dma_start3A_587 = arith.constant 0 : i32
      %dma_start3A_588 = tpu.memref_slice %arg10[%dma_start3A_586, %dma_start3A_587] : memref<1792x32xbf16, #tpu.memory_space<vmem>> -> memref<896x32xbf16, #tpu.memory_space<vmem>>
      tpu.enqueue_dma source(%dma_start3A_588 : memref<896x32xbf16, #tpu.memory_space<vmem>>) target(%dma_start3A_585 : memref<896x32xbf16, #tpu.memory_space<hbm>>) target_semaphore(%run_scoped3A : memref<!tpu.dma_semaphore, #tpu.memory_space<semaphore_mem>>)
      %dma_wait3A_589 = arith.constant 896 : i32
      %dma_wait3A_590 = arith.constant 0 : i32
      %dma_wait3A_591 = tpu.memref_slice %arg10[%dma_wait3A_589, %dma_wait3A_590] : memref<1792x32xbf16, #tpu.memory_space<vmem>> -> memref<896x32xbf16, #tpu.memory_space<vmem>>
      %dma_wait3A_592 = arith.constant 0 : i32
      %dma_wait3A_593 = tpu.memref_slice %arg6[%add3A_224, %dma_wait3A_592] : memref<458752x32xbf16, #tpu.memory_space<hbm>> -> memref<896x32xbf16, #tpu.memory_space<hbm>>
      %dma_wait3A_594 = arith.constant 0 : i32
      %dma_wait3A_595 = tpu.memref_slice %arg6[%add3A_224, %dma_wait3A_594] : memref<458752x32xbf16, #tpu.memory_space<hbm>> -> memref<896x32xbf16, #tpu.memory_space<hbm>>
      %dma_wait3A_596 = arith.constant 896 : i32
      %dma_wait3A_597 = arith.constant 0 : i32
      %dma_wait3A_598 = tpu.memref_slice %arg10[%dma_wait3A_596, %dma_wait3A_597] : memref<1792x32xbf16, #tpu.memory_space<vmem>> -> memref<896x32xbf16, #tpu.memory_space<vmem>>
      tpu.wait_dma2 semaphore(%run_scoped3A : memref<!tpu.dma_semaphore, #tpu.memory_space<semaphore_mem>>) src(%dma_wait3A_598 : memref<896x32xbf16, #tpu.memory_space<vmem>>) dst(%dma_wait3A_595 : memref<896x32xbf16, #tpu.memory_space<hbm>>)
      tpu.yield
    }) : () -> ()
    %dma_wait3A_225 = arith.constant 896 : i32
    %dma_wait3A_226 = arith.constant 0 : i32
    %dma_wait3A_227 = tpu.memref_slice %arg11[%dma_wait3A_225, %dma_wait3A_226] : memref<1792x32xbf16, #tpu.memory_space<vmem>> -> memref<896x32xbf16, #tpu.memory_space<vmem>>
    %dma_wait3A_228 = arith.constant 4480 : i32
    %dma_wait3A_229 = tpu.memref_slice %arg9[%dma_wait3A_228] : memref<14336xi32, #tpu.memory_space<vmem>> -> memref<896xi32, #tpu.memory_space<vmem>>
    %dma_wait3A_230 = arith.constant 0 : i32
    %dma_wait3A_231 = arith.constant 0 : i32
    %dma_wait3A_232 = tpu.memref_slice %arg5[%dma_wait3A_230, %dma_wait3A_231] : memref<51200x32xbf16, #tpu.memory_space<hbm>> -> memref<51200x32xbf16, #tpu.memory_space<hbm>>
    tpu.wait_indirect_dma semaphore(%arg12 : memref<!tpu.dma_semaphore, #tpu.memory_space<semaphore_mem>>) src(%dma_wait3A_232 : memref<51200x32xbf16, #tpu.memory_space<hbm>>) dst(%dma_wait3A_227 : memref<896x32xbf16, #tpu.memory_space<vmem>>)
    %add3A_233 = arith.constant 4480 : i32
    %add3A_234 = arith.addi %mul3A_4, %add3A_233 : i32
    "tpu.region"() ({
      %run_scoped3A = tpu.sem_alloc : memref<!tpu.dma_semaphore, #tpu.memory_space<semaphore_mem>>
      %dma_start3A_579 = arith.constant 896 : i32
      %dma_start3A_580 = arith.constant 0 : i32
      %dma_start3A_581 = tpu.memref_slice %arg11[%dma_start3A_579, %dma_start3A_580] : memref<1792x32xbf16, #tpu.memory_space<vmem>> -> memref<896x32xbf16, #tpu.memory_space<vmem>>
      %dma_start3A_582 = arith.constant 0 : i32
      %dma_start3A_583 = tpu.memref_slice %arg7[%add3A_234, %dma_start3A_582] : memref<458752x32xbf16, #tpu.memory_space<hbm>> -> memref<896x32xbf16, #tpu.memory_space<hbm>>
      %dma_start3A_584 = arith.constant 0 : i32
      %dma_start3A_585 = tpu.memref_slice %arg7[%add3A_234, %dma_start3A_584] : memref<458752x32xbf16, #tpu.memory_space<hbm>> -> memref<896x32xbf16, #tpu.memory_space<hbm>>
      %dma_start3A_586 = arith.constant 896 : i32
      %dma_start3A_587 = arith.constant 0 : i32
      %dma_start3A_588 = tpu.memref_slice %arg11[%dma_start3A_586, %dma_start3A_587] : memref<1792x32xbf16, #tpu.memory_space<vmem>> -> memref<896x32xbf16, #tpu.memory_space<vmem>>
      tpu.enqueue_dma source(%dma_start3A_588 : memref<896x32xbf16, #tpu.memory_space<vmem>>) target(%dma_start3A_585 : memref<896x32xbf16, #tpu.memory_space<hbm>>) target_semaphore(%run_scoped3A : memref<!tpu.dma_semaphore, #tpu.memory_space<semaphore_mem>>)
      %dma_wait3A_589 = arith.constant 896 : i32
      %dma_wait3A_590 = arith.constant 0 : i32
      %dma_wait3A_591 = tpu.memref_slice %arg11[%dma_wait3A_589, %dma_wait3A_590] : memref<1792x32xbf16, #tpu.memory_space<vmem>> -> memref<896x32xbf16, #tpu.memory_space<vmem>>
      %dma_wait3A_592 = arith.constant 0 : i32
      %dma_wait3A_593 = tpu.memref_slice %arg7[%add3A_234, %dma_wait3A_592] : memref<458752x32xbf16, #tpu.memory_space<hbm>> -> memref<896x32xbf16, #tpu.memory_space<hbm>>
      %dma_wait3A_594 = arith.constant 0 : i32
      %dma_wait3A_595 = tpu.memref_slice %arg7[%add3A_234, %dma_wait3A_594] : memref<458752x32xbf16, #tpu.memory_space<hbm>> -> memref<896x32xbf16, #tpu.memory_space<hbm>>
      %dma_wait3A_596 = arith.constant 896 : i32
      %dma_wait3A_597 = arith.constant 0 : i32
      %dma_wait3A_598 = tpu.memref_slice %arg11[%dma_wait3A_596, %dma_wait3A_597] : memref<1792x32xbf16, #tpu.memory_space<vmem>> -> memref<896x32xbf16, #tpu.memory_space<vmem>>
      tpu.wait_dma2 semaphore(%run_scoped3A : memref<!tpu.dma_semaphore, #tpu.memory_space<semaphore_mem>>) src(%dma_wait3A_598 : memref<896x32xbf16, #tpu.memory_space<vmem>>) dst(%dma_wait3A_595 : memref<896x32xbf16, #tpu.memory_space<hbm>>)
      tpu.yield
    }) : () -> ()
    %dma_start3A_235 = arith.constant 896 : i32
    %dma_start3A_236 = arith.constant 0 : i32
    %dma_start3A_237 = tpu.memref_slice %arg10[%dma_start3A_235, %dma_start3A_236] : memref<1792x32xbf16, #tpu.memory_space<vmem>> -> memref<896x32xbf16, #tpu.memory_space<vmem>>
    %dma_start3A_238 = arith.constant 6272 : i32
    %dma_start3A_239 = tpu.memref_slice %arg8[%dma_start3A_238] : memref<14336xi32, #tpu.memory_space<vmem>> -> memref<896xi32, #tpu.memory_space<vmem>>
    %dma_start3A_240 = arith.constant 0 : i32
    %dma_start3A_241 = arith.constant 0 : i32
    %dma_start3A_242 = tpu.memref_slice %arg4[%dma_start3A_240, %dma_start3A_241] : memref<12800x32xbf16, #tpu.memory_space<hbm>> -> memref<12800x32xbf16, #tpu.memory_space<hbm>>
    tpu.enqueue_indirect_dma source(%dma_start3A_242 : memref<12800x32xbf16, #tpu.memory_space<hbm>>) target(%dma_start3A_237 : memref<896x32xbf16, #tpu.memory_space<vmem>>) offsets(%dma_start3A_239 : memref<896xi32, #tpu.memory_space<vmem>>) semaphore(%arg12 : memref<!tpu.dma_semaphore, #tpu.memory_space<semaphore_mem>>)
    %dma_start3A_243 = arith.constant 896 : i32
    %dma_start3A_244 = arith.constant 0 : i32
    %dma_start3A_245 = tpu.memref_slice %arg11[%dma_start3A_243, %dma_start3A_244] : memref<1792x32xbf16, #tpu.memory_space<vmem>> -> memref<896x32xbf16, #tpu.memory_space<vmem>>
    %dma_start3A_246 = arith.constant 6272 : i32
    %dma_start3A_247 = tpu.memref_slice %arg9[%dma_start3A_246] : memref<14336xi32, #tpu.memory_space<vmem>> -> memref<896xi32, #tpu.memory_space<vmem>>
    %dma_start3A_248 = arith.constant 0 : i32
    %dma_start3A_249 = arith.constant 0 : i32
    %dma_start3A_250 = tpu.memref_slice %arg5[%dma_start3A_248, %dma_start3A_249] : memref<51200x32xbf16, #tpu.memory_space<hbm>> -> memref<51200x32xbf16, #tpu.memory_space<hbm>>
    tpu.enqueue_indirect_dma source(%dma_start3A_250 : memref<51200x32xbf16, #tpu.memory_space<hbm>>) target(%dma_start3A_245 : memref<896x32xbf16, #tpu.memory_space<vmem>>) offsets(%dma_start3A_247 : memref<896xi32, #tpu.memory_space<vmem>>) semaphore(%arg12 : memref<!tpu.dma_semaphore, #tpu.memory_space<semaphore_mem>>)
    %dma_wait3A_251 = arith.constant 0 : i32
    %dma_wait3A_252 = arith.constant 0 : i32
    %dma_wait3A_253 = tpu.memref_slice %arg10[%dma_wait3A_251, %dma_wait3A_252] : memref<1792x32xbf16, #tpu.memory_space<vmem>> -> memref<896x32xbf16, #tpu.memory_space<vmem>>
    %dma_wait3A_254 = arith.constant 5376 : i32
    %dma_wait3A_255 = tpu.memref_slice %arg8[%dma_wait3A_254] : memref<14336xi32, #tpu.memory_space<vmem>> -> memref<896xi32, #tpu.memory_space<vmem>>
    %dma_wait3A_256 = arith.constant 0 : i32
    %dma_wait3A_257 = arith.constant 0 : i32
    %dma_wait3A_258 = tpu.memref_slice %arg4[%dma_wait3A_256, %dma_wait3A_257] : memref<12800x32xbf16, #tpu.memory_space<hbm>> -> memref<12800x32xbf16, #tpu.memory_space<hbm>>
    tpu.wait_indirect_dma semaphore(%arg12 : memref<!tpu.dma_semaphore, #tpu.memory_space<semaphore_mem>>) src(%dma_wait3A_258 : memref<12800x32xbf16, #tpu.memory_space<hbm>>) dst(%dma_wait3A_253 : memref<896x32xbf16, #tpu.memory_space<vmem>>)
    %add3A_259 = arith.constant 5376 : i32
    %add3A_260 = arith.addi %mul3A_4, %add3A_259 : i32
    "tpu.region"() ({
      %run_scoped3A = tpu.sem_alloc : memref<!tpu.dma_semaphore, #tpu.memory_space<semaphore_mem>>
      %dma_start3A_579 = arith.constant 0 : i32
      %dma_start3A_580 = arith.constant 0 : i32
      %dma_start3A_581 = tpu.memref_slice %arg10[%dma_start3A_579, %dma_start3A_580] : memref<1792x32xbf16, #tpu.memory_space<vmem>> -> memref<896x32xbf16, #tpu.memory_space<vmem>>
      %dma_start3A_582 = arith.constant 0 : i32
      %dma_start3A_583 = tpu.memref_slice %arg6[%add3A_260, %dma_start3A_582] : memref<458752x32xbf16, #tpu.memory_space<hbm>> -> memref<896x32xbf16, #tpu.memory_space<hbm>>
      %dma_start3A_584 = arith.constant 0 : i32
      %dma_start3A_585 = tpu.memref_slice %arg6[%add3A_260, %dma_start3A_584] : memref<458752x32xbf16, #tpu.memory_space<hbm>> -> memref<896x32xbf16, #tpu.memory_space<hbm>>
      %dma_start3A_586 = arith.constant 0 : i32
      %dma_start3A_587 = arith.constant 0 : i32
      %dma_start3A_588 = tpu.memref_slice %arg10[%dma_start3A_586, %dma_start3A_587] : memref<1792x32xbf16, #tpu.memory_space<vmem>> -> memref<896x32xbf16, #tpu.memory_space<vmem>>
      tpu.enqueue_dma source(%dma_start3A_588 : memref<896x32xbf16, #tpu.memory_space<vmem>>) target(%dma_start3A_585 : memref<896x32xbf16, #tpu.memory_space<hbm>>) target_semaphore(%run_scoped3A : memref<!tpu.dma_semaphore, #tpu.memory_space<semaphore_mem>>)
      %dma_wait3A_589 = arith.constant 0 : i32
      %dma_wait3A_590 = arith.constant 0 : i32
      %dma_wait3A_591 = tpu.memref_slice %arg10[%dma_wait3A_589, %dma_wait3A_590] : memref<1792x32xbf16, #tpu.memory_space<vmem>> -> memref<896x32xbf16, #tpu.memory_space<vmem>>
      %dma_wait3A_592 = arith.constant 0 : i32
      %dma_wait3A_593 = tpu.memref_slice %arg6[%add3A_260, %dma_wait3A_592] : memref<458752x32xbf16, #tpu.memory_space<hbm>> -> memref<896x32xbf16, #tpu.memory_space<hbm>>
      %dma_wait3A_594 = arith.constant 0 : i32
      %dma_wait3A_595 = tpu.memref_slice %arg6[%add3A_260, %dma_wait3A_594] : memref<458752x32xbf16, #tpu.memory_space<hbm>> -> memref<896x32xbf16, #tpu.memory_space<hbm>>
      %dma_wait3A_596 = arith.constant 0 : i32
      %dma_wait3A_597 = arith.constant 0 : i32
      %dma_wait3A_598 = tpu.memref_slice %arg10[%dma_wait3A_596, %dma_wait3A_597] : memref<1792x32xbf16, #tpu.memory_space<vmem>> -> memref<896x32xbf16, #tpu.memory_space<vmem>>
      tpu.wait_dma2 semaphore(%run_scoped3A : memref<!tpu.dma_semaphore, #tpu.memory_space<semaphore_mem>>) src(%dma_wait3A_598 : memref<896x32xbf16, #tpu.memory_space<vmem>>) dst(%dma_wait3A_595 : memref<896x32xbf16, #tpu.memory_space<hbm>>)
      tpu.yield
    }) : () -> ()
    %dma_wait3A_261 = arith.constant 0 : i32
    %dma_wait3A_262 = arith.constant 0 : i32
    %dma_wait3A_263 = tpu.memref_slice %arg11[%dma_wait3A_261, %dma_wait3A_262] : memref<1792x32xbf16, #tpu.memory_space<vmem>> -> memref<896x32xbf16, #tpu.memory_space<vmem>>
    %dma_wait3A_264 = arith.constant 5376 : i32
    %dma_wait3A_265 = tpu.memref_slice %arg9[%dma_wait3A_264] : memref<14336xi32, #tpu.memory_space<vmem>> -> memref<896xi32, #tpu.memory_space<vmem>>
    %dma_wait3A_266 = arith.constant 0 : i32
    %dma_wait3A_267 = arith.constant 0 : i32
    %dma_wait3A_268 = tpu.memref_slice %arg5[%dma_wait3A_266, %dma_wait3A_267] : memref<51200x32xbf16, #tpu.memory_space<hbm>> -> memref<51200x32xbf16, #tpu.memory_space<hbm>>
    tpu.wait_indirect_dma semaphore(%arg12 : memref<!tpu.dma_semaphore, #tpu.memory_space<semaphore_mem>>) src(%dma_wait3A_268 : memref<51200x32xbf16, #tpu.memory_space<hbm>>) dst(%dma_wait3A_263 : memref<896x32xbf16, #tpu.memory_space<vmem>>)
    %add3A_269 = arith.constant 5376 : i32
    %add3A_270 = arith.addi %mul3A_4, %add3A_269 : i32
    "tpu.region"() ({
      %run_scoped3A = tpu.sem_alloc : memref<!tpu.dma_semaphore, #tpu.memory_space<semaphore_mem>>
      %dma_start3A_579 = arith.constant 0 : i32
      %dma_start3A_580 = arith.constant 0 : i32
      %dma_start3A_581 = tpu.memref_slice %arg11[%dma_start3A_579, %dma_start3A_580] : memref<1792x32xbf16, #tpu.memory_space<vmem>> -> memref<896x32xbf16, #tpu.memory_space<vmem>>
      %dma_start3A_582 = arith.constant 0 : i32
      %dma_start3A_583 = tpu.memref_slice %arg7[%add3A_270, %dma_start3A_582] : memref<458752x32xbf16, #tpu.memory_space<hbm>> -> memref<896x32xbf16, #tpu.memory_space<hbm>>
      %dma_start3A_584 = arith.constant 0 : i32
      %dma_start3A_585 = tpu.memref_slice %arg7[%add3A_270, %dma_start3A_584] : memref<458752x32xbf16, #tpu.memory_space<hbm>> -> memref<896x32xbf16, #tpu.memory_space<hbm>>
      %dma_start3A_586 = arith.constant 0 : i32
      %dma_start3A_587 = arith.constant 0 : i32
      %dma_start3A_588 = tpu.memref_slice %arg11[%dma_start3A_586, %dma_start3A_587] : memref<1792x32xbf16, #tpu.memory_space<vmem>> -> memref<896x32xbf16, #tpu.memory_space<vmem>>
      tpu.enqueue_dma source(%dma_start3A_588 : memref<896x32xbf16, #tpu.memory_space<vmem>>) target(%dma_start3A_585 : memref<896x32xbf16, #tpu.memory_space<hbm>>) target_semaphore(%run_scoped3A : memref<!tpu.dma_semaphore, #tpu.memory_space<semaphore_mem>>)
      %dma_wait3A_589 = arith.constant 0 : i32
      %dma_wait3A_590 = arith.constant 0 : i32
      %dma_wait3A_591 = tpu.memref_slice %arg11[%dma_wait3A_589, %dma_wait3A_590] : memref<1792x32xbf16, #tpu.memory_space<vmem>> -> memref<896x32xbf16, #tpu.memory_space<vmem>>
      %dma_wait3A_592 = arith.constant 0 : i32
      %dma_wait3A_593 = tpu.memref_slice %arg7[%add3A_270, %dma_wait3A_592] : memref<458752x32xbf16, #tpu.memory_space<hbm>> -> memref<896x32xbf16, #tpu.memory_space<hbm>>
      %dma_wait3A_594 = arith.constant 0 : i32
      %dma_wait3A_595 = tpu.memref_slice %arg7[%add3A_270, %dma_wait3A_594] : memref<458752x32xbf16, #tpu.memory_space<hbm>> -> memref<896x32xbf16, #tpu.memory_space<hbm>>
      %dma_wait3A_596 = arith.constant 0 : i32
      %dma_wait3A_597 = arith.constant 0 : i32
      %dma_wait3A_598 = tpu.memref_slice %arg11[%dma_wait3A_596, %dma_wait3A_597] : memref<1792x32xbf16, #tpu.memory_space<vmem>> -> memref<896x32xbf16, #tpu.memory_space<vmem>>
      tpu.wait_dma2 semaphore(%run_scoped3A : memref<!tpu.dma_semaphore, #tpu.memory_space<semaphore_mem>>) src(%dma_wait3A_598 : memref<896x32xbf16, #tpu.memory_space<vmem>>) dst(%dma_wait3A_595 : memref<896x32xbf16, #tpu.memory_space<hbm>>)
      tpu.yield
    }) : () -> ()
    %dma_start3A_271 = arith.constant 0 : i32
    %dma_start3A_272 = arith.constant 0 : i32
    %dma_start3A_273 = tpu.memref_slice %arg10[%dma_start3A_271, %dma_start3A_272] : memref<1792x32xbf16, #tpu.memory_space<vmem>> -> memref<896x32xbf16, #tpu.memory_space<vmem>>
    %dma_start3A_274 = arith.constant 7168 : i32
    %dma_start3A_275 = tpu.memref_slice %arg8[%dma_start3A_274] : memref<14336xi32, #tpu.memory_space<vmem>> -> memref<896xi32, #tpu.memory_space<vmem>>
    %dma_start3A_276 = arith.constant 0 : i32
    %dma_start3A_277 = arith.constant 0 : i32
    %dma_start3A_278 = tpu.memref_slice %arg4[%dma_start3A_276, %dma_start3A_277] : memref<12800x32xbf16, #tpu.memory_space<hbm>> -> memref<12800x32xbf16, #tpu.memory_space<hbm>>
    tpu.enqueue_indirect_dma source(%dma_start3A_278 : memref<12800x32xbf16, #tpu.memory_space<hbm>>) target(%dma_start3A_273 : memref<896x32xbf16, #tpu.memory_space<vmem>>) offsets(%dma_start3A_275 : memref<896xi32, #tpu.memory_space<vmem>>) semaphore(%arg12 : memref<!tpu.dma_semaphore, #tpu.memory_space<semaphore_mem>>)
    %dma_start3A_279 = arith.constant 0 : i32
    %dma_start3A_280 = arith.constant 0 : i32
    %dma_start3A_281 = tpu.memref_slice %arg11[%dma_start3A_279, %dma_start3A_280] : memref<1792x32xbf16, #tpu.memory_space<vmem>> -> memref<896x32xbf16, #tpu.memory_space<vmem>>
    %dma_start3A_282 = arith.constant 7168 : i32
    %dma_start3A_283 = tpu.memref_slice %arg9[%dma_start3A_282] : memref<14336xi32, #tpu.memory_space<vmem>> -> memref<896xi32, #tpu.memory_space<vmem>>
    %dma_start3A_284 = arith.constant 0 : i32
    %dma_start3A_285 = arith.constant 0 : i32
    %dma_start3A_286 = tpu.memref_slice %arg5[%dma_start3A_284, %dma_start3A_285] : memref<51200x32xbf16, #tpu.memory_space<hbm>> -> memref<51200x32xbf16, #tpu.memory_space<hbm>>
    tpu.enqueue_indirect_dma source(%dma_start3A_286 : memref<51200x32xbf16, #tpu.memory_space<hbm>>) target(%dma_start3A_281 : memref<896x32xbf16, #tpu.memory_space<vmem>>) offsets(%dma_start3A_283 : memref<896xi32, #tpu.memory_space<vmem>>) semaphore(%arg12 : memref<!tpu.dma_semaphore, #tpu.memory_space<semaphore_mem>>)
    %dma_wait3A_287 = arith.constant 896 : i32
    %dma_wait3A_288 = arith.constant 0 : i32
    %dma_wait3A_289 = tpu.memref_slice %arg10[%dma_wait3A_287, %dma_wait3A_288] : memref<1792x32xbf16, #tpu.memory_space<vmem>> -> memref<896x32xbf16, #tpu.memory_space<vmem>>
    %dma_wait3A_290 = arith.constant 6272 : i32
    %dma_wait3A_291 = tpu.memref_slice %arg8[%dma_wait3A_290] : memref<14336xi32, #tpu.memory_space<vmem>> -> memref<896xi32, #tpu.memory_space<vmem>>
    %dma_wait3A_292 = arith.constant 0 : i32
    %dma_wait3A_293 = arith.constant 0 : i32
    %dma_wait3A_294 = tpu.memref_slice %arg4[%dma_wait3A_292, %dma_wait3A_293] : memref<12800x32xbf16, #tpu.memory_space<hbm>> -> memref<12800x32xbf16, #tpu.memory_space<hbm>>
    tpu.wait_indirect_dma semaphore(%arg12 : memref<!tpu.dma_semaphore, #tpu.memory_space<semaphore_mem>>) src(%dma_wait3A_294 : memref<12800x32xbf16, #tpu.memory_space<hbm>>) dst(%dma_wait3A_289 : memref<896x32xbf16, #tpu.memory_space<vmem>>)
    %add3A_295 = arith.constant 6272 : i32
    %add3A_296 = arith.addi %mul3A_4, %add3A_295 : i32
    "tpu.region"() ({
      %run_scoped3A = tpu.sem_alloc : memref<!tpu.dma_semaphore, #tpu.memory_space<semaphore_mem>>
      %dma_start3A_579 = arith.constant 896 : i32
      %dma_start3A_580 = arith.constant 0 : i32
      %dma_start3A_581 = tpu.memref_slice %arg10[%dma_start3A_579, %dma_start3A_580] : memref<1792x32xbf16, #tpu.memory_space<vmem>> -> memref<896x32xbf16, #tpu.memory_space<vmem>>
      %dma_start3A_582 = arith.constant 0 : i32
      %dma_start3A_583 = tpu.memref_slice %arg6[%add3A_296, %dma_start3A_582] : memref<458752x32xbf16, #tpu.memory_space<hbm>> -> memref<896x32xbf16, #tpu.memory_space<hbm>>
      %dma_start3A_584 = arith.constant 0 : i32
      %dma_start3A_585 = tpu.memref_slice %arg6[%add3A_296, %dma_start3A_584] : memref<458752x32xbf16, #tpu.memory_space<hbm>> -> memref<896x32xbf16, #tpu.memory_space<hbm>>
      %dma_start3A_586 = arith.constant 896 : i32
      %dma_start3A_587 = arith.constant 0 : i32
      %dma_start3A_588 = tpu.memref_slice %arg10[%dma_start3A_586, %dma_start3A_587] : memref<1792x32xbf16, #tpu.memory_space<vmem>> -> memref<896x32xbf16, #tpu.memory_space<vmem>>
      tpu.enqueue_dma source(%dma_start3A_588 : memref<896x32xbf16, #tpu.memory_space<vmem>>) target(%dma_start3A_585 : memref<896x32xbf16, #tpu.memory_space<hbm>>) target_semaphore(%run_scoped3A : memref<!tpu.dma_semaphore, #tpu.memory_space<semaphore_mem>>)
      %dma_wait3A_589 = arith.constant 896 : i32
      %dma_wait3A_590 = arith.constant 0 : i32
      %dma_wait3A_591 = tpu.memref_slice %arg10[%dma_wait3A_589, %dma_wait3A_590] : memref<1792x32xbf16, #tpu.memory_space<vmem>> -> memref<896x32xbf16, #tpu.memory_space<vmem>>
      %dma_wait3A_592 = arith.constant 0 : i32
      %dma_wait3A_593 = tpu.memref_slice %arg6[%add3A_296, %dma_wait3A_592] : memref<458752x32xbf16, #tpu.memory_space<hbm>> -> memref<896x32xbf16, #tpu.memory_space<hbm>>
      %dma_wait3A_594 = arith.constant 0 : i32
      %dma_wait3A_595 = tpu.memref_slice %arg6[%add3A_296, %dma_wait3A_594] : memref<458752x32xbf16, #tpu.memory_space<hbm>> -> memref<896x32xbf16, #tpu.memory_space<hbm>>
      %dma_wait3A_596 = arith.constant 896 : i32
      %dma_wait3A_597 = arith.constant 0 : i32
      %dma_wait3A_598 = tpu.memref_slice %arg10[%dma_wait3A_596, %dma_wait3A_597] : memref<1792x32xbf16, #tpu.memory_space<vmem>> -> memref<896x32xbf16, #tpu.memory_space<vmem>>
      tpu.wait_dma2 semaphore(%run_scoped3A : memref<!tpu.dma_semaphore, #tpu.memory_space<semaphore_mem>>) src(%dma_wait3A_598 : memref<896x32xbf16, #tpu.memory_space<vmem>>) dst(%dma_wait3A_595 : memref<896x32xbf16, #tpu.memory_space<hbm>>)
      tpu.yield
    }) : () -> ()
    %dma_wait3A_297 = arith.constant 896 : i32
    %dma_wait3A_298 = arith.constant 0 : i32
    %dma_wait3A_299 = tpu.memref_slice %arg11[%dma_wait3A_297, %dma_wait3A_298] : memref<1792x32xbf16, #tpu.memory_space<vmem>> -> memref<896x32xbf16, #tpu.memory_space<vmem>>
    %dma_wait3A_300 = arith.constant 6272 : i32
    %dma_wait3A_301 = tpu.memref_slice %arg9[%dma_wait3A_300] : memref<14336xi32, #tpu.memory_space<vmem>> -> memref<896xi32, #tpu.memory_space<vmem>>
    %dma_wait3A_302 = arith.constant 0 : i32
    %dma_wait3A_303 = arith.constant 0 : i32
    %dma_wait3A_304 = tpu.memref_slice %arg5[%dma_wait3A_302, %dma_wait3A_303] : memref<51200x32xbf16, #tpu.memory_space<hbm>> -> memref<51200x32xbf16, #tpu.memory_space<hbm>>
    tpu.wait_indirect_dma semaphore(%arg12 : memref<!tpu.dma_semaphore, #tpu.memory_space<semaphore_mem>>) src(%dma_wait3A_304 : memref<51200x32xbf16, #tpu.memory_space<hbm>>) dst(%dma_wait3A_299 : memref<896x32xbf16, #tpu.memory_space<vmem>>)
    %add3A_305 = arith.constant 6272 : i32
    %add3A_306 = arith.addi %mul3A_4, %add3A_305 : i32
    "tpu.region"() ({
      %run_scoped3A = tpu.sem_alloc : memref<!tpu.dma_semaphore, #tpu.memory_space<semaphore_mem>>
      %dma_start3A_579 = arith.constant 896 : i32
      %dma_start3A_580 = arith.constant 0 : i32
      %dma_start3A_581 = tpu.memref_slice %arg11[%dma_start3A_579, %dma_start3A_580] : memref<1792x32xbf16, #tpu.memory_space<vmem>> -> memref<896x32xbf16, #tpu.memory_space<vmem>>
      %dma_start3A_582 = arith.constant 0 : i32
      %dma_start3A_583 = tpu.memref_slice %arg7[%add3A_306, %dma_start3A_582] : memref<458752x32xbf16, #tpu.memory_space<hbm>> -> memref<896x32xbf16, #tpu.memory_space<hbm>>
      %dma_start3A_584 = arith.constant 0 : i32
      %dma_start3A_585 = tpu.memref_slice %arg7[%add3A_306, %dma_start3A_584] : memref<458752x32xbf16, #tpu.memory_space<hbm>> -> memref<896x32xbf16, #tpu.memory_space<hbm>>
      %dma_start3A_586 = arith.constant 896 : i32
      %dma_start3A_587 = arith.constant 0 : i32
      %dma_start3A_588 = tpu.memref_slice %arg11[%dma_start3A_586, %dma_start3A_587] : memref<1792x32xbf16, #tpu.memory_space<vmem>> -> memref<896x32xbf16, #tpu.memory_space<vmem>>
      tpu.enqueue_dma source(%dma_start3A_588 : memref<896x32xbf16, #tpu.memory_space<vmem>>) target(%dma_start3A_585 : memref<896x32xbf16, #tpu.memory_space<hbm>>) target_semaphore(%run_scoped3A : memref<!tpu.dma_semaphore, #tpu.memory_space<semaphore_mem>>)
      %dma_wait3A_589 = arith.constant 896 : i32
      %dma_wait3A_590 = arith.constant 0 : i32
      %dma_wait3A_591 = tpu.memref_slice %arg11[%dma_wait3A_589, %dma_wait3A_590] : memref<1792x32xbf16, #tpu.memory_space<vmem>> -> memref<896x32xbf16, #tpu.memory_space<vmem>>
      %dma_wait3A_592 = arith.constant 0 : i32
      %dma_wait3A_593 = tpu.memref_slice %arg7[%add3A_306, %dma_wait3A_592] : memref<458752x32xbf16, #tpu.memory_space<hbm>> -> memref<896x32xbf16, #tpu.memory_space<hbm>>
      %dma_wait3A_594 = arith.constant 0 : i32
      %dma_wait3A_595 = tpu.memref_slice %arg7[%add3A_306, %dma_wait3A_594] : memref<458752x32xbf16, #tpu.memory_space<hbm>> -> memref<896x32xbf16, #tpu.memory_space<hbm>>
      %dma_wait3A_596 = arith.constant 896 : i32
      %dma_wait3A_597 = arith.constant 0 : i32
      %dma_wait3A_598 = tpu.memref_slice %arg11[%dma_wait3A_596, %dma_wait3A_597] : memref<1792x32xbf16, #tpu.memory_space<vmem>> -> memref<896x32xbf16, #tpu.memory_space<vmem>>
      tpu.wait_dma2 semaphore(%run_scoped3A : memref<!tpu.dma_semaphore, #tpu.memory_space<semaphore_mem>>) src(%dma_wait3A_598 : memref<896x32xbf16, #tpu.memory_space<vmem>>) dst(%dma_wait3A_595 : memref<896x32xbf16, #tpu.memory_space<hbm>>)
      tpu.yield
    }) : () -> ()
    %dma_start3A_307 = arith.constant 896 : i32
    %dma_start3A_308 = arith.constant 0 : i32
    %dma_start3A_309 = tpu.memref_slice %arg10[%dma_start3A_307, %dma_start3A_308] : memref<1792x32xbf16, #tpu.memory_space<vmem>> -> memref<896x32xbf16, #tpu.memory_space<vmem>>
    %dma_start3A_310 = arith.constant 8064 : i32
    %dma_start3A_311 = tpu.memref_slice %arg8[%dma_start3A_310] : memref<14336xi32, #tpu.memory_space<vmem>> -> memref<896xi32, #tpu.memory_space<vmem>>
    %dma_start3A_312 = arith.constant 0 : i32
    %dma_start3A_313 = arith.constant 0 : i32
    %dma_start3A_314 = tpu.memref_slice %arg4[%dma_start3A_312, %dma_start3A_313] : memref<12800x32xbf16, #tpu.memory_space<hbm>> -> memref<12800x32xbf16, #tpu.memory_space<hbm>>
    tpu.enqueue_indirect_dma source(%dma_start3A_314 : memref<12800x32xbf16, #tpu.memory_space<hbm>>) target(%dma_start3A_309 : memref<896x32xbf16, #tpu.memory_space<vmem>>) offsets(%dma_start3A_311 : memref<896xi32, #tpu.memory_space<vmem>>) semaphore(%arg12 : memref<!tpu.dma_semaphore, #tpu.memory_space<semaphore_mem>>)
    %dma_start3A_315 = arith.constant 896 : i32
    %dma_start3A_316 = arith.constant 0 : i32
    %dma_start3A_317 = tpu.memref_slice %arg11[%dma_start3A_315, %dma_start3A_316] : memref<1792x32xbf16, #tpu.memory_space<vmem>> -> memref<896x32xbf16, #tpu.memory_space<vmem>>
    %dma_start3A_318 = arith.constant 8064 : i32
    %dma_start3A_319 = tpu.memref_slice %arg9[%dma_start3A_318] : memref<14336xi32, #tpu.memory_space<vmem>> -> memref<896xi32, #tpu.memory_space<vmem>>
    %dma_start3A_320 = arith.constant 0 : i32
    %dma_start3A_321 = arith.constant 0 : i32
    %dma_start3A_322 = tpu.memref_slice %arg5[%dma_start3A_320, %dma_start3A_321] : memref<51200x32xbf16, #tpu.memory_space<hbm>> -> memref<51200x32xbf16, #tpu.memory_space<hbm>>
    tpu.enqueue_indirect_dma source(%dma_start3A_322 : memref<51200x32xbf16, #tpu.memory_space<hbm>>) target(%dma_start3A_317 : memref<896x32xbf16, #tpu.memory_space<vmem>>) offsets(%dma_start3A_319 : memref<896xi32, #tpu.memory_space<vmem>>) semaphore(%arg12 : memref<!tpu.dma_semaphore, #tpu.memory_space<semaphore_mem>>)
    %dma_wait3A_323 = arith.constant 0 : i32
    %dma_wait3A_324 = arith.constant 0 : i32
    %dma_wait3A_325 = tpu.memref_slice %arg10[%dma_wait3A_323, %dma_wait3A_324] : memref<1792x32xbf16, #tpu.memory_space<vmem>> -> memref<896x32xbf16, #tpu.memory_space<vmem>>
    %dma_wait3A_326 = arith.constant 7168 : i32
    %dma_wait3A_327 = tpu.memref_slice %arg8[%dma_wait3A_326] : memref<14336xi32, #tpu.memory_space<vmem>> -> memref<896xi32, #tpu.memory_space<vmem>>
    %dma_wait3A_328 = arith.constant 0 : i32
    %dma_wait3A_329 = arith.constant 0 : i32
    %dma_wait3A_330 = tpu.memref_slice %arg4[%dma_wait3A_328, %dma_wait3A_329] : memref<12800x32xbf16, #tpu.memory_space<hbm>> -> memref<12800x32xbf16, #tpu.memory_space<hbm>>
    tpu.wait_indirect_dma semaphore(%arg12 : memref<!tpu.dma_semaphore, #tpu.memory_space<semaphore_mem>>) src(%dma_wait3A_330 : memref<12800x32xbf16, #tpu.memory_space<hbm>>) dst(%dma_wait3A_325 : memref<896x32xbf16, #tpu.memory_space<vmem>>)
    %add3A_331 = arith.constant 7168 : i32
    %add3A_332 = arith.addi %mul3A_4, %add3A_331 : i32
    "tpu.region"() ({
      %run_scoped3A = tpu.sem_alloc : memref<!tpu.dma_semaphore, #tpu.memory_space<semaphore_mem>>
      %dma_start3A_579 = arith.constant 0 : i32
      %dma_start3A_580 = arith.constant 0 : i32
      %dma_start3A_581 = tpu.memref_slice %arg10[%dma_start3A_579, %dma_start3A_580] : memref<1792x32xbf16, #tpu.memory_space<vmem>> -> memref<896x32xbf16, #tpu.memory_space<vmem>>
      %dma_start3A_582 = arith.constant 0 : i32
      %dma_start3A_583 = tpu.memref_slice %arg6[%add3A_332, %dma_start3A_582] : memref<458752x32xbf16, #tpu.memory_space<hbm>> -> memref<896x32xbf16, #tpu.memory_space<hbm>>
      %dma_start3A_584 = arith.constant 0 : i32
      %dma_start3A_585 = tpu.memref_slice %arg6[%add3A_332, %dma_start3A_584] : memref<458752x32xbf16, #tpu.memory_space<hbm>> -> memref<896x32xbf16, #tpu.memory_space<hbm>>
      %dma_start3A_586 = arith.constant 0 : i32
      %dma_start3A_587 = arith.constant 0 : i32
      %dma_start3A_588 = tpu.memref_slice %arg10[%dma_start3A_586, %dma_start3A_587] : memref<1792x32xbf16, #tpu.memory_space<vmem>> -> memref<896x32xbf16, #tpu.memory_space<vmem>>
      tpu.enqueue_dma source(%dma_start3A_588 : memref<896x32xbf16, #tpu.memory_space<vmem>>) target(%dma_start3A_585 : memref<896x32xbf16, #tpu.memory_space<hbm>>) target_semaphore(%run_scoped3A : memref<!tpu.dma_semaphore, #tpu.memory_space<semaphore_mem>>)
      %dma_wait3A_589 = arith.constant 0 : i32
      %dma_wait3A_590 = arith.constant 0 : i32
      %dma_wait3A_591 = tpu.memref_slice %arg10[%dma_wait3A_589, %dma_wait3A_590] : memref<1792x32xbf16, #tpu.memory_space<vmem>> -> memref<896x32xbf16, #tpu.memory_space<vmem>>
      %dma_wait3A_592 = arith.constant 0 : i32
      %dma_wait3A_593 = tpu.memref_slice %arg6[%add3A_332, %dma_wait3A_592] : memref<458752x32xbf16, #tpu.memory_space<hbm>> -> memref<896x32xbf16, #tpu.memory_space<hbm>>
      %dma_wait3A_594 = arith.constant 0 : i32
      %dma_wait3A_595 = tpu.memref_slice %arg6[%add3A_332, %dma_wait3A_594] : memref<458752x32xbf16, #tpu.memory_space<hbm>> -> memref<896x32xbf16, #tpu.memory_space<hbm>>
      %dma_wait3A_596 = arith.constant 0 : i32
      %dma_wait3A_597 = arith.constant 0 : i32
      %dma_wait3A_598 = tpu.memref_slice %arg10[%dma_wait3A_596, %dma_wait3A_597] : memref<1792x32xbf16, #tpu.memory_space<vmem>> -> memref<896x32xbf16, #tpu.memory_space<vmem>>
      tpu.wait_dma2 semaphore(%run_scoped3A : memref<!tpu.dma_semaphore, #tpu.memory_space<semaphore_mem>>) src(%dma_wait3A_598 : memref<896x32xbf16, #tpu.memory_space<vmem>>) dst(%dma_wait3A_595 : memref<896x32xbf16, #tpu.memory_space<hbm>>)
      tpu.yield
    }) : () -> ()
    %dma_wait3A_333 = arith.constant 0 : i32
    %dma_wait3A_334 = arith.constant 0 : i32
    %dma_wait3A_335 = tpu.memref_slice %arg11[%dma_wait3A_333, %dma_wait3A_334] : memref<1792x32xbf16, #tpu.memory_space<vmem>> -> memref<896x32xbf16, #tpu.memory_space<vmem>>
    %dma_wait3A_336 = arith.constant 7168 : i32
    %dma_wait3A_337 = tpu.memref_slice %arg9[%dma_wait3A_336] : memref<14336xi32, #tpu.memory_space<vmem>> -> memref<896xi32, #tpu.memory_space<vmem>>
    %dma_wait3A_338 = arith.constant 0 : i32
    %dma_wait3A_339 = arith.constant 0 : i32
    %dma_wait3A_340 = tpu.memref_slice %arg5[%dma_wait3A_338, %dma_wait3A_339] : memref<51200x32xbf16, #tpu.memory_space<hbm>> -> memref<51200x32xbf16, #tpu.memory_space<hbm>>
    tpu.wait_indirect_dma semaphore(%arg12 : memref<!tpu.dma_semaphore, #tpu.memory_space<semaphore_mem>>) src(%dma_wait3A_340 : memref<51200x32xbf16, #tpu.memory_space<hbm>>) dst(%dma_wait3A_335 : memref<896x32xbf16, #tpu.memory_space<vmem>>)
    %add3A_341 = arith.constant 7168 : i32
    %add3A_342 = arith.addi %mul3A_4, %add3A_341 : i32
    "tpu.region"() ({
      %run_scoped3A = tpu.sem_alloc : memref<!tpu.dma_semaphore, #tpu.memory_space<semaphore_mem>>
      %dma_start3A_579 = arith.constant 0 : i32
      %dma_start3A_580 = arith.constant 0 : i32
      %dma_start3A_581 = tpu.memref_slice %arg11[%dma_start3A_579, %dma_start3A_580] : memref<1792x32xbf16, #tpu.memory_space<vmem>> -> memref<896x32xbf16, #tpu.memory_space<vmem>>
      %dma_start3A_582 = arith.constant 0 : i32
      %dma_start3A_583 = tpu.memref_slice %arg7[%add3A_342, %dma_start3A_582] : memref<458752x32xbf16, #tpu.memory_space<hbm>> -> memref<896x32xbf16, #tpu.memory_space<hbm>>
      %dma_start3A_584 = arith.constant 0 : i32
      %dma_start3A_585 = tpu.memref_slice %arg7[%add3A_342, %dma_start3A_584] : memref<458752x32xbf16, #tpu.memory_space<hbm>> -> memref<896x32xbf16, #tpu.memory_space<hbm>>
      %dma_start3A_586 = arith.constant 0 : i32
      %dma_start3A_587 = arith.constant 0 : i32
      %dma_start3A_588 = tpu.memref_slice %arg11[%dma_start3A_586, %dma_start3A_587] : memref<1792x32xbf16, #tpu.memory_space<vmem>> -> memref<896x32xbf16, #tpu.memory_space<vmem>>
      tpu.enqueue_dma source(%dma_start3A_588 : memref<896x32xbf16, #tpu.memory_space<vmem>>) target(%dma_start3A_585 : memref<896x32xbf16, #tpu.memory_space<hbm>>) target_semaphore(%run_scoped3A : memref<!tpu.dma_semaphore, #tpu.memory_space<semaphore_mem>>)
      %dma_wait3A_589 = arith.constant 0 : i32
      %dma_wait3A_590 = arith.constant 0 : i32
      %dma_wait3A_591 = tpu.memref_slice %arg11[%dma_wait3A_589, %dma_wait3A_590] : memref<1792x32xbf16, #tpu.memory_space<vmem>> -> memref<896x32xbf16, #tpu.memory_space<vmem>>
      %dma_wait3A_592 = arith.constant 0 : i32
      %dma_wait3A_593 = tpu.memref_slice %arg7[%add3A_342, %dma_wait3A_592] : memref<458752x32xbf16, #tpu.memory_space<hbm>> -> memref<896x32xbf16, #tpu.memory_space<hbm>>
      %dma_wait3A_594 = arith.constant 0 : i32
      %dma_wait3A_595 = tpu.memref_slice %arg7[%add3A_342, %dma_wait3A_594] : memref<458752x32xbf16, #tpu.memory_space<hbm>> -> memref<896x32xbf16, #tpu.memory_space<hbm>>
      %dma_wait3A_596 = arith.constant 0 : i32
      %dma_wait3A_597 = arith.constant 0 : i32
      %dma_wait3A_598 = tpu.memref_slice %arg11[%dma_wait3A_596, %dma_wait3A_597] : memref<1792x32xbf16, #tpu.memory_space<vmem>> -> memref<896x32xbf16, #tpu.memory_space<vmem>>
      tpu.wait_dma2 semaphore(%run_scoped3A : memref<!tpu.dma_semaphore, #tpu.memory_space<semaphore_mem>>) src(%dma_wait3A_598 : memref<896x32xbf16, #tpu.memory_space<vmem>>) dst(%dma_wait3A_595 : memref<896x32xbf16, #tpu.memory_space<hbm>>)
      tpu.yield
    }) : () -> ()
    %dma_start3A_343 = arith.constant 0 : i32
    %dma_start3A_344 = arith.constant 0 : i32
    %dma_start3A_345 = tpu.memref_slice %arg10[%dma_start3A_343, %dma_start3A_344] : memref<1792x32xbf16, #tpu.memory_space<vmem>> -> memref<896x32xbf16, #tpu.memory_space<vmem>>
    %dma_start3A_346 = arith.constant 8960 : i32
    %dma_start3A_347 = tpu.memref_slice %arg8[%dma_start3A_346] : memref<14336xi32, #tpu.memory_space<vmem>> -> memref<896xi32, #tpu.memory_space<vmem>>
    %dma_start3A_348 = arith.constant 0 : i32
    %dma_start3A_349 = arith.constant 0 : i32
    %dma_start3A_350 = tpu.memref_slice %arg4[%dma_start3A_348, %dma_start3A_349] : memref<12800x32xbf16, #tpu.memory_space<hbm>> -> memref<12800x32xbf16, #tpu.memory_space<hbm>>
    tpu.enqueue_indirect_dma source(%dma_start3A_350 : memref<12800x32xbf16, #tpu.memory_space<hbm>>) target(%dma_start3A_345 : memref<896x32xbf16, #tpu.memory_space<vmem>>) offsets(%dma_start3A_347 : memref<896xi32, #tpu.memory_space<vmem>>) semaphore(%arg12 : memref<!tpu.dma_semaphore, #tpu.memory_space<semaphore_mem>>)
    %dma_start3A_351 = arith.constant 0 : i32
    %dma_start3A_352 = arith.constant 0 : i32
    %dma_start3A_353 = tpu.memref_slice %arg11[%dma_start3A_351, %dma_start3A_352] : memref<1792x32xbf16, #tpu.memory_space<vmem>> -> memref<896x32xbf16, #tpu.memory_space<vmem>>
    %dma_start3A_354 = arith.constant 8960 : i32
    %dma_start3A_355 = tpu.memref_slice %arg9[%dma_start3A_354] : memref<14336xi32, #tpu.memory_space<vmem>> -> memref<896xi32, #tpu.memory_space<vmem>>
    %dma_start3A_356 = arith.constant 0 : i32
    %dma_start3A_357 = arith.constant 0 : i32
    %dma_start3A_358 = tpu.memref_slice %arg5[%dma_start3A_356, %dma_start3A_357] : memref<51200x32xbf16, #tpu.memory_space<hbm>> -> memref<51200x32xbf16, #tpu.memory_space<hbm>>
    tpu.enqueue_indirect_dma source(%dma_start3A_358 : memref<51200x32xbf16, #tpu.memory_space<hbm>>) target(%dma_start3A_353 : memref<896x32xbf16, #tpu.memory_space<vmem>>) offsets(%dma_start3A_355 : memref<896xi32, #tpu.memory_space<vmem>>) semaphore(%arg12 : memref<!tpu.dma_semaphore, #tpu.memory_space<semaphore_mem>>)
    %dma_wait3A_359 = arith.constant 896 : i32
    %dma_wait3A_360 = arith.constant 0 : i32
    %dma_wait3A_361 = tpu.memref_slice %arg10[%dma_wait3A_359, %dma_wait3A_360] : memref<1792x32xbf16, #tpu.memory_space<vmem>> -> memref<896x32xbf16, #tpu.memory_space<vmem>>
    %dma_wait3A_362 = arith.constant 8064 : i32
    %dma_wait3A_363 = tpu.memref_slice %arg8[%dma_wait3A_362] : memref<14336xi32, #tpu.memory_space<vmem>> -> memref<896xi32, #tpu.memory_space<vmem>>
    %dma_wait3A_364 = arith.constant 0 : i32
    %dma_wait3A_365 = arith.constant 0 : i32
    %dma_wait3A_366 = tpu.memref_slice %arg4[%dma_wait3A_364, %dma_wait3A_365] : memref<12800x32xbf16, #tpu.memory_space<hbm>> -> memref<12800x32xbf16, #tpu.memory_space<hbm>>
    tpu.wait_indirect_dma semaphore(%arg12 : memref<!tpu.dma_semaphore, #tpu.memory_space<semaphore_mem>>) src(%dma_wait3A_366 : memref<12800x32xbf16, #tpu.memory_space<hbm>>) dst(%dma_wait3A_361 : memref<896x32xbf16, #tpu.memory_space<vmem>>)
    %add3A_367 = arith.constant 8064 : i32
    %add3A_368 = arith.addi %mul3A_4, %add3A_367 : i32
    "tpu.region"() ({
      %run_scoped3A = tpu.sem_alloc : memref<!tpu.dma_semaphore, #tpu.memory_space<semaphore_mem>>
      %dma_start3A_579 = arith.constant 896 : i32
      %dma_start3A_580 = arith.constant 0 : i32
      %dma_start3A_581 = tpu.memref_slice %arg10[%dma_start3A_579, %dma_start3A_580] : memref<1792x32xbf16, #tpu.memory_space<vmem>> -> memref<896x32xbf16, #tpu.memory_space<vmem>>
      %dma_start3A_582 = arith.constant 0 : i32
      %dma_start3A_583 = tpu.memref_slice %arg6[%add3A_368, %dma_start3A_582] : memref<458752x32xbf16, #tpu.memory_space<hbm>> -> memref<896x32xbf16, #tpu.memory_space<hbm>>
      %dma_start3A_584 = arith.constant 0 : i32
      %dma_start3A_585 = tpu.memref_slice %arg6[%add3A_368, %dma_start3A_584] : memref<458752x32xbf16, #tpu.memory_space<hbm>> -> memref<896x32xbf16, #tpu.memory_space<hbm>>
      %dma_start3A_586 = arith.constant 896 : i32
      %dma_start3A_587 = arith.constant 0 : i32
      %dma_start3A_588 = tpu.memref_slice %arg10[%dma_start3A_586, %dma_start3A_587] : memref<1792x32xbf16, #tpu.memory_space<vmem>> -> memref<896x32xbf16, #tpu.memory_space<vmem>>
      tpu.enqueue_dma source(%dma_start3A_588 : memref<896x32xbf16, #tpu.memory_space<vmem>>) target(%dma_start3A_585 : memref<896x32xbf16, #tpu.memory_space<hbm>>) target_semaphore(%run_scoped3A : memref<!tpu.dma_semaphore, #tpu.memory_space<semaphore_mem>>)
      %dma_wait3A_589 = arith.constant 896 : i32
      %dma_wait3A_590 = arith.constant 0 : i32
      %dma_wait3A_591 = tpu.memref_slice %arg10[%dma_wait3A_589, %dma_wait3A_590] : memref<1792x32xbf16, #tpu.memory_space<vmem>> -> memref<896x32xbf16, #tpu.memory_space<vmem>>
      %dma_wait3A_592 = arith.constant 0 : i32
      %dma_wait3A_593 = tpu.memref_slice %arg6[%add3A_368, %dma_wait3A_592] : memref<458752x32xbf16, #tpu.memory_space<hbm>> -> memref<896x32xbf16, #tpu.memory_space<hbm>>
      %dma_wait3A_594 = arith.constant 0 : i32
      %dma_wait3A_595 = tpu.memref_slice %arg6[%add3A_368, %dma_wait3A_594] : memref<458752x32xbf16, #tpu.memory_space<hbm>> -> memref<896x32xbf16, #tpu.memory_space<hbm>>
      %dma_wait3A_596 = arith.constant 896 : i32
      %dma_wait3A_597 = arith.constant 0 : i32
      %dma_wait3A_598 = tpu.memref_slice %arg10[%dma_wait3A_596, %dma_wait3A_597] : memref<1792x32xbf16, #tpu.memory_space<vmem>> -> memref<896x32xbf16, #tpu.memory_space<vmem>>
      tpu.wait_dma2 semaphore(%run_scoped3A : memref<!tpu.dma_semaphore, #tpu.memory_space<semaphore_mem>>) src(%dma_wait3A_598 : memref<896x32xbf16, #tpu.memory_space<vmem>>) dst(%dma_wait3A_595 : memref<896x32xbf16, #tpu.memory_space<hbm>>)
      tpu.yield
    }) : () -> ()
    %dma_wait3A_369 = arith.constant 896 : i32
    %dma_wait3A_370 = arith.constant 0 : i32
    %dma_wait3A_371 = tpu.memref_slice %arg11[%dma_wait3A_369, %dma_wait3A_370] : memref<1792x32xbf16, #tpu.memory_space<vmem>> -> memref<896x32xbf16, #tpu.memory_space<vmem>>
    %dma_wait3A_372 = arith.constant 8064 : i32
    %dma_wait3A_373 = tpu.memref_slice %arg9[%dma_wait3A_372] : memref<14336xi32, #tpu.memory_space<vmem>> -> memref<896xi32, #tpu.memory_space<vmem>>
    %dma_wait3A_374 = arith.constant 0 : i32
    %dma_wait3A_375 = arith.constant 0 : i32
    %dma_wait3A_376 = tpu.memref_slice %arg5[%dma_wait3A_374, %dma_wait3A_375] : memref<51200x32xbf16, #tpu.memory_space<hbm>> -> memref<51200x32xbf16, #tpu.memory_space<hbm>>
    tpu.wait_indirect_dma semaphore(%arg12 : memref<!tpu.dma_semaphore, #tpu.memory_space<semaphore_mem>>) src(%dma_wait3A_376 : memref<51200x32xbf16, #tpu.memory_space<hbm>>) dst(%dma_wait3A_371 : memref<896x32xbf16, #tpu.memory_space<vmem>>)
    %add3A_377 = arith.constant 8064 : i32
    %add3A_378 = arith.addi %mul3A_4, %add3A_377 : i32
    "tpu.region"() ({
      %run_scoped3A = tpu.sem_alloc : memref<!tpu.dma_semaphore, #tpu.memory_space<semaphore_mem>>
      %dma_start3A_579 = arith.constant 896 : i32
      %dma_start3A_580 = arith.constant 0 : i32
      %dma_start3A_581 = tpu.memref_slice %arg11[%dma_start3A_579, %dma_start3A_580] : memref<1792x32xbf16, #tpu.memory_space<vmem>> -> memref<896x32xbf16, #tpu.memory_space<vmem>>
      %dma_start3A_582 = arith.constant 0 : i32
      %dma_start3A_583 = tpu.memref_slice %arg7[%add3A_378, %dma_start3A_582] : memref<458752x32xbf16, #tpu.memory_space<hbm>> -> memref<896x32xbf16, #tpu.memory_space<hbm>>
      %dma_start3A_584 = arith.constant 0 : i32
      %dma_start3A_585 = tpu.memref_slice %arg7[%add3A_378, %dma_start3A_584] : memref<458752x32xbf16, #tpu.memory_space<hbm>> -> memref<896x32xbf16, #tpu.memory_space<hbm>>
      %dma_start3A_586 = arith.constant 896 : i32
      %dma_start3A_587 = arith.constant 0 : i32
      %dma_start3A_588 = tpu.memref_slice %arg11[%dma_start3A_586, %dma_start3A_587] : memref<1792x32xbf16, #tpu.memory_space<vmem>> -> memref<896x32xbf16, #tpu.memory_space<vmem>>
      tpu.enqueue_dma source(%dma_start3A_588 : memref<896x32xbf16, #tpu.memory_space<vmem>>) target(%dma_start3A_585 : memref<896x32xbf16, #tpu.memory_space<hbm>>) target_semaphore(%run_scoped3A : memref<!tpu.dma_semaphore, #tpu.memory_space<semaphore_mem>>)
      %dma_wait3A_589 = arith.constant 896 : i32
      %dma_wait3A_590 = arith.constant 0 : i32
      %dma_wait3A_591 = tpu.memref_slice %arg11[%dma_wait3A_589, %dma_wait3A_590] : memref<1792x32xbf16, #tpu.memory_space<vmem>> -> memref<896x32xbf16, #tpu.memory_space<vmem>>
      %dma_wait3A_592 = arith.constant 0 : i32
      %dma_wait3A_593 = tpu.memref_slice %arg7[%add3A_378, %dma_wait3A_592] : memref<458752x32xbf16, #tpu.memory_space<hbm>> -> memref<896x32xbf16, #tpu.memory_space<hbm>>
      %dma_wait3A_594 = arith.constant 0 : i32
      %dma_wait3A_595 = tpu.memref_slice %arg7[%add3A_378, %dma_wait3A_594] : memref<458752x32xbf16, #tpu.memory_space<hbm>> -> memref<896x32xbf16, #tpu.memory_space<hbm>>
      %dma_wait3A_596 = arith.constant 896 : i32
      %dma_wait3A_597 = arith.constant 0 : i32
      %dma_wait3A_598 = tpu.memref_slice %arg11[%dma_wait3A_596, %dma_wait3A_597] : memref<1792x32xbf16, #tpu.memory_space<vmem>> -> memref<896x32xbf16, #tpu.memory_space<vmem>>
      tpu.wait_dma2 semaphore(%run_scoped3A : memref<!tpu.dma_semaphore, #tpu.memory_space<semaphore_mem>>) src(%dma_wait3A_598 : memref<896x32xbf16, #tpu.memory_space<vmem>>) dst(%dma_wait3A_595 : memref<896x32xbf16, #tpu.memory_space<hbm>>)
      tpu.yield
    }) : () -> ()
    %dma_start3A_379 = arith.constant 896 : i32
    %dma_start3A_380 = arith.constant 0 : i32
    %dma_start3A_381 = tpu.memref_slice %arg10[%dma_start3A_379, %dma_start3A_380] : memref<1792x32xbf16, #tpu.memory_space<vmem>> -> memref<896x32xbf16, #tpu.memory_space<vmem>>
    %dma_start3A_382 = arith.constant 9856 : i32
    %dma_start3A_383 = tpu.memref_slice %arg8[%dma_start3A_382] : memref<14336xi32, #tpu.memory_space<vmem>> -> memref<896xi32, #tpu.memory_space<vmem>>
    %dma_start3A_384 = arith.constant 0 : i32
    %dma_start3A_385 = arith.constant 0 : i32
    %dma_start3A_386 = tpu.memref_slice %arg4[%dma_start3A_384, %dma_start3A_385] : memref<12800x32xbf16, #tpu.memory_space<hbm>> -> memref<12800x32xbf16, #tpu.memory_space<hbm>>
    tpu.enqueue_indirect_dma source(%dma_start3A_386 : memref<12800x32xbf16, #tpu.memory_space<hbm>>) target(%dma_start3A_381 : memref<896x32xbf16, #tpu.memory_space<vmem>>) offsets(%dma_start3A_383 : memref<896xi32, #tpu.memory_space<vmem>>) semaphore(%arg12 : memref<!tpu.dma_semaphore, #tpu.memory_space<semaphore_mem>>)
    %dma_start3A_387 = arith.constant 896 : i32
    %dma_start3A_388 = arith.constant 0 : i32
    %dma_start3A_389 = tpu.memref_slice %arg11[%dma_start3A_387, %dma_start3A_388] : memref<1792x32xbf16, #tpu.memory_space<vmem>> -> memref<896x32xbf16, #tpu.memory_space<vmem>>
    %dma_start3A_390 = arith.constant 9856 : i32
    %dma_start3A_391 = tpu.memref_slice %arg9[%dma_start3A_390] : memref<14336xi32, #tpu.memory_space<vmem>> -> memref<896xi32, #tpu.memory_space<vmem>>
    %dma_start3A_392 = arith.constant 0 : i32
    %dma_start3A_393 = arith.constant 0 : i32
    %dma_start3A_394 = tpu.memref_slice %arg5[%dma_start3A_392, %dma_start3A_393] : memref<51200x32xbf16, #tpu.memory_space<hbm>> -> memref<51200x32xbf16, #tpu.memory_space<hbm>>
    tpu.enqueue_indirect_dma source(%dma_start3A_394 : memref<51200x32xbf16, #tpu.memory_space<hbm>>) target(%dma_start3A_389 : memref<896x32xbf16, #tpu.memory_space<vmem>>) offsets(%dma_start3A_391 : memref<896xi32, #tpu.memory_space<vmem>>) semaphore(%arg12 : memref<!tpu.dma_semaphore, #tpu.memory_space<semaphore_mem>>)
    %dma_wait3A_395 = arith.constant 0 : i32
    %dma_wait3A_396 = arith.constant 0 : i32
    %dma_wait3A_397 = tpu.memref_slice %arg10[%dma_wait3A_395, %dma_wait3A_396] : memref<1792x32xbf16, #tpu.memory_space<vmem>> -> memref<896x32xbf16, #tpu.memory_space<vmem>>
    %dma_wait3A_398 = arith.constant 8960 : i32
    %dma_wait3A_399 = tpu.memref_slice %arg8[%dma_wait3A_398] : memref<14336xi32, #tpu.memory_space<vmem>> -> memref<896xi32, #tpu.memory_space<vmem>>
    %dma_wait3A_400 = arith.constant 0 : i32
    %dma_wait3A_401 = arith.constant 0 : i32
    %dma_wait3A_402 = tpu.memref_slice %arg4[%dma_wait3A_400, %dma_wait3A_401] : memref<12800x32xbf16, #tpu.memory_space<hbm>> -> memref<12800x32xbf16, #tpu.memory_space<hbm>>
    tpu.wait_indirect_dma semaphore(%arg12 : memref<!tpu.dma_semaphore, #tpu.memory_space<semaphore_mem>>) src(%dma_wait3A_402 : memref<12800x32xbf16, #tpu.memory_space<hbm>>) dst(%dma_wait3A_397 : memref<896x32xbf16, #tpu.memory_space<vmem>>)
    %add3A_403 = arith.constant 8960 : i32
    %add3A_404 = arith.addi %mul3A_4, %add3A_403 : i32
    "tpu.region"() ({
      %run_scoped3A = tpu.sem_alloc : memref<!tpu.dma_semaphore, #tpu.memory_space<semaphore_mem>>
      %dma_start3A_579 = arith.constant 0 : i32
      %dma_start3A_580 = arith.constant 0 : i32
      %dma_start3A_581 = tpu.memref_slice %arg10[%dma_start3A_579, %dma_start3A_580] : memref<1792x32xbf16, #tpu.memory_space<vmem>> -> memref<896x32xbf16, #tpu.memory_space<vmem>>
      %dma_start3A_582 = arith.constant 0 : i32
      %dma_start3A_583 = tpu.memref_slice %arg6[%add3A_404, %dma_start3A_582] : memref<458752x32xbf16, #tpu.memory_space<hbm>> -> memref<896x32xbf16, #tpu.memory_space<hbm>>
      %dma_start3A_584 = arith.constant 0 : i32
      %dma_start3A_585 = tpu.memref_slice %arg6[%add3A_404, %dma_start3A_584] : memref<458752x32xbf16, #tpu.memory_space<hbm>> -> memref<896x32xbf16, #tpu.memory_space<hbm>>
      %dma_start3A_586 = arith.constant 0 : i32
      %dma_start3A_587 = arith.constant 0 : i32
      %dma_start3A_588 = tpu.memref_slice %arg10[%dma_start3A_586, %dma_start3A_587] : memref<1792x32xbf16, #tpu.memory_space<vmem>> -> memref<896x32xbf16, #tpu.memory_space<vmem>>
      tpu.enqueue_dma source(%dma_start3A_588 : memref<896x32xbf16, #tpu.memory_space<vmem>>) target(%dma_start3A_585 : memref<896x32xbf16, #tpu.memory_space<hbm>>) target_semaphore(%run_scoped3A : memref<!tpu.dma_semaphore, #tpu.memory_space<semaphore_mem>>)
      %dma_wait3A_589 = arith.constant 0 : i32
      %dma_wait3A_590 = arith.constant 0 : i32
      %dma_wait3A_591 = tpu.memref_slice %arg10[%dma_wait3A_589, %dma_wait3A_590] : memref<1792x32xbf16, #tpu.memory_space<vmem>> -> memref<896x32xbf16, #tpu.memory_space<vmem>>
      %dma_wait3A_592 = arith.constant 0 : i32
      %dma_wait3A_593 = tpu.memref_slice %arg6[%add3A_404, %dma_wait3A_592] : memref<458752x32xbf16, #tpu.memory_space<hbm>> -> memref<896x32xbf16, #tpu.memory_space<hbm>>
      %dma_wait3A_594 = arith.constant 0 : i32
      %dma_wait3A_595 = tpu.memref_slice %arg6[%add3A_404, %dma_wait3A_594] : memref<458752x32xbf16, #tpu.memory_space<hbm>> -> memref<896x32xbf16, #tpu.memory_space<hbm>>
      %dma_wait3A_596 = arith.constant 0 : i32
      %dma_wait3A_597 = arith.constant 0 : i32
      %dma_wait3A_598 = tpu.memref_slice %arg10[%dma_wait3A_596, %dma_wait3A_597] : memref<1792x32xbf16, #tpu.memory_space<vmem>> -> memref<896x32xbf16, #tpu.memory_space<vmem>>
      tpu.wait_dma2 semaphore(%run_scoped3A : memref<!tpu.dma_semaphore, #tpu.memory_space<semaphore_mem>>) src(%dma_wait3A_598 : memref<896x32xbf16, #tpu.memory_space<vmem>>) dst(%dma_wait3A_595 : memref<896x32xbf16, #tpu.memory_space<hbm>>)
      tpu.yield
    }) : () -> ()
    %dma_wait3A_405 = arith.constant 0 : i32
    %dma_wait3A_406 = arith.constant 0 : i32
    %dma_wait3A_407 = tpu.memref_slice %arg11[%dma_wait3A_405, %dma_wait3A_406] : memref<1792x32xbf16, #tpu.memory_space<vmem>> -> memref<896x32xbf16, #tpu.memory_space<vmem>>
    %dma_wait3A_408 = arith.constant 8960 : i32
    %dma_wait3A_409 = tpu.memref_slice %arg9[%dma_wait3A_408] : memref<14336xi32, #tpu.memory_space<vmem>> -> memref<896xi32, #tpu.memory_space<vmem>>
    %dma_wait3A_410 = arith.constant 0 : i32
    %dma_wait3A_411 = arith.constant 0 : i32
    %dma_wait3A_412 = tpu.memref_slice %arg5[%dma_wait3A_410, %dma_wait3A_411] : memref<51200x32xbf16, #tpu.memory_space<hbm>> -> memref<51200x32xbf16, #tpu.memory_space<hbm>>
    tpu.wait_indirect_dma semaphore(%arg12 : memref<!tpu.dma_semaphore, #tpu.memory_space<semaphore_mem>>) src(%dma_wait3A_412 : memref<51200x32xbf16, #tpu.memory_space<hbm>>) dst(%dma_wait3A_407 : memref<896x32xbf16, #tpu.memory_space<vmem>>)
    %add3A_413 = arith.constant 8960 : i32
    %add3A_414 = arith.addi %mul3A_4, %add3A_413 : i32
    "tpu.region"() ({
      %run_scoped3A = tpu.sem_alloc : memref<!tpu.dma_semaphore, #tpu.memory_space<semaphore_mem>>
      %dma_start3A_579 = arith.constant 0 : i32
      %dma_start3A_580 = arith.constant 0 : i32
      %dma_start3A_581 = tpu.memref_slice %arg11[%dma_start3A_579, %dma_start3A_580] : memref<1792x32xbf16, #tpu.memory_space<vmem>> -> memref<896x32xbf16, #tpu.memory_space<vmem>>
      %dma_start3A_582 = arith.constant 0 : i32
      %dma_start3A_583 = tpu.memref_slice %arg7[%add3A_414, %dma_start3A_582] : memref<458752x32xbf16, #tpu.memory_space<hbm>> -> memref<896x32xbf16, #tpu.memory_space<hbm>>
      %dma_start3A_584 = arith.constant 0 : i32
      %dma_start3A_585 = tpu.memref_slice %arg7[%add3A_414, %dma_start3A_584] : memref<458752x32xbf16, #tpu.memory_space<hbm>> -> memref<896x32xbf16, #tpu.memory_space<hbm>>
      %dma_start3A_586 = arith.constant 0 : i32
      %dma_start3A_587 = arith.constant 0 : i32
      %dma_start3A_588 = tpu.memref_slice %arg11[%dma_start3A_586, %dma_start3A_587] : memref<1792x32xbf16, #tpu.memory_space<vmem>> -> memref<896x32xbf16, #tpu.memory_space<vmem>>
      tpu.enqueue_dma source(%dma_start3A_588 : memref<896x32xbf16, #tpu.memory_space<vmem>>) target(%dma_start3A_585 : memref<896x32xbf16, #tpu.memory_space<hbm>>) target_semaphore(%run_scoped3A : memref<!tpu.dma_semaphore, #tpu.memory_space<semaphore_mem>>)
      %dma_wait3A_589 = arith.constant 0 : i32
      %dma_wait3A_590 = arith.constant 0 : i32
      %dma_wait3A_591 = tpu.memref_slice %arg11[%dma_wait3A_589, %dma_wait3A_590] : memref<1792x32xbf16, #tpu.memory_space<vmem>> -> memref<896x32xbf16, #tpu.memory_space<vmem>>
      %dma_wait3A_592 = arith.constant 0 : i32
      %dma_wait3A_593 = tpu.memref_slice %arg7[%add3A_414, %dma_wait3A_592] : memref<458752x32xbf16, #tpu.memory_space<hbm>> -> memref<896x32xbf16, #tpu.memory_space<hbm>>
      %dma_wait3A_594 = arith.constant 0 : i32
      %dma_wait3A_595 = tpu.memref_slice %arg7[%add3A_414, %dma_wait3A_594] : memref<458752x32xbf16, #tpu.memory_space<hbm>> -> memref<896x32xbf16, #tpu.memory_space<hbm>>
      %dma_wait3A_596 = arith.constant 0 : i32
      %dma_wait3A_597 = arith.constant 0 : i32
      %dma_wait3A_598 = tpu.memref_slice %arg11[%dma_wait3A_596, %dma_wait3A_597] : memref<1792x32xbf16, #tpu.memory_space<vmem>> -> memref<896x32xbf16, #tpu.memory_space<vmem>>
      tpu.wait_dma2 semaphore(%run_scoped3A : memref<!tpu.dma_semaphore, #tpu.memory_space<semaphore_mem>>) src(%dma_wait3A_598 : memref<896x32xbf16, #tpu.memory_space<vmem>>) dst(%dma_wait3A_595 : memref<896x32xbf16, #tpu.memory_space<hbm>>)
      tpu.yield
    }) : () -> ()
    %dma_start3A_415 = arith.constant 0 : i32
    %dma_start3A_416 = arith.constant 0 : i32
    %dma_start3A_417 = tpu.memref_slice %arg10[%dma_start3A_415, %dma_start3A_416] : memref<1792x32xbf16, #tpu.memory_space<vmem>> -> memref<896x32xbf16, #tpu.memory_space<vmem>>
    %dma_start3A_418 = arith.constant 10752 : i32
    %dma_start3A_419 = tpu.memref_slice %arg8[%dma_start3A_418] : memref<14336xi32, #tpu.memory_space<vmem>> -> memref<896xi32, #tpu.memory_space<vmem>>
    %dma_start3A_420 = arith.constant 0 : i32
    %dma_start3A_421 = arith.constant 0 : i32
    %dma_start3A_422 = tpu.memref_slice %arg4[%dma_start3A_420, %dma_start3A_421] : memref<12800x32xbf16, #tpu.memory_space<hbm>> -> memref<12800x32xbf16, #tpu.memory_space<hbm>>
    tpu.enqueue_indirect_dma source(%dma_start3A_422 : memref<12800x32xbf16, #tpu.memory_space<hbm>>) target(%dma_start3A_417 : memref<896x32xbf16, #tpu.memory_space<vmem>>) offsets(%dma_start3A_419 : memref<896xi32, #tpu.memory_space<vmem>>) semaphore(%arg12 : memref<!tpu.dma_semaphore, #tpu.memory_space<semaphore_mem>>)
    %dma_start3A_423 = arith.constant 0 : i32
    %dma_start3A_424 = arith.constant 0 : i32
    %dma_start3A_425 = tpu.memref_slice %arg11[%dma_start3A_423, %dma_start3A_424] : memref<1792x32xbf16, #tpu.memory_space<vmem>> -> memref<896x32xbf16, #tpu.memory_space<vmem>>
    %dma_start3A_426 = arith.constant 10752 : i32
    %dma_start3A_427 = tpu.memref_slice %arg9[%dma_start3A_426] : memref<14336xi32, #tpu.memory_space<vmem>> -> memref<896xi32, #tpu.memory_space<vmem>>
    %dma_start3A_428 = arith.constant 0 : i32
    %dma_start3A_429 = arith.constant 0 : i32
    %dma_start3A_430 = tpu.memref_slice %arg5[%dma_start3A_428, %dma_start3A_429] : memref<51200x32xbf16, #tpu.memory_space<hbm>> -> memref<51200x32xbf16, #tpu.memory_space<hbm>>
    tpu.enqueue_indirect_dma source(%dma_start3A_430 : memref<51200x32xbf16, #tpu.memory_space<hbm>>) target(%dma_start3A_425 : memref<896x32xbf16, #tpu.memory_space<vmem>>) offsets(%dma_start3A_427 : memref<896xi32, #tpu.memory_space<vmem>>) semaphore(%arg12 : memref<!tpu.dma_semaphore, #tpu.memory_space<semaphore_mem>>)
    %dma_wait3A_431 = arith.constant 896 : i32
    %dma_wait3A_432 = arith.constant 0 : i32
    %dma_wait3A_433 = tpu.memref_slice %arg10[%dma_wait3A_431, %dma_wait3A_432] : memref<1792x32xbf16, #tpu.memory_space<vmem>> -> memref<896x32xbf16, #tpu.memory_space<vmem>>
    %dma_wait3A_434 = arith.constant 9856 : i32
    %dma_wait3A_435 = tpu.memref_slice %arg8[%dma_wait3A_434] : memref<14336xi32, #tpu.memory_space<vmem>> -> memref<896xi32, #tpu.memory_space<vmem>>
    %dma_wait3A_436 = arith.constant 0 : i32
    %dma_wait3A_437 = arith.constant 0 : i32
    %dma_wait3A_438 = tpu.memref_slice %arg4[%dma_wait3A_436, %dma_wait3A_437] : memref<12800x32xbf16, #tpu.memory_space<hbm>> -> memref<12800x32xbf16, #tpu.memory_space<hbm>>
    tpu.wait_indirect_dma semaphore(%arg12 : memref<!tpu.dma_semaphore, #tpu.memory_space<semaphore_mem>>) src(%dma_wait3A_438 : memref<12800x32xbf16, #tpu.memory_space<hbm>>) dst(%dma_wait3A_433 : memref<896x32xbf16, #tpu.memory_space<vmem>>)
    %add3A_439 = arith.constant 9856 : i32
    %add3A_440 = arith.addi %mul3A_4, %add3A_439 : i32
    "tpu.region"() ({
      %run_scoped3A = tpu.sem_alloc : memref<!tpu.dma_semaphore, #tpu.memory_space<semaphore_mem>>
      %dma_start3A_579 = arith.constant 896 : i32
      %dma_start3A_580 = arith.constant 0 : i32
      %dma_start3A_581 = tpu.memref_slice %arg10[%dma_start3A_579, %dma_start3A_580] : memref<1792x32xbf16, #tpu.memory_space<vmem>> -> memref<896x32xbf16, #tpu.memory_space<vmem>>
      %dma_start3A_582 = arith.constant 0 : i32
      %dma_start3A_583 = tpu.memref_slice %arg6[%add3A_440, %dma_start3A_582] : memref<458752x32xbf16, #tpu.memory_space<hbm>> -> memref<896x32xbf16, #tpu.memory_space<hbm>>
      %dma_start3A_584 = arith.constant 0 : i32
      %dma_start3A_585 = tpu.memref_slice %arg6[%add3A_440, %dma_start3A_584] : memref<458752x32xbf16, #tpu.memory_space<hbm>> -> memref<896x32xbf16, #tpu.memory_space<hbm>>
      %dma_start3A_586 = arith.constant 896 : i32
      %dma_start3A_587 = arith.constant 0 : i32
      %dma_start3A_588 = tpu.memref_slice %arg10[%dma_start3A_586, %dma_start3A_587] : memref<1792x32xbf16, #tpu.memory_space<vmem>> -> memref<896x32xbf16, #tpu.memory_space<vmem>>
      tpu.enqueue_dma source(%dma_start3A_588 : memref<896x32xbf16, #tpu.memory_space<vmem>>) target(%dma_start3A_585 : memref<896x32xbf16, #tpu.memory_space<hbm>>) target_semaphore(%run_scoped3A : memref<!tpu.dma_semaphore, #tpu.memory_space<semaphore_mem>>)
      %dma_wait3A_589 = arith.constant 896 : i32
      %dma_wait3A_590 = arith.constant 0 : i32
      %dma_wait3A_591 = tpu.memref_slice %arg10[%dma_wait3A_589, %dma_wait3A_590] : memref<1792x32xbf16, #tpu.memory_space<vmem>> -> memref<896x32xbf16, #tpu.memory_space<vmem>>
      %dma_wait3A_592 = arith.constant 0 : i32
      %dma_wait3A_593 = tpu.memref_slice %arg6[%add3A_440, %dma_wait3A_592] : memref<458752x32xbf16, #tpu.memory_space<hbm>> -> memref<896x32xbf16, #tpu.memory_space<hbm>>
      %dma_wait3A_594 = arith.constant 0 : i32
      %dma_wait3A_595 = tpu.memref_slice %arg6[%add3A_440, %dma_wait3A_594] : memref<458752x32xbf16, #tpu.memory_space<hbm>> -> memref<896x32xbf16, #tpu.memory_space<hbm>>
      %dma_wait3A_596 = arith.constant 896 : i32
      %dma_wait3A_597 = arith.constant 0 : i32
      %dma_wait3A_598 = tpu.memref_slice %arg10[%dma_wait3A_596, %dma_wait3A_597] : memref<1792x32xbf16, #tpu.memory_space<vmem>> -> memref<896x32xbf16, #tpu.memory_space<vmem>>
      tpu.wait_dma2 semaphore(%run_scoped3A : memref<!tpu.dma_semaphore, #tpu.memory_space<semaphore_mem>>) src(%dma_wait3A_598 : memref<896x32xbf16, #tpu.memory_space<vmem>>) dst(%dma_wait3A_595 : memref<896x32xbf16, #tpu.memory_space<hbm>>)
      tpu.yield
    }) : () -> ()
    %dma_wait3A_441 = arith.constant 896 : i32
    %dma_wait3A_442 = arith.constant 0 : i32
    %dma_wait3A_443 = tpu.memref_slice %arg11[%dma_wait3A_441, %dma_wait3A_442] : memref<1792x32xbf16, #tpu.memory_space<vmem>> -> memref<896x32xbf16, #tpu.memory_space<vmem>>
    %dma_wait3A_444 = arith.constant 9856 : i32
    %dma_wait3A_445 = tpu.memref_slice %arg9[%dma_wait3A_444] : memref<14336xi32, #tpu.memory_space<vmem>> -> memref<896xi32, #tpu.memory_space<vmem>>
    %dma_wait3A_446 = arith.constant 0 : i32
    %dma_wait3A_447 = arith.constant 0 : i32
    %dma_wait3A_448 = tpu.memref_slice %arg5[%dma_wait3A_446, %dma_wait3A_447] : memref<51200x32xbf16, #tpu.memory_space<hbm>> -> memref<51200x32xbf16, #tpu.memory_space<hbm>>
    tpu.wait_indirect_dma semaphore(%arg12 : memref<!tpu.dma_semaphore, #tpu.memory_space<semaphore_mem>>) src(%dma_wait3A_448 : memref<51200x32xbf16, #tpu.memory_space<hbm>>) dst(%dma_wait3A_443 : memref<896x32xbf16, #tpu.memory_space<vmem>>)
    %add3A_449 = arith.constant 9856 : i32
    %add3A_450 = arith.addi %mul3A_4, %add3A_449 : i32
    "tpu.region"() ({
      %run_scoped3A = tpu.sem_alloc : memref<!tpu.dma_semaphore, #tpu.memory_space<semaphore_mem>>
      %dma_start3A_579 = arith.constant 896 : i32
      %dma_start3A_580 = arith.constant 0 : i32
      %dma_start3A_581 = tpu.memref_slice %arg11[%dma_start3A_579, %dma_start3A_580] : memref<1792x32xbf16, #tpu.memory_space<vmem>> -> memref<896x32xbf16, #tpu.memory_space<vmem>>
      %dma_start3A_582 = arith.constant 0 : i32
      %dma_start3A_583 = tpu.memref_slice %arg7[%add3A_450, %dma_start3A_582] : memref<458752x32xbf16, #tpu.memory_space<hbm>> -> memref<896x32xbf16, #tpu.memory_space<hbm>>
      %dma_start3A_584 = arith.constant 0 : i32
      %dma_start3A_585 = tpu.memref_slice %arg7[%add3A_450, %dma_start3A_584] : memref<458752x32xbf16, #tpu.memory_space<hbm>> -> memref<896x32xbf16, #tpu.memory_space<hbm>>
      %dma_start3A_586 = arith.constant 896 : i32
      %dma_start3A_587 = arith.constant 0 : i32
      %dma_start3A_588 = tpu.memref_slice %arg11[%dma_start3A_586, %dma_start3A_587] : memref<1792x32xbf16, #tpu.memory_space<vmem>> -> memref<896x32xbf16, #tpu.memory_space<vmem>>
      tpu.enqueue_dma source(%dma_start3A_588 : memref<896x32xbf16, #tpu.memory_space<vmem>>) target(%dma_start3A_585 : memref<896x32xbf16, #tpu.memory_space<hbm>>) target_semaphore(%run_scoped3A : memref<!tpu.dma_semaphore, #tpu.memory_space<semaphore_mem>>)
      %dma_wait3A_589 = arith.constant 896 : i32
      %dma_wait3A_590 = arith.constant 0 : i32
      %dma_wait3A_591 = tpu.memref_slice %arg11[%dma_wait3A_589, %dma_wait3A_590] : memref<1792x32xbf16, #tpu.memory_space<vmem>> -> memref<896x32xbf16, #tpu.memory_space<vmem>>
      %dma_wait3A_592 = arith.constant 0 : i32
      %dma_wait3A_593 = tpu.memref_slice %arg7[%add3A_450, %dma_wait3A_592] : memref<458752x32xbf16, #tpu.memory_space<hbm>> -> memref<896x32xbf16, #tpu.memory_space<hbm>>
      %dma_wait3A_594 = arith.constant 0 : i32
      %dma_wait3A_595 = tpu.memref_slice %arg7[%add3A_450, %dma_wait3A_594] : memref<458752x32xbf16, #tpu.memory_space<hbm>> -> memref<896x32xbf16, #tpu.memory_space<hbm>>
      %dma_wait3A_596 = arith.constant 896 : i32
      %dma_wait3A_597 = arith.constant 0 : i32
      %dma_wait3A_598 = tpu.memref_slice %arg11[%dma_wait3A_596, %dma_wait3A_597] : memref<1792x32xbf16, #tpu.memory_space<vmem>> -> memref<896x32xbf16, #tpu.memory_space<vmem>>
      tpu.wait_dma2 semaphore(%run_scoped3A : memref<!tpu.dma_semaphore, #tpu.memory_space<semaphore_mem>>) src(%dma_wait3A_598 : memref<896x32xbf16, #tpu.memory_space<vmem>>) dst(%dma_wait3A_595 : memref<896x32xbf16, #tpu.memory_space<hbm>>)
      tpu.yield
    }) : () -> ()
    %dma_start3A_451 = arith.constant 896 : i32
    %dma_start3A_452 = arith.constant 0 : i32
    %dma_start3A_453 = tpu.memref_slice %arg10[%dma_start3A_451, %dma_start3A_452] : memref<1792x32xbf16, #tpu.memory_space<vmem>> -> memref<896x32xbf16, #tpu.memory_space<vmem>>
    %dma_start3A_454 = arith.constant 11648 : i32
    %dma_start3A_455 = tpu.memref_slice %arg8[%dma_start3A_454] : memref<14336xi32, #tpu.memory_space<vmem>> -> memref<896xi32, #tpu.memory_space<vmem>>
    %dma_start3A_456 = arith.constant 0 : i32
    %dma_start3A_457 = arith.constant 0 : i32
    %dma_start3A_458 = tpu.memref_slice %arg4[%dma_start3A_456, %dma_start3A_457] : memref<12800x32xbf16, #tpu.memory_space<hbm>> -> memref<12800x32xbf16, #tpu.memory_space<hbm>>
    tpu.enqueue_indirect_dma source(%dma_start3A_458 : memref<12800x32xbf16, #tpu.memory_space<hbm>>) target(%dma_start3A_453 : memref<896x32xbf16, #tpu.memory_space<vmem>>) offsets(%dma_start3A_455 : memref<896xi32, #tpu.memory_space<vmem>>) semaphore(%arg12 : memref<!tpu.dma_semaphore, #tpu.memory_space<semaphore_mem>>)
    %dma_start3A_459 = arith.constant 896 : i32
    %dma_start3A_460 = arith.constant 0 : i32
    %dma_start3A_461 = tpu.memref_slice %arg11[%dma_start3A_459, %dma_start3A_460] : memref<1792x32xbf16, #tpu.memory_space<vmem>> -> memref<896x32xbf16, #tpu.memory_space<vmem>>
    %dma_start3A_462 = arith.constant 11648 : i32
    %dma_start3A_463 = tpu.memref_slice %arg9[%dma_start3A_462] : memref<14336xi32, #tpu.memory_space<vmem>> -> memref<896xi32, #tpu.memory_space<vmem>>
    %dma_start3A_464 = arith.constant 0 : i32
    %dma_start3A_465 = arith.constant 0 : i32
    %dma_start3A_466 = tpu.memref_slice %arg5[%dma_start3A_464, %dma_start3A_465] : memref<51200x32xbf16, #tpu.memory_space<hbm>> -> memref<51200x32xbf16, #tpu.memory_space<hbm>>
    tpu.enqueue_indirect_dma source(%dma_start3A_466 : memref<51200x32xbf16, #tpu.memory_space<hbm>>) target(%dma_start3A_461 : memref<896x32xbf16, #tpu.memory_space<vmem>>) offsets(%dma_start3A_463 : memref<896xi32, #tpu.memory_space<vmem>>) semaphore(%arg12 : memref<!tpu.dma_semaphore, #tpu.memory_space<semaphore_mem>>)
    %dma_wait3A_467 = arith.constant 0 : i32
    %dma_wait3A_468 = arith.constant 0 : i32
    %dma_wait3A_469 = tpu.memref_slice %arg10[%dma_wait3A_467, %dma_wait3A_468] : memref<1792x32xbf16, #tpu.memory_space<vmem>> -> memref<896x32xbf16, #tpu.memory_space<vmem>>
    %dma_wait3A_470 = arith.constant 10752 : i32
    %dma_wait3A_471 = tpu.memref_slice %arg8[%dma_wait3A_470] : memref<14336xi32, #tpu.memory_space<vmem>> -> memref<896xi32, #tpu.memory_space<vmem>>
    %dma_wait3A_472 = arith.constant 0 : i32
    %dma_wait3A_473 = arith.constant 0 : i32
    %dma_wait3A_474 = tpu.memref_slice %arg4[%dma_wait3A_472, %dma_wait3A_473] : memref<12800x32xbf16, #tpu.memory_space<hbm>> -> memref<12800x32xbf16, #tpu.memory_space<hbm>>
    tpu.wait_indirect_dma semaphore(%arg12 : memref<!tpu.dma_semaphore, #tpu.memory_space<semaphore_mem>>) src(%dma_wait3A_474 : memref<12800x32xbf16, #tpu.memory_space<hbm>>) dst(%dma_wait3A_469 : memref<896x32xbf16, #tpu.memory_space<vmem>>)
    %add3A_475 = arith.constant 10752 : i32
    %add3A_476 = arith.addi %mul3A_4, %add3A_475 : i32
    "tpu.region"() ({
      %run_scoped3A = tpu.sem_alloc : memref<!tpu.dma_semaphore, #tpu.memory_space<semaphore_mem>>
      %dma_start3A_579 = arith.constant 0 : i32
      %dma_start3A_580 = arith.constant 0 : i32
      %dma_start3A_581 = tpu.memref_slice %arg10[%dma_start3A_579, %dma_start3A_580] : memref<1792x32xbf16, #tpu.memory_space<vmem>> -> memref<896x32xbf16, #tpu.memory_space<vmem>>
      %dma_start3A_582 = arith.constant 0 : i32
      %dma_start3A_583 = tpu.memref_slice %arg6[%add3A_476, %dma_start3A_582] : memref<458752x32xbf16, #tpu.memory_space<hbm>> -> memref<896x32xbf16, #tpu.memory_space<hbm>>
      %dma_start3A_584 = arith.constant 0 : i32
      %dma_start3A_585 = tpu.memref_slice %arg6[%add3A_476, %dma_start3A_584] : memref<458752x32xbf16, #tpu.memory_space<hbm>> -> memref<896x32xbf16, #tpu.memory_space<hbm>>
      %dma_start3A_586 = arith.constant 0 : i32
      %dma_start3A_587 = arith.constant 0 : i32
      %dma_start3A_588 = tpu.memref_slice %arg10[%dma_start3A_586, %dma_start3A_587] : memref<1792x32xbf16, #tpu.memory_space<vmem>> -> memref<896x32xbf16, #tpu.memory_space<vmem>>
      tpu.enqueue_dma source(%dma_start3A_588 : memref<896x32xbf16, #tpu.memory_space<vmem>>) target(%dma_start3A_585 : memref<896x32xbf16, #tpu.memory_space<hbm>>) target_semaphore(%run_scoped3A : memref<!tpu.dma_semaphore, #tpu.memory_space<semaphore_mem>>)
      %dma_wait3A_589 = arith.constant 0 : i32
      %dma_wait3A_590 = arith.constant 0 : i32
      %dma_wait3A_591 = tpu.memref_slice %arg10[%dma_wait3A_589, %dma_wait3A_590] : memref<1792x32xbf16, #tpu.memory_space<vmem>> -> memref<896x32xbf16, #tpu.memory_space<vmem>>
      %dma_wait3A_592 = arith.constant 0 : i32
      %dma_wait3A_593 = tpu.memref_slice %arg6[%add3A_476, %dma_wait3A_592] : memref<458752x32xbf16, #tpu.memory_space<hbm>> -> memref<896x32xbf16, #tpu.memory_space<hbm>>
      %dma_wait3A_594 = arith.constant 0 : i32
      %dma_wait3A_595 = tpu.memref_slice %arg6[%add3A_476, %dma_wait3A_594] : memref<458752x32xbf16, #tpu.memory_space<hbm>> -> memref<896x32xbf16, #tpu.memory_space<hbm>>
      %dma_wait3A_596 = arith.constant 0 : i32
      %dma_wait3A_597 = arith.constant 0 : i32
      %dma_wait3A_598 = tpu.memref_slice %arg10[%dma_wait3A_596, %dma_wait3A_597] : memref<1792x32xbf16, #tpu.memory_space<vmem>> -> memref<896x32xbf16, #tpu.memory_space<vmem>>
      tpu.wait_dma2 semaphore(%run_scoped3A : memref<!tpu.dma_semaphore, #tpu.memory_space<semaphore_mem>>) src(%dma_wait3A_598 : memref<896x32xbf16, #tpu.memory_space<vmem>>) dst(%dma_wait3A_595 : memref<896x32xbf16, #tpu.memory_space<hbm>>)
      tpu.yield
    }) : () -> ()
    %dma_wait3A_477 = arith.constant 0 : i32
    %dma_wait3A_478 = arith.constant 0 : i32
    %dma_wait3A_479 = tpu.memref_slice %arg11[%dma_wait3A_477, %dma_wait3A_478] : memref<1792x32xbf16, #tpu.memory_space<vmem>> -> memref<896x32xbf16, #tpu.memory_space<vmem>>
    %dma_wait3A_480 = arith.constant 10752 : i32
    %dma_wait3A_481 = tpu.memref_slice %arg9[%dma_wait3A_480] : memref<14336xi32, #tpu.memory_space<vmem>> -> memref<896xi32, #tpu.memory_space<vmem>>
    %dma_wait3A_482 = arith.constant 0 : i32
    %dma_wait3A_483 = arith.constant 0 : i32
    %dma_wait3A_484 = tpu.memref_slice %arg5[%dma_wait3A_482, %dma_wait3A_483] : memref<51200x32xbf16, #tpu.memory_space<hbm>> -> memref<51200x32xbf16, #tpu.memory_space<hbm>>
    tpu.wait_indirect_dma semaphore(%arg12 : memref<!tpu.dma_semaphore, #tpu.memory_space<semaphore_mem>>) src(%dma_wait3A_484 : memref<51200x32xbf16, #tpu.memory_space<hbm>>) dst(%dma_wait3A_479 : memref<896x32xbf16, #tpu.memory_space<vmem>>)
    %add3A_485 = arith.constant 10752 : i32
    %add3A_486 = arith.addi %mul3A_4, %add3A_485 : i32
    "tpu.region"() ({
      %run_scoped3A = tpu.sem_alloc : memref<!tpu.dma_semaphore, #tpu.memory_space<semaphore_mem>>
      %dma_start3A_579 = arith.constant 0 : i32
      %dma_start3A_580 = arith.constant 0 : i32
      %dma_start3A_581 = tpu.memref_slice %arg11[%dma_start3A_579, %dma_start3A_580] : memref<1792x32xbf16, #tpu.memory_space<vmem>> -> memref<896x32xbf16, #tpu.memory_space<vmem>>
      %dma_start3A_582 = arith.constant 0 : i32
      %dma_start3A_583 = tpu.memref_slice %arg7[%add3A_486, %dma_start3A_582] : memref<458752x32xbf16, #tpu.memory_space<hbm>> -> memref<896x32xbf16, #tpu.memory_space<hbm>>
      %dma_start3A_584 = arith.constant 0 : i32
      %dma_start3A_585 = tpu.memref_slice %arg7[%add3A_486, %dma_start3A_584] : memref<458752x32xbf16, #tpu.memory_space<hbm>> -> memref<896x32xbf16, #tpu.memory_space<hbm>>
      %dma_start3A_586 = arith.constant 0 : i32
      %dma_start3A_587 = arith.constant 0 : i32
      %dma_start3A_588 = tpu.memref_slice %arg11[%dma_start3A_586, %dma_start3A_587] : memref<1792x32xbf16, #tpu.memory_space<vmem>> -> memref<896x32xbf16, #tpu.memory_space<vmem>>
      tpu.enqueue_dma source(%dma_start3A_588 : memref<896x32xbf16, #tpu.memory_space<vmem>>) target(%dma_start3A_585 : memref<896x32xbf16, #tpu.memory_space<hbm>>) target_semaphore(%run_scoped3A : memref<!tpu.dma_semaphore, #tpu.memory_space<semaphore_mem>>)
      %dma_wait3A_589 = arith.constant 0 : i32
      %dma_wait3A_590 = arith.constant 0 : i32
      %dma_wait3A_591 = tpu.memref_slice %arg11[%dma_wait3A_589, %dma_wait3A_590] : memref<1792x32xbf16, #tpu.memory_space<vmem>> -> memref<896x32xbf16, #tpu.memory_space<vmem>>
      %dma_wait3A_592 = arith.constant 0 : i32
      %dma_wait3A_593 = tpu.memref_slice %arg7[%add3A_486, %dma_wait3A_592] : memref<458752x32xbf16, #tpu.memory_space<hbm>> -> memref<896x32xbf16, #tpu.memory_space<hbm>>
      %dma_wait3A_594 = arith.constant 0 : i32
      %dma_wait3A_595 = tpu.memref_slice %arg7[%add3A_486, %dma_wait3A_594] : memref<458752x32xbf16, #tpu.memory_space<hbm>> -> memref<896x32xbf16, #tpu.memory_space<hbm>>
      %dma_wait3A_596 = arith.constant 0 : i32
      %dma_wait3A_597 = arith.constant 0 : i32
      %dma_wait3A_598 = tpu.memref_slice %arg11[%dma_wait3A_596, %dma_wait3A_597] : memref<1792x32xbf16, #tpu.memory_space<vmem>> -> memref<896x32xbf16, #tpu.memory_space<vmem>>
      tpu.wait_dma2 semaphore(%run_scoped3A : memref<!tpu.dma_semaphore, #tpu.memory_space<semaphore_mem>>) src(%dma_wait3A_598 : memref<896x32xbf16, #tpu.memory_space<vmem>>) dst(%dma_wait3A_595 : memref<896x32xbf16, #tpu.memory_space<hbm>>)
      tpu.yield
    }) : () -> ()
    %dma_start3A_487 = arith.constant 0 : i32
    %dma_start3A_488 = arith.constant 0 : i32
    %dma_start3A_489 = tpu.memref_slice %arg10[%dma_start3A_487, %dma_start3A_488] : memref<1792x32xbf16, #tpu.memory_space<vmem>> -> memref<896x32xbf16, #tpu.memory_space<vmem>>
    %dma_start3A_490 = arith.constant 12544 : i32
    %dma_start3A_491 = tpu.memref_slice %arg8[%dma_start3A_490] : memref<14336xi32, #tpu.memory_space<vmem>> -> memref<896xi32, #tpu.memory_space<vmem>>
    %dma_start3A_492 = arith.constant 0 : i32
    %dma_start3A_493 = arith.constant 0 : i32
    %dma_start3A_494 = tpu.memref_slice %arg4[%dma_start3A_492, %dma_start3A_493] : memref<12800x32xbf16, #tpu.memory_space<hbm>> -> memref<12800x32xbf16, #tpu.memory_space<hbm>>
    tpu.enqueue_indirect_dma source(%dma_start3A_494 : memref<12800x32xbf16, #tpu.memory_space<hbm>>) target(%dma_start3A_489 : memref<896x32xbf16, #tpu.memory_space<vmem>>) offsets(%dma_start3A_491 : memref<896xi32, #tpu.memory_space<vmem>>) semaphore(%arg12 : memref<!tpu.dma_semaphore, #tpu.memory_space<semaphore_mem>>)
    %dma_start3A_495 = arith.constant 0 : i32
    %dma_start3A_496 = arith.constant 0 : i32
    %dma_start3A_497 = tpu.memref_slice %arg11[%dma_start3A_495, %dma_start3A_496] : memref<1792x32xbf16, #tpu.memory_space<vmem>> -> memref<896x32xbf16, #tpu.memory_space<vmem>>
    %dma_start3A_498 = arith.constant 12544 : i32
    %dma_start3A_499 = tpu.memref_slice %arg9[%dma_start3A_498] : memref<14336xi32, #tpu.memory_space<vmem>> -> memref<896xi32, #tpu.memory_space<vmem>>
    %dma_start3A_500 = arith.constant 0 : i32
    %dma_start3A_501 = arith.constant 0 : i32
    %dma_start3A_502 = tpu.memref_slice %arg5[%dma_start3A_500, %dma_start3A_501] : memref<51200x32xbf16, #tpu.memory_space<hbm>> -> memref<51200x32xbf16, #tpu.memory_space<hbm>>
    tpu.enqueue_indirect_dma source(%dma_start3A_502 : memref<51200x32xbf16, #tpu.memory_space<hbm>>) target(%dma_start3A_497 : memref<896x32xbf16, #tpu.memory_space<vmem>>) offsets(%dma_start3A_499 : memref<896xi32, #tpu.memory_space<vmem>>) semaphore(%arg12 : memref<!tpu.dma_semaphore, #tpu.memory_space<semaphore_mem>>)
    %dma_wait3A_503 = arith.constant 896 : i32
    %dma_wait3A_504 = arith.constant 0 : i32
    %dma_wait3A_505 = tpu.memref_slice %arg10[%dma_wait3A_503, %dma_wait3A_504] : memref<1792x32xbf16, #tpu.memory_space<vmem>> -> memref<896x32xbf16, #tpu.memory_space<vmem>>
    %dma_wait3A_506 = arith.constant 11648 : i32
    %dma_wait3A_507 = tpu.memref_slice %arg8[%dma_wait3A_506] : memref<14336xi32, #tpu.memory_space<vmem>> -> memref<896xi32, #tpu.memory_space<vmem>>
    %dma_wait3A_508 = arith.constant 0 : i32
    %dma_wait3A_509 = arith.constant 0 : i32
    %dma_wait3A_510 = tpu.memref_slice %arg4[%dma_wait3A_508, %dma_wait3A_509] : memref<12800x32xbf16, #tpu.memory_space<hbm>> -> memref<12800x32xbf16, #tpu.memory_space<hbm>>
    tpu.wait_indirect_dma semaphore(%arg12 : memref<!tpu.dma_semaphore, #tpu.memory_space<semaphore_mem>>) src(%dma_wait3A_510 : memref<12800x32xbf16, #tpu.memory_space<hbm>>) dst(%dma_wait3A_505 : memref<896x32xbf16, #tpu.memory_space<vmem>>)
    %add3A_511 = arith.constant 11648 : i32
    %add3A_512 = arith.addi %mul3A_4, %add3A_511 : i32
    "tpu.region"() ({
      %run_scoped3A = tpu.sem_alloc : memref<!tpu.dma_semaphore, #tpu.memory_space<semaphore_mem>>
      %dma_start3A_579 = arith.constant 896 : i32
      %dma_start3A_580 = arith.constant 0 : i32
      %dma_start3A_581 = tpu.memref_slice %arg10[%dma_start3A_579, %dma_start3A_580] : memref<1792x32xbf16, #tpu.memory_space<vmem>> -> memref<896x32xbf16, #tpu.memory_space<vmem>>
      %dma_start3A_582 = arith.constant 0 : i32
      %dma_start3A_583 = tpu.memref_slice %arg6[%add3A_512, %dma_start3A_582] : memref<458752x32xbf16, #tpu.memory_space<hbm>> -> memref<896x32xbf16, #tpu.memory_space<hbm>>
      %dma_start3A_584 = arith.constant 0 : i32
      %dma_start3A_585 = tpu.memref_slice %arg6[%add3A_512, %dma_start3A_584] : memref<458752x32xbf16, #tpu.memory_space<hbm>> -> memref<896x32xbf16, #tpu.memory_space<hbm>>
      %dma_start3A_586 = arith.constant 896 : i32
      %dma_start3A_587 = arith.constant 0 : i32
      %dma_start3A_588 = tpu.memref_slice %arg10[%dma_start3A_586, %dma_start3A_587] : memref<1792x32xbf16, #tpu.memory_space<vmem>> -> memref<896x32xbf16, #tpu.memory_space<vmem>>
      tpu.enqueue_dma source(%dma_start3A_588 : memref<896x32xbf16, #tpu.memory_space<vmem>>) target(%dma_start3A_585 : memref<896x32xbf16, #tpu.memory_space<hbm>>) target_semaphore(%run_scoped3A : memref<!tpu.dma_semaphore, #tpu.memory_space<semaphore_mem>>)
      %dma_wait3A_589 = arith.constant 896 : i32
      %dma_wait3A_590 = arith.constant 0 : i32
      %dma_wait3A_591 = tpu.memref_slice %arg10[%dma_wait3A_589, %dma_wait3A_590] : memref<1792x32xbf16, #tpu.memory_space<vmem>> -> memref<896x32xbf16, #tpu.memory_space<vmem>>
      %dma_wait3A_592 = arith.constant 0 : i32
      %dma_wait3A_593 = tpu.memref_slice %arg6[%add3A_512, %dma_wait3A_592] : memref<458752x32xbf16, #tpu.memory_space<hbm>> -> memref<896x32xbf16, #tpu.memory_space<hbm>>
      %dma_wait3A_594 = arith.constant 0 : i32
      %dma_wait3A_595 = tpu.memref_slice %arg6[%add3A_512, %dma_wait3A_594] : memref<458752x32xbf16, #tpu.memory_space<hbm>> -> memref<896x32xbf16, #tpu.memory_space<hbm>>
      %dma_wait3A_596 = arith.constant 896 : i32
      %dma_wait3A_597 = arith.constant 0 : i32
      %dma_wait3A_598 = tpu.memref_slice %arg10[%dma_wait3A_596, %dma_wait3A_597] : memref<1792x32xbf16, #tpu.memory_space<vmem>> -> memref<896x32xbf16, #tpu.memory_space<vmem>>
      tpu.wait_dma2 semaphore(%run_scoped3A : memref<!tpu.dma_semaphore, #tpu.memory_space<semaphore_mem>>) src(%dma_wait3A_598 : memref<896x32xbf16, #tpu.memory_space<vmem>>) dst(%dma_wait3A_595 : memref<896x32xbf16, #tpu.memory_space<hbm>>)
      tpu.yield
    }) : () -> ()
    %dma_wait3A_513 = arith.constant 896 : i32
    %dma_wait3A_514 = arith.constant 0 : i32
    %dma_wait3A_515 = tpu.memref_slice %arg11[%dma_wait3A_513, %dma_wait3A_514] : memref<1792x32xbf16, #tpu.memory_space<vmem>> -> memref<896x32xbf16, #tpu.memory_space<vmem>>
    %dma_wait3A_516 = arith.constant 11648 : i32
    %dma_wait3A_517 = tpu.memref_slice %arg9[%dma_wait3A_516] : memref<14336xi32, #tpu.memory_space<vmem>> -> memref<896xi32, #tpu.memory_space<vmem>>
    %dma_wait3A_518 = arith.constant 0 : i32
    %dma_wait3A_519 = arith.constant 0 : i32
    %dma_wait3A_520 = tpu.memref_slice %arg5[%dma_wait3A_518, %dma_wait3A_519] : memref<51200x32xbf16, #tpu.memory_space<hbm>> -> memref<51200x32xbf16, #tpu.memory_space<hbm>>
    tpu.wait_indirect_dma semaphore(%arg12 : memref<!tpu.dma_semaphore, #tpu.memory_space<semaphore_mem>>) src(%dma_wait3A_520 : memref<51200x32xbf16, #tpu.memory_space<hbm>>) dst(%dma_wait3A_515 : memref<896x32xbf16, #tpu.memory_space<vmem>>)
    %add3A_521 = arith.constant 11648 : i32
    %add3A_522 = arith.addi %mul3A_4, %add3A_521 : i32
    "tpu.region"() ({
      %run_scoped3A = tpu.sem_alloc : memref<!tpu.dma_semaphore, #tpu.memory_space<semaphore_mem>>
      %dma_start3A_579 = arith.constant 896 : i32
      %dma_start3A_580 = arith.constant 0 : i32
      %dma_start3A_581 = tpu.memref_slice %arg11[%dma_start3A_579, %dma_start3A_580] : memref<1792x32xbf16, #tpu.memory_space<vmem>> -> memref<896x32xbf16, #tpu.memory_space<vmem>>
      %dma_start3A_582 = arith.constant 0 : i32
      %dma_start3A_583 = tpu.memref_slice %arg7[%add3A_522, %dma_start3A_582] : memref<458752x32xbf16, #tpu.memory_space<hbm>> -> memref<896x32xbf16, #tpu.memory_space<hbm>>
      %dma_start3A_584 = arith.constant 0 : i32
      %dma_start3A_585 = tpu.memref_slice %arg7[%add3A_522, %dma_start3A_584] : memref<458752x32xbf16, #tpu.memory_space<hbm>> -> memref<896x32xbf16, #tpu.memory_space<hbm>>
      %dma_start3A_586 = arith.constant 896 : i32
      %dma_start3A_587 = arith.constant 0 : i32
      %dma_start3A_588 = tpu.memref_slice %arg11[%dma_start3A_586, %dma_start3A_587] : memref<1792x32xbf16, #tpu.memory_space<vmem>> -> memref<896x32xbf16, #tpu.memory_space<vmem>>
      tpu.enqueue_dma source(%dma_start3A_588 : memref<896x32xbf16, #tpu.memory_space<vmem>>) target(%dma_start3A_585 : memref<896x32xbf16, #tpu.memory_space<hbm>>) target_semaphore(%run_scoped3A : memref<!tpu.dma_semaphore, #tpu.memory_space<semaphore_mem>>)
      %dma_wait3A_589 = arith.constant 896 : i32
      %dma_wait3A_590 = arith.constant 0 : i32
      %dma_wait3A_591 = tpu.memref_slice %arg11[%dma_wait3A_589, %dma_wait3A_590] : memref<1792x32xbf16, #tpu.memory_space<vmem>> -> memref<896x32xbf16, #tpu.memory_space<vmem>>
      %dma_wait3A_592 = arith.constant 0 : i32
      %dma_wait3A_593 = tpu.memref_slice %arg7[%add3A_522, %dma_wait3A_592] : memref<458752x32xbf16, #tpu.memory_space<hbm>> -> memref<896x32xbf16, #tpu.memory_space<hbm>>
      %dma_wait3A_594 = arith.constant 0 : i32
      %dma_wait3A_595 = tpu.memref_slice %arg7[%add3A_522, %dma_wait3A_594] : memref<458752x32xbf16, #tpu.memory_space<hbm>> -> memref<896x32xbf16, #tpu.memory_space<hbm>>
      %dma_wait3A_596 = arith.constant 896 : i32
      %dma_wait3A_597 = arith.constant 0 : i32
      %dma_wait3A_598 = tpu.memref_slice %arg11[%dma_wait3A_596, %dma_wait3A_597] : memref<1792x32xbf16, #tpu.memory_space<vmem>> -> memref<896x32xbf16, #tpu.memory_space<vmem>>
      tpu.wait_dma2 semaphore(%run_scoped3A : memref<!tpu.dma_semaphore, #tpu.memory_space<semaphore_mem>>) src(%dma_wait3A_598 : memref<896x32xbf16, #tpu.memory_space<vmem>>) dst(%dma_wait3A_595 : memref<896x32xbf16, #tpu.memory_space<hbm>>)
      tpu.yield
    }) : () -> ()
    %dma_start3A_523 = arith.constant 896 : i32
    %dma_start3A_524 = arith.constant 0 : i32
    %dma_start3A_525 = tpu.memref_slice %arg10[%dma_start3A_523, %dma_start3A_524] : memref<1792x32xbf16, #tpu.memory_space<vmem>> -> memref<896x32xbf16, #tpu.memory_space<vmem>>
    %dma_start3A_526 = arith.constant 13440 : i32
    %dma_start3A_527 = tpu.memref_slice %arg8[%dma_start3A_526] : memref<14336xi32, #tpu.memory_space<vmem>> -> memref<896xi32, #tpu.memory_space<vmem>>
    %dma_start3A_528 = arith.constant 0 : i32
    %dma_start3A_529 = arith.constant 0 : i32
    %dma_start3A_530 = tpu.memref_slice %arg4[%dma_start3A_528, %dma_start3A_529] : memref<12800x32xbf16, #tpu.memory_space<hbm>> -> memref<12800x32xbf16, #tpu.memory_space<hbm>>
    tpu.enqueue_indirect_dma source(%dma_start3A_530 : memref<12800x32xbf16, #tpu.memory_space<hbm>>) target(%dma_start3A_525 : memref<896x32xbf16, #tpu.memory_space<vmem>>) offsets(%dma_start3A_527 : memref<896xi32, #tpu.memory_space<vmem>>) semaphore(%arg12 : memref<!tpu.dma_semaphore, #tpu.memory_space<semaphore_mem>>)
    %dma_start3A_531 = arith.constant 896 : i32
    %dma_start3A_532 = arith.constant 0 : i32
    %dma_start3A_533 = tpu.memref_slice %arg11[%dma_start3A_531, %dma_start3A_532] : memref<1792x32xbf16, #tpu.memory_space<vmem>> -> memref<896x32xbf16, #tpu.memory_space<vmem>>
    %dma_start3A_534 = arith.constant 13440 : i32
    %dma_start3A_535 = tpu.memref_slice %arg9[%dma_start3A_534] : memref<14336xi32, #tpu.memory_space<vmem>> -> memref<896xi32, #tpu.memory_space<vmem>>
    %dma_start3A_536 = arith.constant 0 : i32
    %dma_start3A_537 = arith.constant 0 : i32
    %dma_start3A_538 = tpu.memref_slice %arg5[%dma_start3A_536, %dma_start3A_537] : memref<51200x32xbf16, #tpu.memory_space<hbm>> -> memref<51200x32xbf16, #tpu.memory_space<hbm>>
    tpu.enqueue_indirect_dma source(%dma_start3A_538 : memref<51200x32xbf16, #tpu.memory_space<hbm>>) target(%dma_start3A_533 : memref<896x32xbf16, #tpu.memory_space<vmem>>) offsets(%dma_start3A_535 : memref<896xi32, #tpu.memory_space<vmem>>) semaphore(%arg12 : memref<!tpu.dma_semaphore, #tpu.memory_space<semaphore_mem>>)
    %dma_wait3A_539 = arith.constant 0 : i32
    %dma_wait3A_540 = arith.constant 0 : i32
    %dma_wait3A_541 = tpu.memref_slice %arg10[%dma_wait3A_539, %dma_wait3A_540] : memref<1792x32xbf16, #tpu.memory_space<vmem>> -> memref<896x32xbf16, #tpu.memory_space<vmem>>
    %dma_wait3A_542 = arith.constant 12544 : i32
    %dma_wait3A_543 = tpu.memref_slice %arg8[%dma_wait3A_542] : memref<14336xi32, #tpu.memory_space<vmem>> -> memref<896xi32, #tpu.memory_space<vmem>>
    %dma_wait3A_544 = arith.constant 0 : i32
    %dma_wait3A_545 = arith.constant 0 : i32
    %dma_wait3A_546 = tpu.memref_slice %arg4[%dma_wait3A_544, %dma_wait3A_545] : memref<12800x32xbf16, #tpu.memory_space<hbm>> -> memref<12800x32xbf16, #tpu.memory_space<hbm>>
    tpu.wait_indirect_dma semaphore(%arg12 : memref<!tpu.dma_semaphore, #tpu.memory_space<semaphore_mem>>) src(%dma_wait3A_546 : memref<12800x32xbf16, #tpu.memory_space<hbm>>) dst(%dma_wait3A_541 : memref<896x32xbf16, #tpu.memory_space<vmem>>)
    %add3A_547 = arith.constant 12544 : i32
    %add3A_548 = arith.addi %mul3A_4, %add3A_547 : i32
    "tpu.region"() ({
      %run_scoped3A = tpu.sem_alloc : memref<!tpu.dma_semaphore, #tpu.memory_space<semaphore_mem>>
      %dma_start3A_579 = arith.constant 0 : i32
      %dma_start3A_580 = arith.constant 0 : i32
      %dma_start3A_581 = tpu.memref_slice %arg10[%dma_start3A_579, %dma_start3A_580] : memref<1792x32xbf16, #tpu.memory_space<vmem>> -> memref<896x32xbf16, #tpu.memory_space<vmem>>
      %dma_start3A_582 = arith.constant 0 : i32
      %dma_start3A_583 = tpu.memref_slice %arg6[%add3A_548, %dma_start3A_582] : memref<458752x32xbf16, #tpu.memory_space<hbm>> -> memref<896x32xbf16, #tpu.memory_space<hbm>>
      %dma_start3A_584 = arith.constant 0 : i32
      %dma_start3A_585 = tpu.memref_slice %arg6[%add3A_548, %dma_start3A_584] : memref<458752x32xbf16, #tpu.memory_space<hbm>> -> memref<896x32xbf16, #tpu.memory_space<hbm>>
      %dma_start3A_586 = arith.constant 0 : i32
      %dma_start3A_587 = arith.constant 0 : i32
      %dma_start3A_588 = tpu.memref_slice %arg10[%dma_start3A_586, %dma_start3A_587] : memref<1792x32xbf16, #tpu.memory_space<vmem>> -> memref<896x32xbf16, #tpu.memory_space<vmem>>
      tpu.enqueue_dma source(%dma_start3A_588 : memref<896x32xbf16, #tpu.memory_space<vmem>>) target(%dma_start3A_585 : memref<896x32xbf16, #tpu.memory_space<hbm>>) target_semaphore(%run_scoped3A : memref<!tpu.dma_semaphore, #tpu.memory_space<semaphore_mem>>)
      %dma_wait3A_589 = arith.constant 0 : i32
      %dma_wait3A_590 = arith.constant 0 : i32
      %dma_wait3A_591 = tpu.memref_slice %arg10[%dma_wait3A_589, %dma_wait3A_590] : memref<1792x32xbf16, #tpu.memory_space<vmem>> -> memref<896x32xbf16, #tpu.memory_space<vmem>>
      %dma_wait3A_592 = arith.constant 0 : i32
      %dma_wait3A_593 = tpu.memref_slice %arg6[%add3A_548, %dma_wait3A_592] : memref<458752x32xbf16, #tpu.memory_space<hbm>> -> memref<896x32xbf16, #tpu.memory_space<hbm>>
      %dma_wait3A_594 = arith.constant 0 : i32
      %dma_wait3A_595 = tpu.memref_slice %arg6[%add3A_548, %dma_wait3A_594] : memref<458752x32xbf16, #tpu.memory_space<hbm>> -> memref<896x32xbf16, #tpu.memory_space<hbm>>
      %dma_wait3A_596 = arith.constant 0 : i32
      %dma_wait3A_597 = arith.constant 0 : i32
      %dma_wait3A_598 = tpu.memref_slice %arg10[%dma_wait3A_596, %dma_wait3A_597] : memref<1792x32xbf16, #tpu.memory_space<vmem>> -> memref<896x32xbf16, #tpu.memory_space<vmem>>
      tpu.wait_dma2 semaphore(%run_scoped3A : memref<!tpu.dma_semaphore, #tpu.memory_space<semaphore_mem>>) src(%dma_wait3A_598 : memref<896x32xbf16, #tpu.memory_space<vmem>>) dst(%dma_wait3A_595 : memref<896x32xbf16, #tpu.memory_space<hbm>>)
      tpu.yield
    }) : () -> ()
    %dma_wait3A_549 = arith.constant 0 : i32
    %dma_wait3A_550 = arith.constant 0 : i32
    %dma_wait3A_551 = tpu.memref_slice %arg11[%dma_wait3A_549, %dma_wait3A_550] : memref<1792x32xbf16, #tpu.memory_space<vmem>> -> memref<896x32xbf16, #tpu.memory_space<vmem>>
    %dma_wait3A_552 = arith.constant 12544 : i32
    %dma_wait3A_553 = tpu.memref_slice %arg9[%dma_wait3A_552] : memref<14336xi32, #tpu.memory_space<vmem>> -> memref<896xi32, #tpu.memory_space<vmem>>
    %dma_wait3A_554 = arith.constant 0 : i32
    %dma_wait3A_555 = arith.constant 0 : i32
    %dma_wait3A_556 = tpu.memref_slice %arg5[%dma_wait3A_554, %dma_wait3A_555] : memref<51200x32xbf16, #tpu.memory_space<hbm>> -> memref<51200x32xbf16, #tpu.memory_space<hbm>>
    tpu.wait_indirect_dma semaphore(%arg12 : memref<!tpu.dma_semaphore, #tpu.memory_space<semaphore_mem>>) src(%dma_wait3A_556 : memref<51200x32xbf16, #tpu.memory_space<hbm>>) dst(%dma_wait3A_551 : memref<896x32xbf16, #tpu.memory_space<vmem>>)
    %add3A_557 = arith.constant 12544 : i32
    %add3A_558 = arith.addi %mul3A_4, %add3A_557 : i32
    "tpu.region"() ({
      %run_scoped3A = tpu.sem_alloc : memref<!tpu.dma_semaphore, #tpu.memory_space<semaphore_mem>>
      %dma_start3A_579 = arith.constant 0 : i32
      %dma_start3A_580 = arith.constant 0 : i32
      %dma_start3A_581 = tpu.memref_slice %arg11[%dma_start3A_579, %dma_start3A_580] : memref<1792x32xbf16, #tpu.memory_space<vmem>> -> memref<896x32xbf16, #tpu.memory_space<vmem>>
      %dma_start3A_582 = arith.constant 0 : i32
      %dma_start3A_583 = tpu.memref_slice %arg7[%add3A_558, %dma_start3A_582] : memref<458752x32xbf16, #tpu.memory_space<hbm>> -> memref<896x32xbf16, #tpu.memory_space<hbm>>
      %dma_start3A_584 = arith.constant 0 : i32
      %dma_start3A_585 = tpu.memref_slice %arg7[%add3A_558, %dma_start3A_584] : memref<458752x32xbf16, #tpu.memory_space<hbm>> -> memref<896x32xbf16, #tpu.memory_space<hbm>>
      %dma_start3A_586 = arith.constant 0 : i32
      %dma_start3A_587 = arith.constant 0 : i32
      %dma_start3A_588 = tpu.memref_slice %arg11[%dma_start3A_586, %dma_start3A_587] : memref<1792x32xbf16, #tpu.memory_space<vmem>> -> memref<896x32xbf16, #tpu.memory_space<vmem>>
      tpu.enqueue_dma source(%dma_start3A_588 : memref<896x32xbf16, #tpu.memory_space<vmem>>) target(%dma_start3A_585 : memref<896x32xbf16, #tpu.memory_space<hbm>>) target_semaphore(%run_scoped3A : memref<!tpu.dma_semaphore, #tpu.memory_space<semaphore_mem>>)
      %dma_wait3A_589 = arith.constant 0 : i32
      %dma_wait3A_590 = arith.constant 0 : i32
      %dma_wait3A_591 = tpu.memref_slice %arg11[%dma_wait3A_589, %dma_wait3A_590] : memref<1792x32xbf16, #tpu.memory_space<vmem>> -> memref<896x32xbf16, #tpu.memory_space<vmem>>
      %dma_wait3A_592 = arith.constant 0 : i32
      %dma_wait3A_593 = tpu.memref_slice %arg7[%add3A_558, %dma_wait3A_592] : memref<458752x32xbf16, #tpu.memory_space<hbm>> -> memref<896x32xbf16, #tpu.memory_space<hbm>>
      %dma_wait3A_594 = arith.constant 0 : i32
      %dma_wait3A_595 = tpu.memref_slice %arg7[%add3A_558, %dma_wait3A_594] : memref<458752x32xbf16, #tpu.memory_space<hbm>> -> memref<896x32xbf16, #tpu.memory_space<hbm>>
      %dma_wait3A_596 = arith.constant 0 : i32
      %dma_wait3A_597 = arith.constant 0 : i32
      %dma_wait3A_598 = tpu.memref_slice %arg11[%dma_wait3A_596, %dma_wait3A_597] : memref<1792x32xbf16, #tpu.memory_space<vmem>> -> memref<896x32xbf16, #tpu.memory_space<vmem>>
      tpu.wait_dma2 semaphore(%run_scoped3A : memref<!tpu.dma_semaphore, #tpu.memory_space<semaphore_mem>>) src(%dma_wait3A_598 : memref<896x32xbf16, #tpu.memory_space<vmem>>) dst(%dma_wait3A_595 : memref<896x32xbf16, #tpu.memory_space<hbm>>)
      tpu.yield
    }) : () -> ()
    %dma_wait3A_559 = arith.constant 896 : i32
    %dma_wait3A_560 = arith.constant 0 : i32
    %dma_wait3A_561 = tpu.memref_slice %arg10[%dma_wait3A_559, %dma_wait3A_560] : memref<1792x32xbf16, #tpu.memory_space<vmem>> -> memref<896x32xbf16, #tpu.memory_space<vmem>>
    %dma_wait3A_562 = arith.constant 13440 : i32
    %dma_wait3A_563 = tpu.memref_slice %arg8[%dma_wait3A_562] : memref<14336xi32, #tpu.memory_space<vmem>> -> memref<896xi32, #tpu.memory_space<vmem>>
    %dma_wait3A_564 = arith.constant 0 : i32
    %dma_wait3A_565 = arith.constant 0 : i32
    %dma_wait3A_566 = tpu.memref_slice %arg4[%dma_wait3A_564, %dma_wait3A_565] : memref<12800x32xbf16, #tpu.memory_space<hbm>> -> memref<12800x32xbf16, #tpu.memory_space<hbm>>
    tpu.wait_indirect_dma semaphore(%arg12 : memref<!tpu.dma_semaphore, #tpu.memory_space<semaphore_mem>>) src(%dma_wait3A_566 : memref<12800x32xbf16, #tpu.memory_space<hbm>>) dst(%dma_wait3A_561 : memref<896x32xbf16, #tpu.memory_space<vmem>>)
    %add3A_567 = arith.constant 13440 : i32
    %add3A_568 = arith.addi %mul3A_4, %add3A_567 : i32
    "tpu.region"() ({
      %run_scoped3A = tpu.sem_alloc : memref<!tpu.dma_semaphore, #tpu.memory_space<semaphore_mem>>
      %dma_start3A_579 = arith.constant 896 : i32
      %dma_start3A_580 = arith.constant 0 : i32
      %dma_start3A_581 = tpu.memref_slice %arg10[%dma_start3A_579, %dma_start3A_580] : memref<1792x32xbf16, #tpu.memory_space<vmem>> -> memref<896x32xbf16, #tpu.memory_space<vmem>>
      %dma_start3A_582 = arith.constant 0 : i32
      %dma_start3A_583 = tpu.memref_slice %arg6[%add3A_568, %dma_start3A_582] : memref<458752x32xbf16, #tpu.memory_space<hbm>> -> memref<896x32xbf16, #tpu.memory_space<hbm>>
      %dma_start3A_584 = arith.constant 0 : i32
      %dma_start3A_585 = tpu.memref_slice %arg6[%add3A_568, %dma_start3A_584] : memref<458752x32xbf16, #tpu.memory_space<hbm>> -> memref<896x32xbf16, #tpu.memory_space<hbm>>
      %dma_start3A_586 = arith.constant 896 : i32
      %dma_start3A_587 = arith.constant 0 : i32
      %dma_start3A_588 = tpu.memref_slice %arg10[%dma_start3A_586, %dma_start3A_587] : memref<1792x32xbf16, #tpu.memory_space<vmem>> -> memref<896x32xbf16, #tpu.memory_space<vmem>>
      tpu.enqueue_dma source(%dma_start3A_588 : memref<896x32xbf16, #tpu.memory_space<vmem>>) target(%dma_start3A_585 : memref<896x32xbf16, #tpu.memory_space<hbm>>) target_semaphore(%run_scoped3A : memref<!tpu.dma_semaphore, #tpu.memory_space<semaphore_mem>>)
      %dma_wait3A_589 = arith.constant 896 : i32
      %dma_wait3A_590 = arith.constant 0 : i32
      %dma_wait3A_591 = tpu.memref_slice %arg10[%dma_wait3A_589, %dma_wait3A_590] : memref<1792x32xbf16, #tpu.memory_space<vmem>> -> memref<896x32xbf16, #tpu.memory_space<vmem>>
      %dma_wait3A_592 = arith.constant 0 : i32
      %dma_wait3A_593 = tpu.memref_slice %arg6[%add3A_568, %dma_wait3A_592] : memref<458752x32xbf16, #tpu.memory_space<hbm>> -> memref<896x32xbf16, #tpu.memory_space<hbm>>
      %dma_wait3A_594 = arith.constant 0 : i32
      %dma_wait3A_595 = tpu.memref_slice %arg6[%add3A_568, %dma_wait3A_594] : memref<458752x32xbf16, #tpu.memory_space<hbm>> -> memref<896x32xbf16, #tpu.memory_space<hbm>>
      %dma_wait3A_596 = arith.constant 896 : i32
      %dma_wait3A_597 = arith.constant 0 : i32
      %dma_wait3A_598 = tpu.memref_slice %arg10[%dma_wait3A_596, %dma_wait3A_597] : memref<1792x32xbf16, #tpu.memory_space<vmem>> -> memref<896x32xbf16, #tpu.memory_space<vmem>>
      tpu.wait_dma2 semaphore(%run_scoped3A : memref<!tpu.dma_semaphore, #tpu.memory_space<semaphore_mem>>) src(%dma_wait3A_598 : memref<896x32xbf16, #tpu.memory_space<vmem>>) dst(%dma_wait3A_595 : memref<896x32xbf16, #tpu.memory_space<hbm>>)
      tpu.yield
    }) : () -> ()
    %dma_wait3A_569 = arith.constant 896 : i32
    %dma_wait3A_570 = arith.constant 0 : i32
    %dma_wait3A_571 = tpu.memref_slice %arg11[%dma_wait3A_569, %dma_wait3A_570] : memref<1792x32xbf16, #tpu.memory_space<vmem>> -> memref<896x32xbf16, #tpu.memory_space<vmem>>
    %dma_wait3A_572 = arith.constant 13440 : i32
    %dma_wait3A_573 = tpu.memref_slice %arg9[%dma_wait3A_572] : memref<14336xi32, #tpu.memory_space<vmem>> -> memref<896xi32, #tpu.memory_space<vmem>>
    %dma_wait3A_574 = arith.constant 0 : i32
    %dma_wait3A_575 = arith.constant 0 : i32
    %dma_wait3A_576 = tpu.memref_slice %arg5[%dma_wait3A_574, %dma_wait3A_575] : memref<51200x32xbf16, #tpu.memory_space<hbm>> -> memref<51200x32xbf16, #tpu.memory_space<hbm>>
    tpu.wait_indirect_dma semaphore(%arg12 : memref<!tpu.dma_semaphore, #tpu.memory_space<semaphore_mem>>) src(%dma_wait3A_576 : memref<51200x32xbf16, #tpu.memory_space<hbm>>) dst(%dma_wait3A_571 : memref<896x32xbf16, #tpu.memory_space<vmem>>)
    %add3A_577 = arith.constant 13440 : i32
    %add3A_578 = arith.addi %mul3A_4, %add3A_577 : i32
    "tpu.region"() ({
      %run_scoped3A = tpu.sem_alloc : memref<!tpu.dma_semaphore, #tpu.memory_space<semaphore_mem>>
      %dma_start3A_579 = arith.constant 896 : i32
      %dma_start3A_580 = arith.constant 0 : i32
      %dma_start3A_581 = tpu.memref_slice %arg11[%dma_start3A_579, %dma_start3A_580] : memref<1792x32xbf16, #tpu.memory_space<vmem>> -> memref<896x32xbf16, #tpu.memory_space<vmem>>
      %dma_start3A_582 = arith.constant 0 : i32
      %dma_start3A_583 = tpu.memref_slice %arg7[%add3A_578, %dma_start3A_582] : memref<458752x32xbf16, #tpu.memory_space<hbm>> -> memref<896x32xbf16, #tpu.memory_space<hbm>>
      %dma_start3A_584 = arith.constant 0 : i32
      %dma_start3A_585 = tpu.memref_slice %arg7[%add3A_578, %dma_start3A_584] : memref<458752x32xbf16, #tpu.memory_space<hbm>> -> memref<896x32xbf16, #tpu.memory_space<hbm>>
      %dma_start3A_586 = arith.constant 896 : i32
      %dma_start3A_587 = arith.constant 0 : i32
      %dma_start3A_588 = tpu.memref_slice %arg11[%dma_start3A_586, %dma_start3A_587] : memref<1792x32xbf16, #tpu.memory_space<vmem>> -> memref<896x32xbf16, #tpu.memory_space<vmem>>
      tpu.enqueue_dma source(%dma_start3A_588 : memref<896x32xbf16, #tpu.memory_space<vmem>>) target(%dma_start3A_585 : memref<896x32xbf16, #tpu.memory_space<hbm>>) target_semaphore(%run_scoped3A : memref<!tpu.dma_semaphore, #tpu.memory_space<semaphore_mem>>)
      %dma_wait3A_589 = arith.constant 896 : i32
      %dma_wait3A_590 = arith.constant 0 : i32
      %dma_wait3A_591 = tpu.memref_slice %arg11[%dma_wait3A_589, %dma_wait3A_590] : memref<1792x32xbf16, #tpu.memory_space<vmem>> -> memref<896x32xbf16, #tpu.memory_space<vmem>>
      %dma_wait3A_592 = arith.constant 0 : i32
      %dma_wait3A_593 = tpu.memref_slice %arg7[%add3A_578, %dma_wait3A_592] : memref<458752x32xbf16, #tpu.memory_space<hbm>> -> memref<896x32xbf16, #tpu.memory_space<hbm>>
      %dma_wait3A_594 = arith.constant 0 : i32
      %dma_wait3A_595 = tpu.memref_slice %arg7[%add3A_578, %dma_wait3A_594] : memref<458752x32xbf16, #tpu.memory_space<hbm>> -> memref<896x32xbf16, #tpu.memory_space<hbm>>
      %dma_wait3A_596 = arith.constant 896 : i32
      %dma_wait3A_597 = arith.constant 0 : i32
      %dma_wait3A_598 = tpu.memref_slice %arg11[%dma_wait3A_596, %dma_wait3A_597] : memref<1792x32xbf16, #tpu.memory_space<vmem>> -> memref<896x32xbf16, #tpu.memory_space<vmem>>
      tpu.wait_dma2 semaphore(%run_scoped3A : memref<!tpu.dma_semaphore, #tpu.memory_space<semaphore_mem>>) src(%dma_wait3A_598 : memref<896x32xbf16, #tpu.memory_space<vmem>>) dst(%dma_wait3A_595 : memref<896x32xbf16, #tpu.memory_space<hbm>>)
      tpu.yield
    }) : () -> ()
    return
  }
}

#map = affine_map<(d0, d1) -> (0, 0, 0)>
#map1 = affine_map<(d0, d1) -> (0, 0)>
module attributes {stable_mosaic.version = 14 : i64} {
  func.func @_sc_word_body(%arg0: i32, %arg1: i32, %arg2: memref<32x4x64xi32, #tpu.memory_space<hbm>>, %arg3: memref<30522x768xf32, #tpu.memory_space<hbm>>, %arg4: memref<8192x768xf32, #tpu.memory_space<hbm>>, %arg5: memref<4x64xi32, #tpu.memory_space<vmem>>, %arg6: memref<64x768xf32, #tpu.memory_space<vmem>>, %arg7: memref<!tpu.dma_semaphore, #tpu.memory_space<semaphore_mem>>) attributes {dimension_semantics = [#tpu.dimension_semantics<core_parallel>, #tpu.dimension_semantics<subcore_parallel>], iteration_bounds = array<i64: 2, 16>, scalar_prefetch = 0 : i64, scratch_operands = 3 : i64, tpu.core_type = #tpu.core_type<sc_vector_subcore>, window_params = [{transform_indices = #map}, {transform_indices = #map1}, {transform_indices = #map1}]} {
    %mul3A = arith.constant 2 : i32
    %mul3A_0 = arith.muli %arg1, %mul3A : i32
    %add3A = arith.addi %mul3A_0, %arg0 : i32
    %mul3A_1 = arith.constant 256 : i32
    %mul3A_2 = arith.muli %add3A, %mul3A_1 : i32
    "tpu.region"() ({
      %run_scoped3A = tpu.sem_alloc : memref<!tpu.dma_semaphore, #tpu.memory_space<semaphore_mem>>
      %dma_start3A_65 = arith.constant 0 : i32
      %dma_start3A_66 = arith.constant 0 : i32
      %dma_start3A_67 = tpu.memref_slice %arg2[%add3A, %dma_start3A_65, %dma_start3A_66] : memref<32x4x64xi32, #tpu.memory_space<hbm>> -> memref<1x4x64xi32, #tpu.memory_space<hbm>>
      %dma_start3A_68 = tpu.memref_squeeze %dma_start3A_67 : memref<1x4x64xi32, #tpu.memory_space<hbm>> -> memref<4x64xi32, #tpu.memory_space<hbm>>
      %dma_start3A_69 = arith.constant 0 : i32
      %dma_start3A_70 = arith.constant 0 : i32
      %dma_start3A_71 = tpu.memref_slice %arg2[%add3A, %dma_start3A_69, %dma_start3A_70] : memref<32x4x64xi32, #tpu.memory_space<hbm>> -> memref<1x4x64xi32, #tpu.memory_space<hbm>>
      %dma_start3A_72 = tpu.memref_squeeze %dma_start3A_71 : memref<1x4x64xi32, #tpu.memory_space<hbm>> -> memref<4x64xi32, #tpu.memory_space<hbm>>
      tpu.enqueue_dma source(%dma_start3A_72 : memref<4x64xi32, #tpu.memory_space<hbm>>) target(%arg5 : memref<4x64xi32, #tpu.memory_space<vmem>>) target_semaphore(%run_scoped3A : memref<!tpu.dma_semaphore, #tpu.memory_space<semaphore_mem>>)
      %dma_wait3A_73 = arith.constant 0 : i32
      %dma_wait3A_74 = arith.constant 0 : i32
      %dma_wait3A_75 = tpu.memref_slice %arg2[%add3A, %dma_wait3A_73, %dma_wait3A_74] : memref<32x4x64xi32, #tpu.memory_space<hbm>> -> memref<1x4x64xi32, #tpu.memory_space<hbm>>
      %dma_wait3A_76 = tpu.memref_squeeze %dma_wait3A_75 : memref<1x4x64xi32, #tpu.memory_space<hbm>> -> memref<4x64xi32, #tpu.memory_space<hbm>>
      %dma_wait3A_77 = arith.constant 0 : i32
      %dma_wait3A_78 = arith.constant 0 : i32
      %dma_wait3A_79 = tpu.memref_slice %arg2[%add3A, %dma_wait3A_77, %dma_wait3A_78] : memref<32x4x64xi32, #tpu.memory_space<hbm>> -> memref<1x4x64xi32, #tpu.memory_space<hbm>>
      %dma_wait3A_80 = tpu.memref_squeeze %dma_wait3A_79 : memref<1x4x64xi32, #tpu.memory_space<hbm>> -> memref<4x64xi32, #tpu.memory_space<hbm>>
      tpu.wait_dma2 semaphore(%run_scoped3A : memref<!tpu.dma_semaphore, #tpu.memory_space<semaphore_mem>>) src(%dma_wait3A_80 : memref<4x64xi32, #tpu.memory_space<hbm>>) dst(%arg5 : memref<4x64xi32, #tpu.memory_space<vmem>>)
      tpu.yield
    }) : () -> ()
    %dma_start3A = arith.constant 0 : i32
    %dma_start3A_3 = arith.constant 0 : i32
    %dma_start3A_4 = tpu.memref_slice %arg5[%dma_start3A, %dma_start3A_3] : memref<4x64xi32, #tpu.memory_space<vmem>> -> memref<1x64xi32, #tpu.memory_space<vmem>>
    %dma_start3A_5 = tpu.memref_squeeze %dma_start3A_4 : memref<1x64xi32, #tpu.memory_space<vmem>> -> memref<64xi32, #tpu.memory_space<vmem>>
    %dma_start3A_6 = arith.constant 0 : i32
    %dma_start3A_7 = arith.constant 0 : i32
    %dma_start3A_8 = tpu.memref_slice %arg3[%dma_start3A_6, %dma_start3A_7] : memref<30522x768xf32, #tpu.memory_space<hbm>> -> memref<30522x768xf32, #tpu.memory_space<hbm>>
    tpu.enqueue_indirect_dma source(%dma_start3A_8 : memref<30522x768xf32, #tpu.memory_space<hbm>>) target(%arg6 : memref<64x768xf32, #tpu.memory_space<vmem>>) offsets(%dma_start3A_5 : memref<64xi32, #tpu.memory_space<vmem>>) semaphore(%arg7 : memref<!tpu.dma_semaphore, #tpu.memory_space<semaphore_mem>>)
    %dma_wait3A = arith.constant 0 : i32
    %dma_wait3A_9 = arith.constant 0 : i32
    %dma_wait3A_10 = tpu.memref_slice %arg5[%dma_wait3A, %dma_wait3A_9] : memref<4x64xi32, #tpu.memory_space<vmem>> -> memref<1x64xi32, #tpu.memory_space<vmem>>
    %dma_wait3A_11 = tpu.memref_squeeze %dma_wait3A_10 : memref<1x64xi32, #tpu.memory_space<vmem>> -> memref<64xi32, #tpu.memory_space<vmem>>
    %dma_wait3A_12 = arith.constant 0 : i32
    %dma_wait3A_13 = arith.constant 0 : i32
    %dma_wait3A_14 = tpu.memref_slice %arg3[%dma_wait3A_12, %dma_wait3A_13] : memref<30522x768xf32, #tpu.memory_space<hbm>> -> memref<30522x768xf32, #tpu.memory_space<hbm>>
    tpu.wait_indirect_dma semaphore(%arg7 : memref<!tpu.dma_semaphore, #tpu.memory_space<semaphore_mem>>) src(%dma_wait3A_14 : memref<30522x768xf32, #tpu.memory_space<hbm>>) dst(%arg6 : memref<64x768xf32, #tpu.memory_space<vmem>>)
    %add3A_15 = arith.constant 0 : i32
    %add3A_16 = arith.addi %mul3A_2, %add3A_15 : i32
    "tpu.region"() ({
      %run_scoped3A = tpu.sem_alloc : memref<!tpu.dma_semaphore, #tpu.memory_space<semaphore_mem>>
      %dma_start3A_65 = arith.constant 0 : i32
      %dma_start3A_66 = tpu.memref_slice %arg4[%add3A_16, %dma_start3A_65] : memref<8192x768xf32, #tpu.memory_space<hbm>> -> memref<64x768xf32, #tpu.memory_space<hbm>>
      %dma_start3A_67 = arith.constant 0 : i32
      %dma_start3A_68 = tpu.memref_slice %arg4[%add3A_16, %dma_start3A_67] : memref<8192x768xf32, #tpu.memory_space<hbm>> -> memref<64x768xf32, #tpu.memory_space<hbm>>
      tpu.enqueue_dma source(%arg6 : memref<64x768xf32, #tpu.memory_space<vmem>>) target(%dma_start3A_68 : memref<64x768xf32, #tpu.memory_space<hbm>>) target_semaphore(%run_scoped3A : memref<!tpu.dma_semaphore, #tpu.memory_space<semaphore_mem>>)
      %dma_wait3A_69 = arith.constant 0 : i32
      %dma_wait3A_70 = tpu.memref_slice %arg4[%add3A_16, %dma_wait3A_69] : memref<8192x768xf32, #tpu.memory_space<hbm>> -> memref<64x768xf32, #tpu.memory_space<hbm>>
      %dma_wait3A_71 = arith.constant 0 : i32
      %dma_wait3A_72 = tpu.memref_slice %arg4[%add3A_16, %dma_wait3A_71] : memref<8192x768xf32, #tpu.memory_space<hbm>> -> memref<64x768xf32, #tpu.memory_space<hbm>>
      tpu.wait_dma2 semaphore(%run_scoped3A : memref<!tpu.dma_semaphore, #tpu.memory_space<semaphore_mem>>) src(%arg6 : memref<64x768xf32, #tpu.memory_space<vmem>>) dst(%dma_wait3A_72 : memref<64x768xf32, #tpu.memory_space<hbm>>)
      tpu.yield
    }) : () -> ()
    %dma_start3A_17 = arith.constant 1 : i32
    %dma_start3A_18 = arith.constant 0 : i32
    %dma_start3A_19 = tpu.memref_slice %arg5[%dma_start3A_17, %dma_start3A_18] : memref<4x64xi32, #tpu.memory_space<vmem>> -> memref<1x64xi32, #tpu.memory_space<vmem>>
    %dma_start3A_20 = tpu.memref_squeeze %dma_start3A_19 : memref<1x64xi32, #tpu.memory_space<vmem>> -> memref<64xi32, #tpu.memory_space<vmem>>
    %dma_start3A_21 = arith.constant 0 : i32
    %dma_start3A_22 = arith.constant 0 : i32
    %dma_start3A_23 = tpu.memref_slice %arg3[%dma_start3A_21, %dma_start3A_22] : memref<30522x768xf32, #tpu.memory_space<hbm>> -> memref<30522x768xf32, #tpu.memory_space<hbm>>
    tpu.enqueue_indirect_dma source(%dma_start3A_23 : memref<30522x768xf32, #tpu.memory_space<hbm>>) target(%arg6 : memref<64x768xf32, #tpu.memory_space<vmem>>) offsets(%dma_start3A_20 : memref<64xi32, #tpu.memory_space<vmem>>) semaphore(%arg7 : memref<!tpu.dma_semaphore, #tpu.memory_space<semaphore_mem>>)
    %dma_wait3A_24 = arith.constant 1 : i32
    %dma_wait3A_25 = arith.constant 0 : i32
    %dma_wait3A_26 = tpu.memref_slice %arg5[%dma_wait3A_24, %dma_wait3A_25] : memref<4x64xi32, #tpu.memory_space<vmem>> -> memref<1x64xi32, #tpu.memory_space<vmem>>
    %dma_wait3A_27 = tpu.memref_squeeze %dma_wait3A_26 : memref<1x64xi32, #tpu.memory_space<vmem>> -> memref<64xi32, #tpu.memory_space<vmem>>
    %dma_wait3A_28 = arith.constant 0 : i32
    %dma_wait3A_29 = arith.constant 0 : i32
    %dma_wait3A_30 = tpu.memref_slice %arg3[%dma_wait3A_28, %dma_wait3A_29] : memref<30522x768xf32, #tpu.memory_space<hbm>> -> memref<30522x768xf32, #tpu.memory_space<hbm>>
    tpu.wait_indirect_dma semaphore(%arg7 : memref<!tpu.dma_semaphore, #tpu.memory_space<semaphore_mem>>) src(%dma_wait3A_30 : memref<30522x768xf32, #tpu.memory_space<hbm>>) dst(%arg6 : memref<64x768xf32, #tpu.memory_space<vmem>>)
    %add3A_31 = arith.constant 64 : i32
    %add3A_32 = arith.addi %mul3A_2, %add3A_31 : i32
    "tpu.region"() ({
      %run_scoped3A = tpu.sem_alloc : memref<!tpu.dma_semaphore, #tpu.memory_space<semaphore_mem>>
      %dma_start3A_65 = arith.constant 0 : i32
      %dma_start3A_66 = tpu.memref_slice %arg4[%add3A_32, %dma_start3A_65] : memref<8192x768xf32, #tpu.memory_space<hbm>> -> memref<64x768xf32, #tpu.memory_space<hbm>>
      %dma_start3A_67 = arith.constant 0 : i32
      %dma_start3A_68 = tpu.memref_slice %arg4[%add3A_32, %dma_start3A_67] : memref<8192x768xf32, #tpu.memory_space<hbm>> -> memref<64x768xf32, #tpu.memory_space<hbm>>
      tpu.enqueue_dma source(%arg6 : memref<64x768xf32, #tpu.memory_space<vmem>>) target(%dma_start3A_68 : memref<64x768xf32, #tpu.memory_space<hbm>>) target_semaphore(%run_scoped3A : memref<!tpu.dma_semaphore, #tpu.memory_space<semaphore_mem>>)
      %dma_wait3A_69 = arith.constant 0 : i32
      %dma_wait3A_70 = tpu.memref_slice %arg4[%add3A_32, %dma_wait3A_69] : memref<8192x768xf32, #tpu.memory_space<hbm>> -> memref<64x768xf32, #tpu.memory_space<hbm>>
      %dma_wait3A_71 = arith.constant 0 : i32
      %dma_wait3A_72 = tpu.memref_slice %arg4[%add3A_32, %dma_wait3A_71] : memref<8192x768xf32, #tpu.memory_space<hbm>> -> memref<64x768xf32, #tpu.memory_space<hbm>>
      tpu.wait_dma2 semaphore(%run_scoped3A : memref<!tpu.dma_semaphore, #tpu.memory_space<semaphore_mem>>) src(%arg6 : memref<64x768xf32, #tpu.memory_space<vmem>>) dst(%dma_wait3A_72 : memref<64x768xf32, #tpu.memory_space<hbm>>)
      tpu.yield
    }) : () -> ()
    %dma_start3A_33 = arith.constant 2 : i32
    %dma_start3A_34 = arith.constant 0 : i32
    %dma_start3A_35 = tpu.memref_slice %arg5[%dma_start3A_33, %dma_start3A_34] : memref<4x64xi32, #tpu.memory_space<vmem>> -> memref<1x64xi32, #tpu.memory_space<vmem>>
    %dma_start3A_36 = tpu.memref_squeeze %dma_start3A_35 : memref<1x64xi32, #tpu.memory_space<vmem>> -> memref<64xi32, #tpu.memory_space<vmem>>
    %dma_start3A_37 = arith.constant 0 : i32
    %dma_start3A_38 = arith.constant 0 : i32
    %dma_start3A_39 = tpu.memref_slice %arg3[%dma_start3A_37, %dma_start3A_38] : memref<30522x768xf32, #tpu.memory_space<hbm>> -> memref<30522x768xf32, #tpu.memory_space<hbm>>
    tpu.enqueue_indirect_dma source(%dma_start3A_39 : memref<30522x768xf32, #tpu.memory_space<hbm>>) target(%arg6 : memref<64x768xf32, #tpu.memory_space<vmem>>) offsets(%dma_start3A_36 : memref<64xi32, #tpu.memory_space<vmem>>) semaphore(%arg7 : memref<!tpu.dma_semaphore, #tpu.memory_space<semaphore_mem>>)
    %dma_wait3A_40 = arith.constant 2 : i32
    %dma_wait3A_41 = arith.constant 0 : i32
    %dma_wait3A_42 = tpu.memref_slice %arg5[%dma_wait3A_40, %dma_wait3A_41] : memref<4x64xi32, #tpu.memory_space<vmem>> -> memref<1x64xi32, #tpu.memory_space<vmem>>
    %dma_wait3A_43 = tpu.memref_squeeze %dma_wait3A_42 : memref<1x64xi32, #tpu.memory_space<vmem>> -> memref<64xi32, #tpu.memory_space<vmem>>
    %dma_wait3A_44 = arith.constant 0 : i32
    %dma_wait3A_45 = arith.constant 0 : i32
    %dma_wait3A_46 = tpu.memref_slice %arg3[%dma_wait3A_44, %dma_wait3A_45] : memref<30522x768xf32, #tpu.memory_space<hbm>> -> memref<30522x768xf32, #tpu.memory_space<hbm>>
    tpu.wait_indirect_dma semaphore(%arg7 : memref<!tpu.dma_semaphore, #tpu.memory_space<semaphore_mem>>) src(%dma_wait3A_46 : memref<30522x768xf32, #tpu.memory_space<hbm>>) dst(%arg6 : memref<64x768xf32, #tpu.memory_space<vmem>>)
    %add3A_47 = arith.constant 128 : i32
    %add3A_48 = arith.addi %mul3A_2, %add3A_47 : i32
    "tpu.region"() ({
      %run_scoped3A = tpu.sem_alloc : memref<!tpu.dma_semaphore, #tpu.memory_space<semaphore_mem>>
      %dma_start3A_65 = arith.constant 0 : i32
      %dma_start3A_66 = tpu.memref_slice %arg4[%add3A_48, %dma_start3A_65] : memref<8192x768xf32, #tpu.memory_space<hbm>> -> memref<64x768xf32, #tpu.memory_space<hbm>>
      %dma_start3A_67 = arith.constant 0 : i32
      %dma_start3A_68 = tpu.memref_slice %arg4[%add3A_48, %dma_start3A_67] : memref<8192x768xf32, #tpu.memory_space<hbm>> -> memref<64x768xf32, #tpu.memory_space<hbm>>
      tpu.enqueue_dma source(%arg6 : memref<64x768xf32, #tpu.memory_space<vmem>>) target(%dma_start3A_68 : memref<64x768xf32, #tpu.memory_space<hbm>>) target_semaphore(%run_scoped3A : memref<!tpu.dma_semaphore, #tpu.memory_space<semaphore_mem>>)
      %dma_wait3A_69 = arith.constant 0 : i32
      %dma_wait3A_70 = tpu.memref_slice %arg4[%add3A_48, %dma_wait3A_69] : memref<8192x768xf32, #tpu.memory_space<hbm>> -> memref<64x768xf32, #tpu.memory_space<hbm>>
      %dma_wait3A_71 = arith.constant 0 : i32
      %dma_wait3A_72 = tpu.memref_slice %arg4[%add3A_48, %dma_wait3A_71] : memref<8192x768xf32, #tpu.memory_space<hbm>> -> memref<64x768xf32, #tpu.memory_space<hbm>>
      tpu.wait_dma2 semaphore(%run_scoped3A : memref<!tpu.dma_semaphore, #tpu.memory_space<semaphore_mem>>) src(%arg6 : memref<64x768xf32, #tpu.memory_space<vmem>>) dst(%dma_wait3A_72 : memref<64x768xf32, #tpu.memory_space<hbm>>)
      tpu.yield
    }) : () -> ()
    %dma_start3A_49 = arith.constant 3 : i32
    %dma_start3A_50 = arith.constant 0 : i32
    %dma_start3A_51 = tpu.memref_slice %arg5[%dma_start3A_49, %dma_start3A_50] : memref<4x64xi32, #tpu.memory_space<vmem>> -> memref<1x64xi32, #tpu.memory_space<vmem>>
    %dma_start3A_52 = tpu.memref_squeeze %dma_start3A_51 : memref<1x64xi32, #tpu.memory_space<vmem>> -> memref<64xi32, #tpu.memory_space<vmem>>
    %dma_start3A_53 = arith.constant 0 : i32
    %dma_start3A_54 = arith.constant 0 : i32
    %dma_start3A_55 = tpu.memref_slice %arg3[%dma_start3A_53, %dma_start3A_54] : memref<30522x768xf32, #tpu.memory_space<hbm>> -> memref<30522x768xf32, #tpu.memory_space<hbm>>
    tpu.enqueue_indirect_dma source(%dma_start3A_55 : memref<30522x768xf32, #tpu.memory_space<hbm>>) target(%arg6 : memref<64x768xf32, #tpu.memory_space<vmem>>) offsets(%dma_start3A_52 : memref<64xi32, #tpu.memory_space<vmem>>) semaphore(%arg7 : memref<!tpu.dma_semaphore, #tpu.memory_space<semaphore_mem>>)
    %dma_wait3A_56 = arith.constant 3 : i32
    %dma_wait3A_57 = arith.constant 0 : i32
    %dma_wait3A_58 = tpu.memref_slice %arg5[%dma_wait3A_56, %dma_wait3A_57] : memref<4x64xi32, #tpu.memory_space<vmem>> -> memref<1x64xi32, #tpu.memory_space<vmem>>
    %dma_wait3A_59 = tpu.memref_squeeze %dma_wait3A_58 : memref<1x64xi32, #tpu.memory_space<vmem>> -> memref<64xi32, #tpu.memory_space<vmem>>
    %dma_wait3A_60 = arith.constant 0 : i32
    %dma_wait3A_61 = arith.constant 0 : i32
    %dma_wait3A_62 = tpu.memref_slice %arg3[%dma_wait3A_60, %dma_wait3A_61] : memref<30522x768xf32, #tpu.memory_space<hbm>> -> memref<30522x768xf32, #tpu.memory_space<hbm>>
    tpu.wait_indirect_dma semaphore(%arg7 : memref<!tpu.dma_semaphore, #tpu.memory_space<semaphore_mem>>) src(%dma_wait3A_62 : memref<30522x768xf32, #tpu.memory_space<hbm>>) dst(%arg6 : memref<64x768xf32, #tpu.memory_space<vmem>>)
    %add3A_63 = arith.constant 192 : i32
    %add3A_64 = arith.addi %mul3A_2, %add3A_63 : i32
    "tpu.region"() ({
      %run_scoped3A = tpu.sem_alloc : memref<!tpu.dma_semaphore, #tpu.memory_space<semaphore_mem>>
      %dma_start3A_65 = arith.constant 0 : i32
      %dma_start3A_66 = tpu.memref_slice %arg4[%add3A_64, %dma_start3A_65] : memref<8192x768xf32, #tpu.memory_space<hbm>> -> memref<64x768xf32, #tpu.memory_space<hbm>>
      %dma_start3A_67 = arith.constant 0 : i32
      %dma_start3A_68 = tpu.memref_slice %arg4[%add3A_64, %dma_start3A_67] : memref<8192x768xf32, #tpu.memory_space<hbm>> -> memref<64x768xf32, #tpu.memory_space<hbm>>
      tpu.enqueue_dma source(%arg6 : memref<64x768xf32, #tpu.memory_space<vmem>>) target(%dma_start3A_68 : memref<64x768xf32, #tpu.memory_space<hbm>>) target_semaphore(%run_scoped3A : memref<!tpu.dma_semaphore, #tpu.memory_space<semaphore_mem>>)
      %dma_wait3A_69 = arith.constant 0 : i32
      %dma_wait3A_70 = tpu.memref_slice %arg4[%add3A_64, %dma_wait3A_69] : memref<8192x768xf32, #tpu.memory_space<hbm>> -> memref<64x768xf32, #tpu.memory_space<hbm>>
      %dma_wait3A_71 = arith.constant 0 : i32
      %dma_wait3A_72 = tpu.memref_slice %arg4[%add3A_64, %dma_wait3A_71] : memref<8192x768xf32, #tpu.memory_space<hbm>> -> memref<64x768xf32, #tpu.memory_space<hbm>>
      tpu.wait_dma2 semaphore(%run_scoped3A : memref<!tpu.dma_semaphore, #tpu.memory_space<semaphore_mem>>) src(%arg6 : memref<64x768xf32, #tpu.memory_space<vmem>>) dst(%dma_wait3A_72 : memref<64x768xf32, #tpu.memory_space<hbm>>)
      tpu.yield
    }) : () -> ()
    return
  }
}

module attributes {stable_mosaic.version = 14 : i64} {
  func.func @_tc1_body(%arg0: i32, %arg1: memref<7168x128xbf16, #tpu.memory_space<vmem>>, %arg2: memref<7168x128xbf16, #tpu.memory_space<vmem>>, %arg3: memref<1792x3072xbf16, #tpu.memory_space<vmem>>, %arg4: memref<1x3072xf32, #tpu.memory_space<vmem>>, %arg5: memref<3072x768xbf16, #tpu.memory_space<vmem>>, %arg6: memref<1x768xf32, #tpu.memory_space<vmem>>, %arg7: memref<512x768xf32, #tpu.memory_space<vmem>>) attributes {dimension_semantics = [#tpu.dimension_semantics<arbitrary>], iteration_bounds = array<i64: 16>, scalar_prefetch = 0 : i64, scratch_operands = 0 : i64, tpu.core_type = #tpu.core_type<tc>, window_params = [{transform_indices = @transform_0, window_bounds = array<i64: 7168, 128>}, {transform_indices = @transform_1, window_bounds = array<i64: 7168, 128>}, {pipeline_mode = #tpu.pipeline_mode<synchronous>, transform_indices = @transform_2, window_bounds = array<i64: 1792, 3072>}, {pipeline_mode = #tpu.pipeline_mode<synchronous>, transform_indices = @transform_3, window_bounds = array<i64: 1, 3072>}, {pipeline_mode = #tpu.pipeline_mode<synchronous>, transform_indices = @transform_4, window_bounds = array<i64: 3072, 768>}, {pipeline_mode = #tpu.pipeline_mode<synchronous>, transform_indices = @transform_5, window_bounds = array<i64: 1, 768>}, {transform_indices = @transform_6, window_bounds = array<i64: 512, 768>}]} {
    %get3A = arith.constant 0 : index
    %get3A_0 = arith.constant 0 : index
    %get3A_1 = vector.load %arg1[%get3A, %get3A_0] : memref<7168x128xbf16, #tpu.memory_space<vmem>>, vector<7168x128xbf16>
    %get3A_2 = arith.constant 0 : index
    %get3A_3 = arith.constant 0 : index
    %get3A_4 = vector.load %arg2[%get3A_2, %get3A_3] : memref<7168x128xbf16, #tpu.memory_space<vmem>>, vector<7168x128xbf16>
    %add3A = arith.addf %get3A_1, %get3A_4 : vector<7168x128xbf16>
    %reshape3A = vector.shape_cast %add3A : vector<7168x128xbf16> to vector<512x1792xbf16>
    %get3A_5 = arith.constant 0 : index
    %get3A_6 = arith.constant 0 : index
    %get3A_7 = vector.load %arg3[%get3A_5, %get3A_6] : memref<1792x3072xbf16, #tpu.memory_space<vmem>>, vector<1792x3072xbf16>
    %dot_general3A = arith.constant dense<0.000000e+00> : vector<512x3072xf32>
    %dot_general3A_8 = tpu.matmul %reshape3A, %get3A_7, %dot_general3A {dimension_numbers = #tpu.dot_dimension_numbers<[1], [0], [0], [1], [0, 0, 1, 1], [], []>, transpose_lhs_hint = false} : vector<512x1792xbf16>, vector<1792x3072xbf16>, vector<512x3072xf32> -> vector<512x3072xf32>
    %get3A_9 = arith.constant 0 : index
    %get3A_10 = arith.constant 0 : index
    %get3A_11 = vector.load %arg4[%get3A_9, %get3A_10] : memref<1x3072xf32, #tpu.memory_space<vmem>>, vector<1x3072xf32>
    %add3A_12 = vector.broadcast %get3A_11 : vector<1x3072xf32> to vector<512x3072xf32>
    %add3A_13 = arith.addf %dot_general3A_8, %add3A_12 : vector<512x3072xf32>
    %max3A = arith.constant 0.000000e+00 : f32
    %max3A_14 = vector.broadcast %max3A : f32 to vector<512x3072xf32>
    %max3A_15 = arith.maximumf %add3A_13, %max3A_14 : vector<512x3072xf32>
    %convert_element_type3A = arith.truncf %max3A_15 : vector<512x3072xf32> to vector<512x3072xbf16>
    %get3A_16 = arith.constant 0 : index
    %get3A_17 = arith.constant 0 : index
    %get3A_18 = vector.load %arg5[%get3A_16, %get3A_17] : memref<3072x768xbf16, #tpu.memory_space<vmem>>, vector<3072x768xbf16>
    %dot_general3A_19 = arith.constant dense<0.000000e+00> : vector<512x768xf32>
    %dot_general3A_20 = tpu.matmul %convert_element_type3A, %get3A_18, %dot_general3A_19 {dimension_numbers = #tpu.dot_dimension_numbers<[1], [0], [0], [1], [0, 0, 1, 1], [], []>, transpose_lhs_hint = false} : vector<512x3072xbf16>, vector<3072x768xbf16>, vector<512x768xf32> -> vector<512x768xf32>
    %get3A_21 = arith.constant 0 : index
    %get3A_22 = arith.constant 0 : index
    %get3A_23 = vector.load %arg6[%get3A_21, %get3A_22] : memref<1x768xf32, #tpu.memory_space<vmem>>, vector<1x768xf32>
    %add3A_24 = vector.broadcast %get3A_23 : vector<1x768xf32> to vector<512x768xf32>
    %add3A_25 = arith.addf %dot_general3A_20, %add3A_24 : vector<512x768xf32>
    %swap3A = arith.constant 0 : index
    %swap3A_26 = arith.constant 0 : index
    %swap3A_27 = vector.load %arg7[%swap3A, %swap3A_26] : memref<512x768xf32, #tpu.memory_space<vmem>>, vector<512x768xf32>
    tpu.vector_store %arg7[%swap3A, %swap3A_26], %add3A_25 {strides = array<i32>} : memref<512x768xf32, #tpu.memory_space<vmem>>, vector<512x768xf32>,
    return
  }
  func.func @transform_0(%arg0: i32) -> (i32, i32) {
    %c0_i32 = arith.constant 0 : i32
    %c0_i32_0 = arith.constant 0 : i32
    return %arg0, %c0_i32 : i32, i32
  }
  func.func @transform_1(%arg0: i32) -> (i32, i32) {
    %c0_i32 = arith.constant 0 : i32
    %c0_i32_0 = arith.constant 0 : i32
    return %arg0, %c0_i32 : i32, i32
  }
  func.func @transform_2(%arg0: i32) -> (i32, i32) {
    %c0_i32 = arith.constant 0 : i32
    %c0_i32_0 = arith.constant 0 : i32
    %c0_i32_1 = arith.constant 0 : i32
    return %c0_i32, %c0_i32_0 : i32, i32
  }
  func.func @transform_3(%arg0: i32) -> (i32, i32) {
    %c0_i32 = arith.constant 0 : i32
    %c0_i32_0 = arith.constant 0 : i32
    %c0_i32_1 = arith.constant 0 : i32
    return %c0_i32, %c0_i32_0 : i32, i32
  }
  func.func @transform_4(%arg0: i32) -> (i32, i32) {
    %c0_i32 = arith.constant 0 : i32
    %c0_i32_0 = arith.constant 0 : i32
    %c0_i32_1 = arith.constant 0 : i32
    return %c0_i32, %c0_i32_0 : i32, i32
  }
  func.func @transform_5(%arg0: i32) -> (i32, i32) {
    %c0_i32 = arith.constant 0 : i32
    %c0_i32_0 = arith.constant 0 : i32
    %c0_i32_1 = arith.constant 0 : i32
    return %c0_i32, %c0_i32_0 : i32, i32
  }
  func.func @transform_6(%arg0: i32) -> (i32, i32) {
    %c0_i32 = arith.constant 0 : i32
    %c0_i32_0 = arith.constant 0 : i32
    return %arg0, %c0_i32 : i32, i32
  }
}

module attributes {stable_mosaic.version = 14 : i64} {
  func.func @_tc2_body(%arg0: i32, %arg1: memref<1x512x1xi32, #tpu.memory_space<vmem>>, %arg2: memref<3072x128xf32, #tpu.memory_space<vmem>>, %arg3: memref<512x768xf32, #tpu.memory_space<vmem>>, %arg4: memref<640x768xbf16, #tpu.memory_space<vmem>>, %arg5: memref<1x768xf32, #tpu.memory_space<vmem>>, %arg6: memref<1x768xf32, #tpu.memory_space<vmem>>, %arg7: memref<1x768xf32, #tpu.memory_space<vmem>>, %arg8: memref<512x768xf32, #tpu.memory_space<vmem>>) attributes {dimension_semantics = [#tpu.dimension_semantics<arbitrary>], iteration_bounds = array<i64: 16>, scalar_prefetch = 0 : i64, scratch_operands = 0 : i64, tpu.core_type = #tpu.core_type<tc>, window_params = [{transform_indices = @transform_0, window_bounds = array<i64: 1, 512, 1>}, {transform_indices = @transform_1, window_bounds = array<i64: 3072, 128>}, {transform_indices = @transform_2, window_bounds = array<i64: 512, 768>}, {pipeline_mode = #tpu.pipeline_mode<synchronous>, transform_indices = @transform_3, window_bounds = array<i64: 640, 768>}, {pipeline_mode = #tpu.pipeline_mode<synchronous>, transform_indices = @transform_4, window_bounds = array<i64: 1, 768>}, {pipeline_mode = #tpu.pipeline_mode<synchronous>, transform_indices = @transform_5, window_bounds = array<i64: 1, 768>}, {pipeline_mode = #tpu.pipeline_mode<synchronous>, transform_indices = @transform_6, window_bounds = array<i64: 1, 768>}, {transform_indices = @transform_7, window_bounds = array<i64: 512, 768>}]} {
    %get3A = arith.constant 0 : index
    %get3A_0 = arith.constant 0 : index
    %get3A_1 = arith.constant 0 : index
    %get3A_2 = vector.load %arg1[%get3A, %get3A_0, %get3A_1] : memref<1x512x1xi32, #tpu.memory_space<vmem>>, vector<1x512x1xi32>
    %squeeze3A = vector.shape_cast %get3A_2 : vector<1x512x1xi32> to vector<512x1xi32>
    %ne3A = arith.constant 0 : i32
    %ne3A_3 = vector.broadcast %ne3A : i32 to vector<512x1xi32>
    %ne3A_4 = arith.cmpi ne, %squeeze3A, %ne3A_3 : vector<512x1xi32>
    %convert_element_type3A = arith.extui %ne3A_4 : vector<512x1xi1> to vector<512x1xi32>
    %convert_element_type3A_5 = arith.sitofp %convert_element_type3A : vector<512x1xi32> to vector<512x1xf32>
    %iota3A = tpu.iota {dimensions = array<i32: 0>} : vector<512x512xi32>
    %iota3A_6 = tpu.iota {dimensions = array<i32: 1>} : vector<512x512xi32>
    %le3A = arith.cmpi sle, %iota3A_6, %iota3A : vector<512x512xi32>
    %convert_element_type3A_7 = arith.extui %le3A : vector<512x512xi1> to vector<512x512xi32>
    %convert_element_type3A_8 = arith.sitofp %convert_element_type3A_7 : vector<512x512xi32> to vector<512x512xf32>
    %dot_general3A = arith.constant dense<0.000000e+00> : vector<512x1xf32>
    %dot_general3A_9 = tpu.matmul %convert_element_type3A_8, %convert_element_type3A_5, %dot_general3A {dimension_numbers = #tpu.dot_dimension_numbers<[1], [0], [0], [1], [0, 0, 1, 1], [], []>, transpose_lhs_hint = false} : vector<512x512xf32>, vector<512x1xf32>, vector<512x1xf32> -> vector<512x1xf32>
    %mul3A = arith.mulf %dot_general3A_9, %convert_element_type3A_5 : vector<512x1xf32>
    %iota3A_10 = tpu.iota {dimensions = array<i32: 1>} : vector<512x640xi32>
    %convert_element_type3A_11 = arith.fptosi %mul3A : vector<512x1xf32> to vector<512x1xi32>
    %eq3A = vector.broadcast %convert_element_type3A_11 : vector<512x1xi32> to vector<512x640xi32>
    %eq3A_12 = arith.cmpi eq, %iota3A_10, %eq3A : vector<512x640xi32>
    %convert_element_type3A_13 = arith.extui %eq3A_12 : vector<512x640xi1> to vector<512x640xi32>
    %convert_element_type3A_14 = arith.sitofp %convert_element_type3A_13 : vector<512x640xi32> to vector<512x640xf32>
    %convert_element_type3A_15 = arith.truncf %convert_element_type3A_14 : vector<512x640xf32> to vector<512x640xbf16>
    %get3A_16 = arith.constant 0 : index
    %get3A_17 = arith.constant 0 : index
    %get3A_18 = vector.load %arg4[%get3A_16, %get3A_17] : memref<640x768xbf16, #tpu.memory_space<vmem>>, vector<640x768xbf16>
    %dot_general3A_19 = arith.constant dense<0.000000e+00> : vector<512x768xf32>
    %dot_general3A_20 = tpu.matmul %convert_element_type3A_15, %get3A_18, %dot_general3A_19 {dimension_numbers = #tpu.dot_dimension_numbers<[1], [0], [0], [1], [0, 0, 1, 1], [], []>, transpose_lhs_hint = false} : vector<512x640xbf16>, vector<640x768xbf16>, vector<512x768xf32> -> vector<512x768xf32>
    %get3A_21 = arith.constant 0 : index
    %get3A_22 = arith.constant 0 : index
    %get3A_23 = vector.load %arg2[%get3A_21, %get3A_22] : memref<3072x128xf32, #tpu.memory_space<vmem>>, vector<3072x128xf32>
    %reshape3A = vector.shape_cast %get3A_23 : vector<3072x128xf32> to vector<512x768xf32>
    %add3A = arith.addf %reshape3A, %dot_general3A_20 : vector<512x768xf32>
    %get3A_24 = arith.constant 0 : index
    %get3A_25 = arith.constant 0 : index
    %get3A_26 = vector.load %arg3[%get3A_24, %get3A_25] : memref<512x768xf32, #tpu.memory_space<vmem>>, vector<512x768xf32>
    %add3A_27 = arith.addf %add3A, %get3A_26 : vector<512x768xf32>
    %get3A_28 = arith.constant 0 : index
    %get3A_29 = arith.constant 0 : index
    %get3A_30 = vector.load %arg5[%get3A_28, %get3A_29] : memref<1x768xf32, #tpu.memory_space<vmem>>, vector<1x768xf32>
    %add3A_31 = vector.broadcast %get3A_30 : vector<1x768xf32> to vector<512x768xf32>
    %add3A_32 = arith.addf %add3A_27, %add3A_31 : vector<512x768xf32>
    %reduce_sum3A = arith.constant dense<0.000000e+00> : vector<512xf32>
    %reduce_sum3A_33 = vector.multi_reduction <add>, %add3A_32, %reduce_sum3A [1] : vector<512x768xf32> to vector<512xf32>
    %broadcast_in_dim3A = vector.shape_cast %reduce_sum3A_33 : vector<512xf32> to vector<512x1xf32>
    %div3A = arith.constant 7.680000e+02 : f32
    %div3A_34 = vector.broadcast %div3A : f32 to vector<512x1xf32>
    %div3A_35 = arith.divf %broadcast_in_dim3A, %div3A_34 : vector<512x1xf32>
    %mul3A_36 = arith.mulf %add3A_32, %add3A_32 : vector<512x768xf32>
    %reduce_sum3A_37 = arith.constant dense<0.000000e+00> : vector<512xf32>
    %reduce_sum3A_38 = vector.multi_reduction <add>, %mul3A_36, %reduce_sum3A_37 [1] : vector<512x768xf32> to vector<512xf32>
    %broadcast_in_dim3A_39 = vector.shape_cast %reduce_sum3A_38 : vector<512xf32> to vector<512x1xf32>
    %div3A_40 = arith.constant 7.680000e+02 : f32
    %div3A_41 = vector.broadcast %div3A_40 : f32 to vector<512x1xf32>
    %div3A_42 = arith.divf %broadcast_in_dim3A_39, %div3A_41 : vector<512x1xf32>
    %mul3A_43 = arith.mulf %div3A_35, %div3A_35 : vector<512x1xf32>
    %sub3A = arith.subf %div3A_42, %mul3A_43 : vector<512x1xf32>
    %add3A_44 = arith.constant 9.99999996E-13 : f32
    %add3A_45 = vector.broadcast %add3A_44 : f32 to vector<512x1xf32>
    %add3A_46 = arith.addf %sub3A, %add3A_45 : vector<512x1xf32>
    %rsqrt3A = math.rsqrt %add3A_46 : vector<512x1xf32>
    %sub3A_47 = vector.broadcast %div3A_35 : vector<512x1xf32> to vector<512x768xf32>
    %sub3A_48 = arith.subf %add3A_32, %sub3A_47 : vector<512x768xf32>
    %mul3A_49 = vector.broadcast %rsqrt3A : vector<512x1xf32> to vector<512x768xf32>
    %mul3A_50 = arith.mulf %sub3A_48, %mul3A_49 : vector<512x768xf32>
    %get3A_51 = arith.constant 0 : index
    %get3A_52 = arith.constant 0 : index
    %get3A_53 = vector.load %arg6[%get3A_51, %get3A_52] : memref<1x768xf32, #tpu.memory_space<vmem>>, vector<1x768xf32>
    %mul3A_54 = vector.broadcast %get3A_53 : vector<1x768xf32> to vector<512x768xf32>
    %mul3A_55 = arith.mulf %mul3A_50, %mul3A_54 : vector<512x768xf32>
    %get3A_56 = arith.constant 0 : index
    %get3A_57 = arith.constant 0 : index
    %get3A_58 = vector.load %arg7[%get3A_56, %get3A_57] : memref<1x768xf32, #tpu.memory_space<vmem>>, vector<1x768xf32>
    %add3A_59 = vector.broadcast %get3A_58 : vector<1x768xf32> to vector<512x768xf32>
    %add3A_60 = arith.addf %mul3A_55, %add3A_59 : vector<512x768xf32>
    %swap3A = arith.constant 0 : index
    %swap3A_61 = arith.constant 0 : index
    %swap3A_62 = vector.load %arg8[%swap3A, %swap3A_61] : memref<512x768xf32, #tpu.memory_space<vmem>>, vector<512x768xf32>
    tpu.vector_store %arg8[%swap3A, %swap3A_61], %add3A_60 {strides = array<i32>} : memref<512x768xf32, #tpu.memory_space<vmem>>, vector<512x768xf32>,
    return
  }
  func.func @transform_0(%arg0: i32) -> (i32, i32, i32) {
    %c0_i32 = arith.constant 0 : i32
    %c0_i32_0 = arith.constant 0 : i32
    %c0_i32_1 = arith.constant 0 : i32
    return %arg0, %c0_i32, %c0_i32_0 : i32, i32, i32
  }
  func.func @transform_1(%arg0: i32) -> (i32, i32) {
    %c0_i32 = arith.constant 0 : i32
    %c0_i32_0 = arith.constant 0 : i32
    return %arg0, %c0_i32 : i32, i32
  }
  func.func @transform_2(%arg0: i32) -> (i32, i32) {
    %c0_i32 = arith.constant 0 : i32
    %c0_i32_0 = arith.constant 0 : i32
    return %arg0, %c0_i32 : i32, i32
  }
  func.func @transform_3(%arg0: i32) -> (i32, i32) {
    %c0_i32 = arith.constant 0 : i32
    %c0_i32_0 = arith.constant 0 : i32
    %c0_i32_1 = arith.constant 0 : i32
    return %c0_i32, %c0_i32_0 : i32, i32
  }
  func.func @transform_4(%arg0: i32) -> (i32, i32) {
    %c0_i32 = arith.constant 0 : i32
    %c0_i32_0 = arith.constant 0 : i32
    %c0_i32_1 = arith.constant 0 : i32
    return %c0_i32, %c0_i32_0 : i32, i32
  }
  func.func @transform_5(%arg0: i32) -> (i32, i32) {
    %c0_i32 = arith.constant 0 : i32
    %c0_i32_0 = arith.constant 0 : i32
    %c0_i32_1 = arith.constant 0 : i32
    return %c0_i32, %c0_i32_0 : i32, i32
  }
  func.func @transform_6(%arg0: i32) -> (i32, i32) {
    %c0_i32 = arith.constant 0 : i32
    %c0_i32_0 = arith.constant 0 : i32
    %c0_i32_1 = arith.constant 0 : i32
    return %c0_i32, %c0_i32_0 : i32, i32
  }
  func.func @transform_7(%arg0: i32) -> (i32, i32) {
    %c0_i32 = arith.constant 0 : i32
    %c0_i32_0 = arith.constant 0 : i32
    return %arg0, %c0_i32 : i32, i32
  }
}

</mosaic_0001>

<sc_bundles>
// kernel: kernel.6.cloned.1.call-start
scs
__scs_entry_jumppad:
0x0: {  	(pc) =	sbr.rel $0x88, $3  }
0x1: {  	(tag) =	ssettag $0x0;
	lr =	simm.s32 $0x1  }
0x2: {  	[smem:$0x3F93] =	sst lr;
	_ =	strace $0xD0000000  }
0x3: {  	_ = 	snop  }
0x4: {  	_ = 	snop  }
0x5: {  	_ = 	snop  }
0x6: {  	_ = 	snop  }
0x7: {  	_ = 	snop  }
__scs_overlays_trampoline_lowered:
0x8: {  	[smem:$0x3FA2] =	sst s0  }
0x9: {  	[smem:$0x3FA3] =	sst s1  }
0xa: {  	[smem:$0x3FA4] =	sst s2  }
0xb: {  	[smem:$0x3FA5] =	sst s3  }
0xc: {  	[smem:$0x3FA6] =	sst s4  }
0xd: {  	[smem:$0x3FA7] =	sst s5  }
0xe: {  	[smem:$0x3FA8] =	sst s6  }
0xf: {  	[smem:$0x3FA9] =	sst s7  }
0x10: {  	[smem:$0x3FAA] =	sst s8  }
0x11: {  	[smem:$0x3FAB] =	sst s9;
	s0 =	simm.s32 @!p0 $0x0  }
0x12: {  	s1 =	sld [smem:$0x3F91];
	s0 =	simm.s32 @p0 $0x1  }
0x13: {  	[smem:$0x3FAC] =	sst s0;
	s0 =	simm.s32 @!p1 $0x0  }
0x14: {  	s2 =	sld [smem:$0x3F90];
	s0 =	simm.s32 @p1 $0x1  }
0x15: {  	[smem:$0x3FAD] =	sst s0;
	s0 =	simm.s32 @!p2 $0x0  }
0x16: {  	s3 =	sld [smem:$0x3FDB];
	s0 =	simm.s32 @p2 $0x1  }
0x17: {  	s4 =	simm.s32 $0x1BF5;
	[smem:$0x3FAF] =	sst s0  }
0x18: {  	s0 =	sld [smem:$0x3F92];
	_ =	swait.ge [sflag:s4], $0x0  }
0x19: {  	s7 =	sld [smem:$0x3F93]  }
0x1a: {  	s8 =	sadd.s32 $0xFFFFE003, lr  }
0x1b: {  	s9 =	sadd.s32 $0xFFFFFEF7, lr;
	s5 =	simm.s32 $0xFFFFFFFF;
	p2 =	slt.u32 s8, $0xFFFFF086  }
0x1c: {  	p1 =	slt.u32 s9, $0xF7A;
	s5 =	simm.s32 @!p2 $0x0  }
0x1d: {  	s5 =	simm.s32 @p1 $0x1;
	p0 =	seq.s32 s7, s2  }
0x1e: {  	s7 =	smul.u32 @!p0 $0xF7A, s2;
	p2 =	seq.s32 @!p0 s5, $0x0  }
0x1f: {  	s9 =	smul.u32 $0xF7A, s1;
	s8 =	simm.s32 @!p0 $0x1BF5;
	p2 =	por !p2, p0  }
0x20: {  	[sflag:s8] =	ssyncset.s32 @!p0 $0xFFFFF086;
	s6 =	sadd.s32 @!p0 s3, s7;
	s7 =	simm.s32 @!p0 $0x108  }
0x21: {  	s3 =	sadd.s32 s3, s9;
	s6 =	sadd.s32 @!p0 $0x88, s6;
	s7 =	simm.s32 @p2 $0x1082  }
0x22: {  	[simem:s7], [sflag:s8] =	dma.local @!p0 [hbm:s6], $0xF7A  }
0x23: {  	s9 =	sor.u32 $0xD0000000, s2;
	s6 =	simm.s32 $0x108;
	_ =	swait.ge @!p0 [sflag:s8], $0x0  }
0x24: {  	s3 =	sadd.s32 $0x88, s3;
	s6 =	simm.s32 @!p1 $0x1082;
	[sflag:s4] =	ssyncset.s32 $0xFFFFF086  }
0x25: {  	[simem:s6], [sflag:s4] =	dma.local [hbm:s3], $0xF7A  }
0x26: {  	[smem:$0x3F93] =	sst s1;
	(tag) =	ssettag s2;
	_ =	strace s9  }
0x27: {  	s1 =	sld [smem:$0x3FA3]  }
0x28: {  	s2 =	sld [smem:$0x3FA4]  }
0x29: {  	s4 =	sld [smem:$0x3FA6]  }
0x2a: {  	p0 =	seq.s32 s5, $0x0;
	s5 =	sld [smem:$0x3FA7]  }
0x2b: {  	s6 =	sld [smem:$0x3FA8]  }
0x2c: {  	s7 =	sld [smem:$0x3FA9]  }
0x2d: {  	s3 =	simm.s32 $0x108;
	s8 =	sld [smem:$0x3FAA]  }
0x2e: {  	s3 =	simm.s32 @!p0 $0x1082;
	s9 =	sld [smem:$0x3FAB]  }
0x2f: {  	lr =	sadd.s32 s0, s3;
	s0 =	sld [smem:$0x3FA2]  }
0x30: {  	s3 =	sld [smem:$0x3FA5]  }
0x31: {  	[smem:$0x3FAE] =	sst s10  }
0x32: {  	s10 =	sld [smem:$0x3FAC];
	_ =	sdelay $0x3  }
0x33: {  	p0 =	seq.s32 s10, $0x1;
	s10 =	sld [smem:$0x3FAE];
	_ =	sdelay $0x3  }
0x34: {  	[smem:$0x3FAE] =	sst s10  }
0x35: {  	s10 =	sld [smem:$0x3FAD];
	_ =	sdelay $0x3  }
0x36: {  	p1 =	seq.s32 s10, $0x1;
	s10 =	sld [smem:$0x3FAE];
	_ =	sdelay $0x3  }
0x37: {  	[smem:$0x3FAE] =	sst s10  }
0x38: {  	s10 =	sld [smem:$0x3FAF]  }
0x39: {  	_ = 	snop;
	(pc) =	sbr.ind lr, $3  }
0x3a: {  	_ = 	snop  }
0x3b: {  	_ = 	snop  }
0x3c: {  	p2 =	seq.s32 s10, $0x1;
	s10 =	sld [smem:$0x3FAE]  }
0x3d: {  	_ =	shalt  }
0x3e: {  	_ =	shalt  }
0x3f: {  	_ =	shalt  }
0x40: {  	_ =	shalt  }
0x41: {  	_ =	shalt  }
0x42: {  	_ =	shalt  }
0x43: {  	_ =	shalt  }
0x44: {  	_ =	shalt  }
0x45: {  	_ =	shalt  }
0x46: {  	_ =	shalt  }
0x47: {  	_ =	shalt  }
0x48: {  	_ =	shalt  }
0x49: {  	_ =	shalt  }
0x4a: {  	_ =	shalt  }
0x4b: {  	_ =	shalt  }
0x4c: {  	_ =	shalt  }
0x4d: {  	_ =	shalt  }
0x4e: {  	_ =	shalt  }
0x4f: {  	_ =	shalt  }
0x50: {  	_ =	shalt  }
0x51: {  	_ =	shalt  }
0x52: {  	_ =	shalt  }
0x53: {  	_ =	shalt  }
0x54: {  	_ =	shalt  }
0x55: {  	_ =	shalt  }
0x56: {  	_ =	shalt  }
0x57: {  	_ =	shalt  }
0x58: {  	_ =	shalt  }
0x59: {  	_ =	shalt  }
0x5a: {  	_ =	shalt  }
0x5b: {  	_ =	shalt  }
0x5c: {  	_ =	shalt  }
0x5d: {  	_ =	shalt  }
0x5e: {  	_ =	shalt  }
0x5f: {  	_ =	shalt  }
0x60: {  	_ =	shalt  }
0x61: {  	_ =	shalt  }
0x62: {  	_ =	shalt  }
0x63: {  	_ =	shalt  }
0x64: {  	_ =	shalt  }
0x65: {  	_ =	shalt  }
0x66: {  	_ =	shalt  }
0x67: {  	_ =	shalt  }
0x68: {  	_ =	shalt  }
0x69: {  	_ =	shalt  }
0x6a: {  	_ =	shalt  }
0x6b: {  	_ =	shalt  }
0x6c: {  	_ =	shalt  }
0x6d: {  	_ =	shalt  }
0x6e: {  	_ =	shalt  }
0x6f: {  	_ =	shalt  }
0x70: {  	_ =	shalt  }
0x71: {  	_ =	shalt  }
0x72: {  	_ =	shalt  }
0x73: {  	_ =	shalt  }
0x74: {  	_ =	shalt  }
0x75: {  	_ =	shalt  }
0x76: {  	_ =	shalt  }
0x77: {  	_ =	shalt  }
0x78: {  	_ =	shalt  }
0x79: {  	_ =	shalt  }
0x7a: {  	_ =	shalt  }
0x7b: {  	_ =	shalt  }
0x7c: {  	_ =	shalt  }
0x7d: {  	_ =	shalt  }
0x7e: {  	_ =	shalt  }
0x7f: {  	_ =	shalt  }
0x80: {  	_ =	shalt  }
0x81: {  	_ =	shalt  }
0x82: {  	_ =	shalt  }
0x83: {  	_ =	shalt  }
0x84: {  	_ =	shalt  }
0x85: {  	_ =	shalt  }
0x86: {  	_ =	shalt  }
0x87: {  	_ =	shalt  }
.Lfunc_end0:
.L_simem_size_0:
called_computation_lowered:
.L_overlay_start_0:
0x88: {  	s2 =	sld [smem:$0x3FD9]  }
0x89: {  	s3 =	sld [smem:$0x3FFE];
	_ =	sdelay $0x1  }
0x8a: {  	s1 =	srdreg.scid  }
0x8b: {  	s0 =	sand.u32 $0x1, s1  }
0x8c: {  	s17 =	sshll.u32 s0, $0xA;
	s2 =	sadd.s32 s3, s2  }
0x8d: {  	s2 =	sadd.s32 s2, s17  }
0x8e: {  	[smem:$0x3FBA] =	sst s2  }
0x8f: {  	_ = 	snop  }
0x90: {  	s2 =	sld [smem:$0x3FD0];
	(tm) =	ssettm $0x1  }
0x91: {  	s18 =	sld [smem:$0x3FFB];
	_ =	sdelay $0x3  }
0x92: {  	_ =	strace s18  }
0x93: {  	s3 =	sld [smem:$0x3FFC];
	_ =	sdelay $0x3  }
0x94: {  	_ =	strace s3  }
0x95: {  	s3 =	sld [smem:$0x3FFD];
	_ =	sdelay $0x3  }
0x96: {  	_ =	strace s3  }
0x97: {  	_ =	strace $0x8FFFFFFF  }
0x98: {  	s19 =	sld [smem:$0x3FDB];
	_ =	sdelay $0x1  }
0x99: {  	s4 =	simm.s32 $_scs_section_size  }
0x9a: {  	s5 =	simm.s32 $_size__tile_overlayer_lowered;
	s6 =	simm.s32 $_tile_overlayer_lowered  }
0x9b: {  	s22 =	simm.s32 $0x1BFF;
	s21 =	sshll.u32 s6, $0x1;
	s3 =	sadd.s32 s4, s19  }
0x9c: {  	s7 =	simm.s32 $0x0;
	s20 =	sshll.u32 s5, $0x1;
	s5 =	sadd.s32 s21, s3  }
0x9d: {  	[timem:s7], [sflag:s22] =	dma.local [hbm:s5], s20  }
0x9e: {  	_ =	swait.ge [sflag:s22], s20  }
0x9f: {  	s4 =	ssub.s32 $0x0, s20;
	[sflag:s22] =	ssyncset.done $0x0  }
0xa0: {  	[sflag:s22] =	ssyncadd.s32 s4;
	_ =	sdelay $0x1  }
0xa1: {  	s23 =	simm.s32 $0x1B8B  }
0xa2: {  	_ =	swait.ge [sflag:s23], $0x1  }
0xa3: {  	[sflag:s23] =	ssyncset.done $0x0  }
0xa4: {  	s25 =	simm.s32 $0x1B8E;
	s24 =	sld [smem:$0x3FFE];
	[sflag:s23] =	ssyncadd.s32 $0xFFFFFFFF  }
0xa5: {  	s26 =	simm.s32 $execute0_lowered;
	[smem:$0x3FD2] =	sst s25  }
0xa6: {  	s5 =	sshll.u32 s26, $0x1;
	_ =	strace $0x80000046;
	[dreg:$0x1] =	wrdreg $0xFFFFFFFF  }
0xa7: {  	s28 =	simm.s32 $_size_execute0_lowered;
	s3 =	sadd.s32 s3, s5;
	[dreg:$0x0] =	wrdreg $0x0  }
0xa8: {  	s5 =	sshll.u32 s28, $0x1;
	[dreg:$0x2] =	wrdreg s3  }
0xa9: {  	[dreg:$0x3] =	wrdreg s5  }
0xaa: {  	[dreg:$0x4] =	wrdreg $0xC0  }
0xab: {  	_ =	task [dreg:s7], $0x5FFFF  }
0xac: {  	[dreg:$0x1] =	wrdreg $0xFFFFFFFF  }
0xad: {  	[dreg:$0x0] =	wrdreg $0x60  }
0xae: {  	[dreg:$0x2] =	wrdreg s24  }
0xaf: {  	[dreg:$0x3] =	wrdreg s2  }
0xb0: {  	[dreg:$0x4] =	wrdreg $0x9  }
0xb1: {  	_ =	task.clear_ibuf [dreg:s7], $0x5FFFF;
	_ =	strace $0x90000046  }
0xb2: {  	s29 =	simm.s32 $0x9;
	_ =	strace $0x80000048  }
0xb3: {  	_ =	swait.ge [sflag:s29], $0x1  }
0xb4: {  	[sflag:s29] =	ssyncadd.s32 $0xFFFFFFFF  }
0xb5: {  	_ =	strace $0x90000048  }
0xb6: {  	_ =	sfence  }
0xb7: {  	s30 =	sld [smem:$0x0];
	_ =	sdelay $0x2  }
0xb8: {  	s31 =	sshll.u32 s1, $0xD;
	s1 =	sshrl.u32 s1, $0x2  }
0xb9: {  	s3 =	sand.u32 $0x4000, s31;
	s1 =	sadd.s32 s1, s30  }
0xba: {  	s0 =	sor.u32 s3, s0;
	s1 =	sshll.u32 s1, $0x11  }
0xbb: {  	s0 =	sor.u32 s1, s0  }
0xbc: {  	s0 =	sadd.s32 $0x8F2B, s0  }
0xbd: {  	[sflag:s0] =	ssyncadd.remote.s32 $0x1  }
0xbe: {  	_ =	sfence.sel $0xFFFF  }
0xbf: {  	[dreg:$0x0] =	wrdreg $0xFFFFFFFF;
	(pc) =	sbr.abs _section_cstart, $3  }
0xc0: {  	[dreg:$0x1] =	wrdreg $0xFFFFFFFF  }
0xc1: {  	_ =	task.clear_ibuf [dreg:s7], $0x2FFFF;
	_ =	strace $0x9FFFFFFF  }
0xc2: {  	(tm) =	ssettm $0x7FFFFFFF  }
0xc3: {  	_ =	shalt  }
tec
execute0_lowered:
.L_overlay_start_1:
0x0: {  	(tag) =	ssettag $0x1  }
0x1: {  	s0 =	srdreg.scid;
	s12 =	stileid.u32  }
0x2: {  	s1 =	sand.u32 $0x1, s0;
	s22 =	sshll.u32 s12, $0x1  }
0x3: {  	s0 =	sor.u32 s1, s22  }
0x4: {  	s4 =	rddreg [dreg:$0x0];
	s5 =	smul.u32 $0x700, s0  }
0x5: {  	s3 =	rddreg [dreg:$0x1];
	s2 =	simm.s32 $0x0  }
0x6: {  	[smem:$0x7FF] =	sst s2;
	s6 =	sadd.s32 s5, s4  }
0x7: {  	_ =	strace $0x80000047;
	s8 =	smul.u32 $0x7000, s0;
	s7 =	sadd.s32 $0x3400, s6  }
0x8: {  	s5 =	sadd.s32 $0x25800, s4;
	s23 =	sadd.s32 $0x11400, s6;
	[dreg:$0x3] =	wrdreg s7  }
0x9: {  	s9 =	sor.u32 $0x700, s8;
	s24 =	sadd.s32 s5, s8;
	[dreg:$0x4] =	wrdreg s23  }
0xa: {  	s6 =	sadd.s32 $0x105800, s4;
	s26 =	sadd.s32 s5, s9;
	[dreg:$0x5] =	wrdreg s24  }
0xb: {  	s25 =	sadd.s32 s6, s8;
	[dreg:$0x7] =	wrdreg s26  }
0xc: {  	s0 =	smul.u32 $0x70000, s0;
	s9 =	sadd.s32 s6, s9;
	[dreg:$0x6] =	wrdreg s25  }
0xd: {  	s8 =	sor.u32 $0xE00, s8;
	[dreg:$0x8] =	wrdreg s9  }
0xe: {  	s7 =	sshrl.u32 s0, $0x4;
	s10 =	sadd.s32 s5, s8;
	s0 =	rddreg [dreg:$0x3]  }
0xf: {  	s11 =	sadd.s32 s6, s8;
	s13 =	sadd.s32 $0x1500, s7;
	[dreg:$0x9] =	wrdreg s10  }
0x10: {  	[dreg:$0xa] =	wrdreg s11;
	s14 =	sadd.s32 s5, s13  }
0x11: {  	s16 =	sadd.s32 $0x1C00, s7;
	s15 =	sadd.s32 s6, s13;
	[dreg:$0xb] =	wrdreg s14  }
0x12: {  	s17 =	sadd.s32 s5, s16;
	[dreg:$0xc] =	wrdreg s15  }
0x13: {  	s19 =	sadd.s32 $0x2300, s7;
	s18 =	sadd.s32 s6, s16;
	[dreg:$0xd] =	wrdreg s17  }
0x14: {  	s31 =	simm.s32 $0x3800;
	s20 =	sadd.s32 s5, s19;
	[dreg:$0xe] =	wrdreg s18  }
0x15: {  	s22 =	sadd.s32 $0x2A00, s7;
	s21 =	sadd.s32 s6, s19;
	[dreg:$0xf] =	wrdreg s20  }
0x16: {  	s30 =	simm.s32 $0x1880;
	s23 =	sadd.s32 s5, s22;
	[dreg:$0x10] =	wrdreg s21  }
0x17: {  	s25 =	sadd.s32 $0x3100, s7;
	s24 =	sadd.s32 s6, s22;
	[dreg:$0x11] =	wrdreg s23  }
0x18: {  	s28 =	simm.s32 $0x1C00;
	s26 =	sadd.s32 s5, s25;
	[dreg:$0x12] =	wrdreg s24  }
0x19: {  	s9 =	sadd.s32 $0x3800, s7;
	s8 =	sadd.s32 s6, s25;
	[dreg:$0x13] =	wrdreg s26  }
0x1a: {  	s29 =	simm.s32 $0x5400;
	s10 =	sadd.s32 s5, s9;
	[dreg:$0x14] =	wrdreg s8  }
0x1b: {  	s11 =	sadd.s32 s6, s9;
	s13 =	sadd.s32 $0x3F00, s7;
	[dreg:$0x15] =	wrdreg s10  }
0x1c: {  	p0 =	por $0x0, $0x0;
	[dreg:$0x16] =	wrdreg s11;
	s14 =	sadd.s32 s5, s13  }
0x1d: {  	s16 =	sadd.s32 $0x4600, s7;
	s15 =	sadd.s32 s6, s13;
	[dreg:$0x17] =	wrdreg s14  }
0x1e: {  	s1 =	ssub.s32 $0x2, s1;
	s17 =	sadd.s32 s5, s16;
	[dreg:$0x18] =	wrdreg s15  }
0x1f: {  	s19 =	sadd.s32 $0x4D00, s7;
	s18 =	sadd.s32 s6, s16;
	[dreg:$0x19] =	wrdreg s17  }
0x20: {  	s22 =	sadd.s32 $0x5400, s7;
	s20 =	sadd.s32 s5, s19;
	[dreg:$0x1a] =	wrdreg s18  }
0x21: {  	s25 =	sadd.s32 $0x5B00, s7;
	s21 =	sadd.s32 s6, s19;
	[dreg:$0x1b] =	wrdreg s20  }
0x22: {  	s9 =	sadd.s32 $0x6200, s7;
	s23 =	sadd.s32 s5, s22;
	[dreg:$0x1c] =	wrdreg s21  }
0x23: {  	s7 =	sadd.s32 $0x6900, s7;
	s24 =	sadd.s32 s6, s22;
	[dreg:$0x1d] =	wrdreg s23  }
0x24: {  	s26 =	sadd.s32 s5, s25;
	s8 =	sadd.s32 s6, s25;
	[dreg:$0x1e] =	wrdreg s24  }
0x25: {  	s10 =	sadd.s32 s5, s9;
	s11 =	sadd.s32 s6, s9;
	[dreg:$0x1f] =	wrdreg s26  }
0x26: {  	s13 =	sadd.s32 s5, s7;
	s5 =	sadd.s32 $0x1F400, s4;
	[smem:$0x7EE] =	sst s8  }
0x27: {  	s16 =	sshrl.u32 s1, $0x1;
	s19 =	simm.s32 $0xA80;
	[smem:$0x7EF] =	sst s10  }
0x28: {  	s4 =	simm.s32 $0x2;
	s22 =	simm.s32 $0x4600;
	[smem:$0x7F0] =	sst s11  }
0x29: {  	s9 =	simm.s32 $0xE000;
	s25 =	simm.s32 $0x1500;
	[smem:$0x7F1] =	sst s13  }
0x2a: {  	s14 =	sadd.s32 s6, s7;
	s15 =	simm.s32 $0x3B80;
	[smem:$0x7F6] =	sst s19  }
0x2b: {  	s17 =	simm.s32 $0x700;
	s1 =	ssub.s32 s1, s16;
	[smem:$0x7F9] =	sst s22  }
0x2c: {  	s18 =	simm.s32 $0x3F00;
	s20 =	simm.s32 $0x4280;
	[smem:$0x7FC] =	sst s25  }
0x2d: {  	s21 =	simm.s32 $0xE00;
	s11 =	simm.s32 $0x380;
	[smem:$0x7F2] =	sst s14  }
0x2e: {  	s10 =	simm.s32 $0x7000;
	s23 =	simm.s32 $0x1180;
	[smem:$0x7F3] =	sst s15  }
0x2f: {  	s24 =	simm.s32 $0x4980;
	s8 =	simm.s32 $0xA800;
	[smem:$0x7F4] =	sst s17  }
0x30: {  	s6 =	simm.s32 $0x11800;
	s26 =	simm.s32 $0x4D00;
	[smem:$0x7F5] =	sst s18  }
0x31: {  	s7 =	simm.s32 $0x1;
	s19 =	simm.s32 $0x5080;
	[smem:$0x7F7] =	sst s20  }
0x32: {  	s25 =	simm.s32 $0x1F80;
	s1 =	smax.u32 s1, $0x1;
	[smem:$0x7F8] =	sst s21  }
0x33: {  	s22 =	simm.s32 $0x5E80;
	[smem:$0x7FA] =	sst s23;
	p1 =	sne.s32 s1, $0x1  }
.Ltmp0:
0x34: {  	s16 =	simm.s32 $0x6900;
	[smem:$0x7FB] =	sst s24;
	(pc) =	sbr.rel @!p1 .LBB2_1-.Ltmp0, $4  }
0x35: {  	s13 =	simm.s32 $0x3480;
	[smem:$0x7FD] =	sst s26;
	s26 =	simm.s32 $0x5780  }
0x36: {  	s23 =	simm.s32 $0x2300;
	s24 =	simm.s32 $0x5B00;
	s21 =	simm.s32 $0x2680  }
0x37: {  	s20 =	simm.s32 $0x6200;
	s17 =	simm.s32 $0x2D80;
	s18 =	simm.s32 $0x6580  }
0x38: {  	s15 =	simm.s32 $0x3100;
	s14 =	simm.s32 $0x6C80;
	s1 =	sadd.s32 $0xFFFFFFFF, s1  }
0x39: {  	[tilespmem:s2], [sflag:$0x2] =	stream.linear.gather [hbm4b:s0+s2], $0x3800, $0x38;
	[tilespmem:$0x15000] =	vst v63  }
0x3a: {  	_ =	swait.ge [sflag:s4], $0x3800  }
0x3b: {  	[sflag:s4] =	ssyncset.done $0x0  }
0x3c: {  	s12 =	rddreg [dreg:$0x4];
	[sflag:s4] =	ssyncadd.s32 $0xFFFFC800  }
0x3d: {  	[tilespmem:s31], [sflag:$0x2] =	stream.linear.gather [hbm4b:s12+s2], $0x3800, $0x38;
	[tilespmem:$0x15000] =	vst v63  }
0x3e: {  	_ =	swait.ge [sflag:s4], $0x3800  }
0x3f: {  	[sflag:s4] =	ssyncset.done $0x0  }
0x40: {  	[sflag:s4] =	ssyncadd.s32 $0xFFFFC800  }
0x41: {  	[tilespmem:s10], [sflag:$0x1] =	stream.indirect.gather [hbm4b:s5+s11], $0x10, s2, s11, $0xb8;
	[tilespmem:$0x15000] =	vst v63  }
0x42: {  	_ = 	snop  }
0x43: {  	[tilespmem:s9], [sflag:$0x1] =	stream.indirect.gather [hbm4b:s3+s11], $0x10, s31, s11, $0xb8;
	[tilespmem:$0x15000] =	vst v63  }
0x44: {  	s12 =	sld [smem:$0x7F3]  }
0x45: {  	[tilespmem:s8], [sflag:$0x1] =	stream.indirect.gather [hbm4b:s5+s11], $0x10, s11, s11, $0xb8;
	[tilespmem:$0x15000] =	vst v63  }
0x46: {  	_ = 	snop  }
0x47: {  	[tilespmem:s6], [sflag:$0x1] =	stream.indirect.gather [hbm4b:s3+s11], $0x10, s12, s11, $0xb8;
	[tilespmem:$0x15000] =	vst v63  }
0x48: {  	_ =	swait.ge [sflag:s7], $0x3800  }
0x49: {  	[sflag:s7] =	ssyncset.done $0x0  }
0x4a: {  	s12 =	rddreg [dreg:$0x5];
	[sflag:s7] =	ssyncadd.s32 $0xFFFFC800  }
0x4b: {  	[hbm4b:s12+s2] =	stream.linear.scatter [tilespmem:s10], [sflag:$0x2], $0x3800, $0x38;
	[tilespmem:$0x15000] =	vst v63  }
0x4c: {  	_ =	swait.ge [sflag:s4], $0x3800  }
0x4d: {  	[sflag:s4] =	ssyncset.done $0x0  }
0x4e: {  	[sflag:s4] =	ssyncadd.s32 $0xFFFFC800  }
0x4f: {  	_ =	swait.ge [sflag:s7], $0x3800  }
0x50: {  	[sflag:s7] =	ssyncset.done $0x0  }
0x51: {  	s12 =	rddreg [dreg:$0x6];
	[sflag:s7] =	ssyncadd.s32 $0xFFFFC800  }
0x52: {  	[hbm4b:s12+s2] =	stream.linear.scatter [tilespmem:s9], [sflag:$0x2], $0x3800, $0x38;
	[tilespmem:$0x15000] =	vst v63  }
0x53: {  	_ =	swait.ge [sflag:s4], $0x3800  }
0x54: {  	s0 =	sld [smem:$0x7F4]  }
0x55: {  	[sflag:s4] =	ssyncset.done $0x0  }
0x56: {  	s12 =	smov.u32 s1;
	s1 =	sld [smem:$0x7F5];
	[sflag:s4] =	ssyncadd.s32 $0xFFFFC800  }
0x57: {  	[tilespmem:s10], [sflag:$0x1] =	stream.indirect.gather [hbm4b:s5+s11], $0x10, s0, s11, $0xb8;
	[tilespmem:$0x15000] =	vst v63  }
0x58: {  	_ = 	snop  }
0x59: {  	[tilespmem:s9], [sflag:$0x1] =	stream.indirect.gather [hbm4b:s3+s11], $0x10, s1, s11, $0xb8;
	[tilespmem:$0x15000] =	vst v63  }
0x5a: {  	_ =	swait.ge [sflag:s7], $0x3800  }
0x5b: {  	[sflag:s7] =	ssyncset.done $0x0  }
0x5c: {  	s1 =	rddreg [dreg:$0x7];
	[sflag:s7] =	ssyncadd.s32 $0xFFFFC800  }
0x5d: {  	[hbm4b:s1+s2] =	stream.linear.scatter [tilespmem:s8], [sflag:$0x2], $0x3800, $0x38;
	[tilespmem:$0x15000] =	vst v63  }
0x5e: {  	_ =	swait.ge [sflag:s4], $0x3800  }
0x5f: {  	[sflag:s4] =	ssyncset.done $0x0  }
0x60: {  	[sflag:s4] =	ssyncadd.s32 $0xFFFFC800  }
0x61: {  	_ =	swait.ge [sflag:s7], $0x3800  }
0x62: {  	[sflag:s7] =	ssyncset.done $0x0  }
0x63: {  	s1 =	rddreg [dreg:$0x8];
	[sflag:s7] =	ssyncadd.s32 $0xFFFFC800  }
0x64: {  	[hbm4b:s1+s2] =	stream.linear.scatter [tilespmem:s6], [sflag:$0x2], $0x3800, $0x38;
	[tilespmem:$0x15000] =	vst v63  }
0x65: {  	_ =	swait.ge [sflag:s4], $0x3800  }
0x66: {  	s0 =	sld [smem:$0x7F6]  }
0x67: {  	[sflag:s4] =	ssyncset.done $0x0  }
0x68: {  	s1 =	sld [smem:$0x7F7];
	[sflag:s4] =	ssyncadd.s32 $0xFFFFC800  }
0x69: {  	[tilespmem:s8], [sflag:$0x1] =	stream.indirect.gather [hbm4b:s5+s11], $0x10, s0, s11, $0xb8;
	[tilespmem:$0x15000] =	vst v63  }
0x6a: {  	_ = 	snop  }
0x6b: {  	[tilespmem:s6], [sflag:$0x1] =	stream.indirect.gather [hbm4b:s3+s11], $0x10, s1, s11, $0xb8;
	[tilespmem:$0x15000] =	vst v63  }
0x6c: {  	_ =	swait.ge [sflag:s7], $0x3800  }
0x6d: {  	[sflag:s7] =	ssyncset.done $0x0  }
0x6e: {  	s1 =	rddreg [dreg:$0x9];
	[sflag:s7] =	ssyncadd.s32 $0xFFFFC800  }
0x6f: {  	[hbm4b:s1+s2] =	stream.linear.scatter [tilespmem:s10], [sflag:$0x2], $0x3800, $0x38;
	[tilespmem:$0x15000] =	vst v63  }
0x70: {  	_ =	swait.ge [sflag:s4], $0x3800  }
0x71: {  	[sflag:s4] =	ssyncset.done $0x0  }
0x72: {  	[sflag:s4] =	ssyncadd.s32 $0xFFFFC800  }
0x73: {  	_ =	swait.ge [sflag:s7], $0x3800  }
0x74: {  	[sflag:s7] =	ssyncset.done $0x0  }
0x75: {  	s1 =	rddreg [dreg:$0xa];
	[sflag:s7] =	ssyncadd.s32 $0xFFFFC800  }
0x76: {  	[hbm4b:s1+s2] =	stream.linear.scatter [tilespmem:s9], [sflag:$0x2], $0x3800, $0x38;
	[tilespmem:$0x15000] =	vst v63  }
0x77: {  	_ =	swait.ge [sflag:s4], $0x3800  }
0x78: {  	s0 =	sld [smem:$0x7F8]  }
0x79: {  	[sflag:s4] =	ssyncset.done $0x0  }
0x7a: {  	s1 =	sld [smem:$0x7F9];
	[sflag:s4] =	ssyncadd.s32 $0xFFFFC800  }
0x7b: {  	[tilespmem:s10], [sflag:$0x1] =	stream.indirect.gather [hbm4b:s5+s11], $0x10, s0, s11, $0xb8;
	[tilespmem:$0x15000] =	vst v63  }
0x7c: {  	_ = 	snop  }
0x7d: {  	[tilespmem:s9], [sflag:$0x1] =	stream.indirect.gather [hbm4b:s3+s11], $0x10, s1, s11, $0xb8;
	[tilespmem:$0x15000] =	vst v63  }
0x7e: {  	_ =	swait.ge [sflag:s7], $0x3800  }
0x7f: {  	[sflag:s7] =	ssyncset.done $0x0  }
0x80: {  	s1 =	rddreg [dreg:$0xb];
	[sflag:s7] =	ssyncadd.s32 $0xFFFFC800  }
0x81: {  	[hbm4b:s1+s2] =	stream.linear.scatter [tilespmem:s8], [sflag:$0x2], $0x3800, $0x38;
	[tilespmem:$0x15000] =	vst v63  }
0x82: {  	_ =	swait.ge [sflag:s4], $0x3800  }
0x83: {  	[sflag:s4] =	ssyncset.done $0x0  }
0x84: {  	[sflag:s4] =	ssyncadd.s32 $0xFFFFC800  }
0x85: {  	_ =	swait.ge [sflag:s7], $0x3800  }
0x86: {  	[sflag:s7] =	ssyncset.done $0x0  }
0x87: {  	s1 =	rddreg [dreg:$0xc];
	[sflag:s7] =	ssyncadd.s32 $0xFFFFC800  }
0x88: {  	[hbm4b:s1+s2] =	stream.linear.scatter [tilespmem:s6], [sflag:$0x2], $0x3800, $0x38;
	[tilespmem:$0x15000] =	vst v63  }
0x89: {  	_ =	swait.ge [sflag:s4], $0x3800  }
0x8a: {  	s0 =	sld [smem:$0x7FA]  }
0x8b: {  	[sflag:s4] =	ssyncset.done $0x0  }
0x8c: {  	s1 =	sld [smem:$0x7FB];
	[sflag:s4] =	ssyncadd.s32 $0xFFFFC800  }
0x8d: {  	[tilespmem:s8], [sflag:$0x1] =	stream.indirect.gather [hbm4b:s5+s11], $0x10, s0, s11, $0xb8;
	[tilespmem:$0x15000] =	vst v63  }
0x8e: {  	_ = 	snop  }
0x8f: {  	[tilespmem:s6], [sflag:$0x1] =	stream.indirect.gather [hbm4b:s3+s11], $0x10, s1, s11, $0xb8;
	[tilespmem:$0x15000] =	vst v63  }
0x90: {  	_ =	swait.ge [sflag:s7], $0x3800  }
0x91: {  	[sflag:s7] =	ssyncset.done $0x0  }
0x92: {  	s1 =	rddreg [dreg:$0xd];
	[sflag:s7] =	ssyncadd.s32 $0xFFFFC800  }
0x93: {  	[hbm4b:s1+s2] =	stream.linear.scatter [tilespmem:s10], [sflag:$0x2], $0x3800, $0x38;
	[tilespmem:$0x15000] =	vst v63  }
0x94: {  	_ =	swait.ge [sflag:s4], $0x3800  }
0x95: {  	[sflag:s4] =	ssyncset.done $0x0  }
0x96: {  	[sflag:s4] =	ssyncadd.s32 $0xFFFFC800  }
0x97: {  	_ =	swait.ge [sflag:s7], $0x3800  }
0x98: {  	[sflag:s7] =	ssyncset.done $0x0  }
0x99: {  	s1 =	rddreg [dreg:$0xe];
	[sflag:s7] =	ssyncadd.s32 $0xFFFFC800  }
0x9a: {  	[hbm4b:s1+s2] =	stream.linear.scatter [tilespmem:s9], [sflag:$0x2], $0x3800, $0x38;
	[tilespmem:$0x15000] =	vst v63  }
0x9b: {  	_ =	swait.ge [sflag:s4], $0x3800  }
0x9c: {  	s0 =	sld [smem:$0x7FC]  }
0x9d: {  	[sflag:s4] =	ssyncset.done $0x0  }
0x9e: {  	s1 =	sld [smem:$0x7FD];
	[sflag:s4] =	ssyncadd.s32 $0xFFFFC800  }
0x9f: {  	[tilespmem:s10], [sflag:$0x1] =	stream.indirect.gather [hbm4b:s5+s11], $0x10, s0, s11, $0xb8;
	[tilespmem:$0x15000] =	vst v63  }
0xa0: {  	_ = 	snop  }
0xa1: {  	[tilespmem:s9], [sflag:$0x1] =	stream.indirect.gather [hbm4b:s3+s11], $0x10, s1, s11, $0xb8;
	[tilespmem:$0x15000] =	vst v63  }
0xa2: {  	_ =	swait.ge [sflag:s7], $0x3800  }
0xa3: {  	[sflag:s7] =	ssyncset.done $0x0  }
0xa4: {  	s1 =	rddreg [dreg:$0xf];
	[sflag:s7] =	ssyncadd.s32 $0xFFFFC800  }
0xa5: {  	[hbm4b:s1+s2] =	stream.linear.scatter [tilespmem:s8], [sflag:$0x2], $0x3800, $0x38;
	[tilespmem:$0x15000] =	vst v63  }
0xa6: {  	_ =	swait.ge [sflag:s4], $0x3800  }
0xa7: {  	[sflag:s4] =	ssyncset.done $0x0  }
0xa8: {  	[sflag:s4] =	ssyncadd.s32 $0xFFFFC800  }
0xa9: {  	_ =	swait.ge [sflag:s7], $0x3800  }
0xaa: {  	[sflag:s7] =	ssyncset.done $0x0  }
0xab: {  	s1 =	rddreg [dreg:$0x10];
	[sflag:s7] =	ssyncadd.s32 $0xFFFFC800  }
0xac: {  	[hbm4b:s1+s2] =	stream.linear.scatter [tilespmem:s6], [sflag:$0x2], $0x3800, $0x38;
	[tilespmem:$0x15000] =	vst v63  }
0xad: {  	_ =	swait.ge [sflag:s4], $0x3800  }
0xae: {  	[sflag:s4] =	ssyncset.done $0x0  }
0xaf: {  	[sflag:s4] =	ssyncadd.s32 $0xFFFFC800  }
0xb0: {  	[tilespmem:s8], [sflag:$0x1] =	stream.indirect.gather [hbm4b:s5+s11], $0x10, s30, s11, $0xb8;
	[tilespmem:$0x15000] =	vst v63  }
0xb1: {  	_ = 	snop  }
0xb2: {  	[tilespmem:s6], [sflag:$0x1] =	stream.indirect.gather [hbm4b:s3+s11], $0x10, s19, s11, $0xb8;
	[tilespmem:$0x15000] =	vst v63  }
0xb3: {  	_ =	swait.ge [sflag:s7], $0x3800  }
0xb4: {  	[sflag:s7] =	ssyncset.done $0x0  }
0xb5: {  	s1 =	rddreg [dreg:$0x11];
	[sflag:s7] =	ssyncadd.s32 $0xFFFFC800  }
0xb6: {  	[hbm4b:s1+s2] =	stream.linear.scatter [tilespmem:s10], [sflag:$0x2], $0x3800, $0x38;
	[tilespmem:$0x15000] =	vst v63  }
0xb7: {  	_ =	swait.ge [sflag:s4], $0x3800  }
0xb8: {  	[sflag:s4] =	ssyncset.done $0x0  }
0xb9: {  	[sflag:s4] =	ssyncadd.s32 $0xFFFFC800  }
0xba: {  	_ =	swait.ge [sflag:s7], $0x3800  }
0xbb: {  	[sflag:s7] =	ssyncset.done $0x0  }
0xbc: {  	s1 =	rddreg [dreg:$0x12];
	[sflag:s7] =	ssyncadd.s32 $0xFFFFC800  }
0xbd: {  	[hbm4b:s1+s2] =	stream.linear.scatter [tilespmem:s9], [sflag:$0x2], $0x3800, $0x38;
	[tilespmem:$0x15000] =	vst v63  }
0xbe: {  	_ =	swait.ge [sflag:s4], $0x3800  }
0xbf: {  	[sflag:s4] =	ssyncset.done $0x0  }
0xc0: {  	[sflag:s4] =	ssyncadd.s32 $0xFFFFC800  }
0xc1: {  	[tilespmem:s10], [sflag:$0x1] =	stream.indirect.gather [hbm4b:s5+s11], $0x10, s28, s11, $0xb8;
	[tilespmem:$0x15000] =	vst v63  }
0xc2: {  	_ = 	snop  }
0xc3: {  	[tilespmem:s9], [sflag:$0x1] =	stream.indirect.gather [hbm4b:s3+s11], $0x10, s29, s11, $0xb8;
	[tilespmem:$0x15000] =	vst v63  }
0xc4: {  	_ =	swait.ge [sflag:s7], $0x3800  }
0xc5: {  	[sflag:s7] =	ssyncset.done $0x0  }
0xc6: {  	s1 =	rddreg [dreg:$0x13];
	[sflag:s7] =	ssyncadd.s32 $0xFFFFC800  }
0xc7: {  	[hbm4b:s1+s2] =	stream.linear.scatter [tilespmem:s8], [sflag:$0x2], $0x3800, $0x38;
	[tilespmem:$0x15000] =	vst v63  }
0xc8: {  	_ =	swait.ge [sflag:s4], $0x3800  }
0xc9: {  	[sflag:s4] =	ssyncset.done $0x0  }
0xca: {  	[sflag:s4] =	ssyncadd.s32 $0xFFFFC800  }
0xcb: {  	_ =	swait.ge [sflag:s7], $0x3800  }
0xcc: {  	[sflag:s7] =	ssyncset.done $0x0  }
0xcd: {  	s1 =	rddreg [dreg:$0x14];
	[sflag:s7] =	ssyncadd.s32 $0xFFFFC800  }
0xce: {  	[hbm4b:s1+s2] =	stream.linear.scatter [tilespmem:s6], [sflag:$0x2], $0x3800, $0x38;
	[tilespmem:$0x15000] =	vst v63  }
0xcf: {  	_ =	swait.ge [sflag:s4], $0x3800  }
0xd0: {  	[sflag:s4] =	ssyncset.done $0x0  }
0xd1: {  	[sflag:s4] =	ssyncadd.s32 $0xFFFFC800  }
0xd2: {  	[tilespmem:s8], [sflag:$0x1] =	stream.indirect.gather [hbm4b:s5+s11], $0x10, s25, s11, $0xb8;
	[tilespmem:$0x15000] =	vst v63  }
0xd3: {  	_ = 	snop  }
0xd4: {  	[tilespmem:s6], [sflag:$0x1] =	stream.indirect.gather [hbm4b:s3+s11], $0x10, s26, s11, $0xb8;
	[tilespmem:$0x15000] =	vst v63  }
0xd5: {  	_ =	swait.ge [sflag:s7], $0x3800  }
0xd6: {  	[sflag:s7] =	ssyncset.done $0x0  }
0xd7: {  	s1 =	rddreg [dreg:$0x15];
	[sflag:s7] =	ssyncadd.s32 $0xFFFFC800  }
0xd8: {  	[hbm4b:s1+s2] =	stream.linear.scatter [tilespmem:s10], [sflag:$0x2], $0x3800, $0x38;
	[tilespmem:$0x15000] =	vst v63  }
0xd9: {  	_ =	swait.ge [sflag:s4], $0x3800  }
0xda: {  	[sflag:s4] =	ssyncset.done $0x0  }
0xdb: {  	[sflag:s4] =	ssyncadd.s32 $0xFFFFC800  }
0xdc: {  	_ =	swait.ge [sflag:s7], $0x3800  }
0xdd: {  	[sflag:s7] =	ssyncset.done $0x0  }
0xde: {  	s1 =	rddreg [dreg:$0x16];
	[sflag:s7] =	ssyncadd.s32 $0xFFFFC800  }
0xdf: {  	[hbm4b:s1+s2] =	stream.linear.scatter [tilespmem:s9], [sflag:$0x2], $0x3800, $0x38;
	[tilespmem:$0x15000] =	vst v63  }
0xe0: {  	_ =	swait.ge [sflag:s4], $0x3800  }
0xe1: {  	[sflag:s4] =	ssyncset.done $0x0  }
0xe2: {  	[sflag:s4] =	ssyncadd.s32 $0xFFFFC800  }
0xe3: {  	[tilespmem:s10], [sflag:$0x1] =	stream.indirect.gather [hbm4b:s5+s11], $0x10, s23, s11, $0xb8;
	[tilespmem:$0x15000] =	vst v63  }
0xe4: {  	_ = 	snop  }
0xe5: {  	[tilespmem:s9], [sflag:$0x1] =	stream.indirect.gather [hbm4b:s3+s11], $0x10, s24, s11, $0xb8;
	[tilespmem:$0x15000] =	vst v63  }
0xe6: {  	_ =	swait.ge [sflag:s7], $0x3800  }
0xe7: {  	[sflag:s7] =	ssyncset.done $0x0  }
0xe8: {  	s1 =	rddreg [dreg:$0x17];
	[sflag:s7] =	ssyncadd.s32 $0xFFFFC800  }
0xe9: {  	[hbm4b:s1+s2] =	stream.linear.scatter [tilespmem:s8], [sflag:$0x2], $0x3800, $0x38;
	[tilespmem:$0x15000] =	vst v63  }
0xea: {  	_ =	swait.ge [sflag:s4], $0x3800  }
0xeb: {  	[sflag:s4] =	ssyncset.done $0x0  }
0xec: {  	[sflag:s4] =	ssyncadd.s32 $0xFFFFC800  }
0xed: {  	_ =	swait.ge [sflag:s7], $0x3800  }
0xee: {  	[sflag:s7] =	ssyncset.done $0x0  }
0xef: {  	s1 =	rddreg [dreg:$0x18];
	[sflag:s7] =	ssyncadd.s32 $0xFFFFC800  }
0xf0: {  	[hbm4b:s1+s2] =	stream.linear.scatter [tilespmem:s6], [sflag:$0x2], $0x3800, $0x38;
	[tilespmem:$0x15000] =	vst v63  }
0xf1: {  	_ =	swait.ge [sflag:s4], $0x3800  }
0xf2: {  	[sflag:s4] =	ssyncset.done $0x0  }
0xf3: {  	[sflag:s4] =	ssyncadd.s32 $0xFFFFC800  }
0xf4: {  	[tilespmem:s8], [sflag:$0x1] =	stream.indirect.gather [hbm4b:s5+s11], $0x10, s21, s11, $0xb8;
	[tilespmem:$0x15000] =	vst v63  }
0xf5: {  	_ = 	snop  }
0xf6: {  	[tilespmem:s6], [sflag:$0x1] =	stream.indirect.gather [hbm4b:s3+s11], $0x10, s22, s11, $0xb8;
	[tilespmem:$0x15000] =	vst v63  }
0xf7: {  	_ =	swait.ge [sflag:s7], $0x3800  }
0xf8: {  	[sflag:s7] =	ssyncset.done $0x0  }
0xf9: {  	s1 =	rddreg [dreg:$0x19];
	[sflag:s7] =	ssyncadd.s32 $0xFFFFC800  }
0xfa: {  	[hbm4b:s1+s2] =	stream.linear.scatter [tilespmem:s10], [sflag:$0x2], $0x3800, $0x38;
	[tilespmem:$0x15000] =	vst v63  }
0xfb: {  	_ =	swait.ge [sflag:s4], $0x3800  }
0xfc: {  	[sflag:s4] =	ssyncset.done $0x0  }
0xfd: {  	[sflag:s4] =	ssyncadd.s32 $0xFFFFC800  }
0xfe: {  	_ =	swait.ge [sflag:s7], $0x3800  }
0xff: {  	[sflag:s7] =	ssyncset.done $0x0  }
0x100: {  	s1 =	rddreg [dreg:$0x1a];
	[sflag:s7] =	ssyncadd.s32 $0xFFFFC800  }
0x101: {  	[hbm4b:s1+s2] =	stream.linear.scatter [tilespmem:s9], [sflag:$0x2], $0x3800, $0x38;
	[tilespmem:$0x15000] =	vst v63  }
0x102: {  	_ =	swait.ge [sflag:s4], $0x3800  }
0x103: {  	[sflag:s4] =	ssyncset.done $0x0  }
0x104: {  	s1 =	simm.s32 $0x2A00;
	[sflag:s4] =	ssyncadd.s32 $0xFFFFC800  }
0x105: {  	[tilespmem:s10], [sflag:$0x1] =	stream.indirect.gather [hbm4b:s5+s11], $0x10, s1, s11, $0xb8;
	[tilespmem:$0x15000] =	vst v63  }
0x106: {  	_ = 	snop  }
0x107: {  	[tilespmem:s9], [sflag:$0x1] =	stream.indirect.gather [hbm4b:s3+s11], $0x10, s20, s11, $0xb8;
	[tilespmem:$0x15000] =	vst v63  }
0x108: {  	_ =	swait.ge [sflag:s7], $0x3800  }
0x109: {  	[sflag:s7] =	ssyncset.done $0x0  }
0x10a: {  	s1 =	rddreg [dreg:$0x1b];
	[sflag:s7] =	ssyncadd.s32 $0xFFFFC800  }
0x10b: {  	[hbm4b:s1+s2] =	stream.linear.scatter [tilespmem:s8], [sflag:$0x2], $0x3800, $0x38;
	[tilespmem:$0x15000] =	vst v63  }
0x10c: {  	_ =	swait.ge [sflag:s4], $0x3800  }
0x10d: {  	[sflag:s4] =	ssyncset.done $0x0  }
0x10e: {  	[sflag:s4] =	ssyncadd.s32 $0xFFFFC800  }
0x10f: {  	_ =	swait.ge [sflag:s7], $0x3800  }
0x110: {  	[sflag:s7] =	ssyncset.done $0x0  }
0x111: {  	s1 =	rddreg [dreg:$0x1c];
	[sflag:s7] =	ssyncadd.s32 $0xFFFFC800  }
0x112: {  	[hbm4b:s1+s2] =	stream.linear.scatter [tilespmem:s6], [sflag:$0x2], $0x3800, $0x38;
	[tilespmem:$0x15000] =	vst v63  }
0x113: {  	_ =	swait.ge [sflag:s4], $0x3800  }
0x114: {  	[sflag:s4] =	ssyncset.done $0x0  }
0x115: {  	[sflag:s4] =	ssyncadd.s32 $0xFFFFC800  }
0x116: {  	[tilespmem:s8], [sflag:$0x1] =	stream.indirect.gather [hbm4b:s5+s11], $0x10, s17, s11, $0xb8;
	[tilespmem:$0x15000] =	vst v63  }
0x117: {  	_ = 	snop  }
0x118: {  	[tilespmem:s6], [sflag:$0x1] =	stream.indirect.gather [hbm4b:s3+s11], $0x10, s18, s11, $0xb8;
	[tilespmem:$0x15000] =	vst v63  }
0x119: {  	_ =	swait.ge [sflag:s7], $0x3800  }
0x11a: {  	[sflag:s7] =	ssyncset.done $0x0  }
0x11b: {  	s1 =	rddreg [dreg:$0x1d];
	[sflag:s7] =	ssyncadd.s32 $0xFFFFC800  }
0x11c: {  	[hbm4b:s1+s2] =	stream.linear.scatter [tilespmem:s10], [sflag:$0x2], $0x3800, $0x38;
	[tilespmem:$0x15000] =	vst v63  }
0x11d: {  	_ =	swait.ge [sflag:s4], $0x3800  }
0x11e: {  	[sflag:s4] =	ssyncset.done $0x0  }
0x11f: {  	[sflag:s4] =	ssyncadd.s32 $0xFFFFC800  }
0x120: {  	_ =	swait.ge [sflag:s7], $0x3800  }
0x121: {  	[sflag:s7] =	ssyncset.done $0x0  }
0x122: {  	s1 =	rddreg [dreg:$0x1e];
	[sflag:s7] =	ssyncadd.s32 $0xFFFFC800  }
0x123: {  	[hbm4b:s1+s2] =	stream.linear.scatter [tilespmem:s9], [sflag:$0x2], $0x3800, $0x38;
	[tilespmem:$0x15000] =	vst v63  }
0x124: {  	_ =	swait.ge [sflag:s4], $0x3800  }
0x125: {  	[sflag:s4] =	ssyncset.done $0x0  }
0x126: {  	[sflag:s4] =	ssyncadd.s32 $0xFFFFC800  }
0x127: {  	[tilespmem:s10], [sflag:$0x1] =	stream.indirect.gather [hbm4b:s5+s11], $0x10, s15, s11, $0xb8;
	[tilespmem:$0x15000] =	vst v63  }
0x128: {  	_ = 	snop  }
0x129: {  	[tilespmem:s9], [sflag:$0x1] =	stream.indirect.gather [hbm4b:s3+s11], $0x10, s16, s11, $0xb8;
	[tilespmem:$0x15000] =	vst v63  }
0x12a: {  	_ =	swait.ge [sflag:s7], $0x3800  }
0x12b: {  	[sflag:s7] =	ssyncset.done $0x0  }
0x12c: {  	s1 =	rddreg [dreg:$0x1f];
	[sflag:s7] =	ssyncadd.s32 $0xFFFFC800  }
0x12d: {  	[hbm4b:s1+s2] =	stream.linear.scatter [tilespmem:s8], [sflag:$0x2], $0x3800, $0x38;
	[tilespmem:$0x15000] =	vst v63  }
0x12e: {  	_ =	swait.ge [sflag:s4], $0x3800  }
0x12f: {  	[sflag:s4] =	ssyncset.done $0x0  }
0x130: {  	[sflag:s4] =	ssyncadd.s32 $0xFFFFC800  }
0x131: {  	_ =	swait.ge [sflag:s7], $0x3800  }
0x132: {  	s1 =	sld [smem:$0x7EE]  }
0x133: {  	[sflag:s7] =	ssyncset.done $0x0  }
0x134: {  	[sflag:s7] =	ssyncadd.s32 $0xFFFFC800  }
0x135: {  	[hbm4b:s1+s2] =	stream.linear.scatter [tilespmem:s6], [sflag:$0x2], $0x3800, $0x38;
	[tilespmem:$0x15000] =	vst v63  }
0x136: {  	_ =	swait.ge [sflag:s4], $0x3800  }
0x137: {  	[sflag:s4] =	ssyncset.done $0x0  }
0x138: {  	[sflag:s4] =	ssyncadd.s32 $0xFFFFC800  }
0x139: {  	[tilespmem:s8], [sflag:$0x1] =	stream.indirect.gather [hbm4b:s5+s11], $0x10, s13, s11, $0xb8;
	[tilespmem:$0x15000] =	vst v63  }
0x13a: {  	_ = 	snop  }
0x13b: {  	[tilespmem:s6], [sflag:$0x1] =	stream.indirect.gather [hbm4b:s3+s11], $0x10, s14, s11, $0xb8;
	[tilespmem:$0x15000] =	vst v63  }
0x13c: {  	_ =	swait.ge [sflag:s7], $0x3800  }
0x13d: {  	s1 =	sld [smem:$0x7EF]  }
0x13e: {  	[sflag:s7] =	ssyncset.done $0x0  }
0x13f: {  	[sflag:s7] =	ssyncadd.s32 $0xFFFFC800  }
0x140: {  	[hbm4b:s1+s2] =	stream.linear.scatter [tilespmem:s10], [sflag:$0x2], $0x3800, $0x38;
	[tilespmem:$0x15000] =	vst v63  }
0x141: {  	_ =	swait.ge [sflag:s4], $0x3800  }
0x142: {  	[sflag:s4] =	ssyncset.done $0x0  }
0x143: {  	[sflag:s4] =	ssyncadd.s32 $0xFFFFC800  }
0x144: {  	_ =	swait.ge [sflag:s7], $0x3800  }
0x145: {  	s1 =	sld [smem:$0x7F0]  }
0x146: {  	[sflag:s7] =	ssyncset.done $0x0  }
0x147: {  	[sflag:s7] =	ssyncadd.s32 $0xFFFFC800  }
0x148: {  	[hbm4b:s1+s2] =	stream.linear.scatter [tilespmem:s9], [sflag:$0x2], $0x3800, $0x38;
	[tilespmem:$0x15000] =	vst v63  }
0x149: {  	_ =	swait.ge [sflag:s4], $0x3800  }
0x14a: {  	[sflag:s4] =	ssyncset.done $0x0  }
0x14b: {  	[sflag:s4] =	ssyncadd.s32 $0xFFFFC800  }
0x14c: {  	_ =	swait.ge [sflag:s7], $0x3800  }
0x14d: {  	s1 =	sld [smem:$0x7F1]  }
0x14e: {  	[sflag:s7] =	ssyncset.done $0x0  }
0x14f: {  	[sflag:s7] =	ssyncadd.s32 $0xFFFFC800  }
0x150: {  	[hbm4b:s1+s2] =	stream.linear.scatter [tilespmem:s8], [sflag:$0x2], $0x3800, $0x38;
	[tilespmem:$0x15000] =	vst v63  }
0x151: {  	_ =	swait.ge [sflag:s4], $0x3800  }
0x152: {  	[sflag:s4] =	ssyncset.done $0x0  }
0x153: {  	[sflag:s4] =	ssyncadd.s32 $0xFFFFC800  }
0x154: {  	_ =	swait.ge [sflag:s7], $0x3800  }
0x155: {  	p1 =	sne.s32 s12, $0x1;
	s1 =	sld [smem:$0x7F2]  }
.Ltmp1:
0x156: {  	[sflag:s7] =	ssyncset.done $0x0;
	(pc) =	sbr.rel @!p1 .LBB2_3-.Ltmp1, $4  }
0x157: {  	[sflag:s7] =	ssyncadd.s32 $0xFFFFC800  }
0x158: {  	[hbm4b:s1+s2] =	stream.linear.scatter [tilespmem:s6], [sflag:$0x2], $0x3800, $0x38;
	[tilespmem:$0x15000] =	vst v63  }
0x159: {  	p0 =	por $0x1, $0x1;
	_ =	swait.ge [sflag:s4], $0x3800  }
0x15a: {  	s1 =	sadd.s32 $0xFFFFFFFF, s12;
	s0 =	rddreg [dreg:$0x3];
	[sflag:s4] =	ssyncset.done $0x0  }
.LBB2_4:
0x15b: {  	[sflag:s4] =	ssyncadd.s32 $0xFFFFC800  }
0x15c: {  	[tilespmem:s2], [sflag:$0x2] =	stream.linear.gather [hbm4b:s0+s2], $0x3800, $0x38;
	[tilespmem:$0x15000] =	vst v63  }
0x15d: {  	_ =	swait.ge [sflag:s4], $0x3800  }
0x15e: {  	[sflag:s4] =	ssyncset.done $0x0  }
0x15f: {  	s12 =	rddreg [dreg:$0x4];
	[sflag:s4] =	ssyncadd.s32 $0xFFFFC800  }
0x160: {  	[tilespmem:s31], [sflag:$0x2] =	stream.linear.gather [hbm4b:s12+s2], $0x3800, $0x38;
	[tilespmem:$0x15000] =	vst v63  }
0x161: {  	_ =	swait.ge [sflag:s4], $0x3800  }
0x162: {  	[sflag:s4] =	ssyncset.done $0x0  }
0x163: {  	[sflag:s4] =	ssyncadd.s32 $0xFFFFC800  }
0x164: {  	[tilespmem:s10], [sflag:$0x1] =	stream.indirect.gather [hbm4b:s5+s11], $0x10, s2, s11, $0xb8;
	[tilespmem:$0x15000] =	vst v63  }
0x165: {  	_ = 	snop  }
0x166: {  	[tilespmem:s9], [sflag:$0x1] =	stream.indirect.gather [hbm4b:s3+s11], $0x10, s31, s11, $0xb8;
	[tilespmem:$0x15000] =	vst v63  }
0x167: {  	s12 =	sld [smem:$0x7F3]  }
0x168: {  	[tilespmem:s8], [sflag:$0x1] =	stream.indirect.gather [hbm4b:s5+s11], $0x10, s11, s11, $0xb8;
	[tilespmem:$0x15000] =	vst v63  }
0x169: {  	_ = 	snop  }
0x16a: {  	[tilespmem:s6], [sflag:$0x1] =	stream.indirect.gather [hbm4b:s3+s11], $0x10, s12, s11, $0xb8;
	[tilespmem:$0x15000] =	vst v63  }
0x16b: {  	_ =	swait.ge [sflag:s7], $0x3800  }
0x16c: {  	[sflag:s7] =	ssyncset.done $0x0  }
0x16d: {  	s12 =	rddreg [dreg:$0x5];
	[sflag:s7] =	ssyncadd.s32 $0xFFFFC800  }
0x16e: {  	[hbm4b:s12+s2] =	stream.linear.scatter [tilespmem:s10], [sflag:$0x2], $0x3800, $0x38;
	[tilespmem:$0x15000] =	vst v63  }
0x16f: {  	_ =	swait.ge [sflag:s4], $0x3800  }
0x170: {  	[sflag:s4] =	ssyncset.done $0x0  }
0x171: {  	[sflag:s4] =	ssyncadd.s32 $0xFFFFC800  }
0x172: {  	_ =	swait.ge [sflag:s7], $0x3800  }
0x173: {  	[sflag:s7] =	ssyncset.done $0x0  }
0x174: {  	s12 =	rddreg [dreg:$0x6];
	[sflag:s7] =	ssyncadd.s32 $0xFFFFC800  }
0x175: {  	[hbm4b:s12+s2] =	stream.linear.scatter [tilespmem:s9], [sflag:$0x2], $0x3800, $0x38;
	[tilespmem:$0x15000] =	vst v63  }
0x176: {  	_ =	swait.ge [sflag:s4], $0x3800  }
0x177: {  	s0 =	sld [smem:$0x7F4]  }
0x178: {  	[sflag:s4] =	ssyncset.done $0x0  }
0x179: {  	s12 =	sld [smem:$0x7F5];
	[sflag:s4] =	ssyncadd.s32 $0xFFFFC800  }
0x17a: {  	[tilespmem:s10], [sflag:$0x1] =	stream.indirect.gather [hbm4b:s5+s11], $0x10, s0, s11, $0xb8;
	[tilespmem:$0x15000] =	vst v63  }
0x17b: {  	_ = 	snop  }
0x17c: {  	[tilespmem:s9], [sflag:$0x1] =	stream.indirect.gather [hbm4b:s3+s11], $0x10, s12, s11, $0xb8;
	[tilespmem:$0x15000] =	vst v63  }
0x17d: {  	_ =	swait.ge [sflag:s7], $0x3800  }
0x17e: {  	[sflag:s7] =	ssyncset.done $0x0  }
0x17f: {  	s12 =	rddreg [dreg:$0x7];
	[sflag:s7] =	ssyncadd.s32 $0xFFFFC800  }
0x180: {  	[hbm4b:s12+s2] =	stream.linear.scatter [tilespmem:s8], [sflag:$0x2], $0x3800, $0x38;
	[tilespmem:$0x15000] =	vst v63  }
0x181: {  	_ =	swait.ge [sflag:s4], $0x3800  }
0x182: {  	[sflag:s4] =	ssyncset.done $0x0  }
0x183: {  	[sflag:s4] =	ssyncadd.s32 $0xFFFFC800  }
0x184: {  	_ =	swait.ge [sflag:s7], $0x3800  }
0x185: {  	[sflag:s7] =	ssyncset.done $0x0  }
0x186: {  	s12 =	rddreg [dreg:$0x8];
	[sflag:s7] =	ssyncadd.s32 $0xFFFFC800  }
0x187: {  	[hbm4b:s12+s2] =	stream.linear.scatter [tilespmem:s6], [sflag:$0x2], $0x3800, $0x38;
	[tilespmem:$0x15000] =	vst v63  }
0x188: {  	_ =	swait.ge [sflag:s4], $0x3800  }
0x189: {  	s0 =	sld [smem:$0x7F6]  }
0x18a: {  	[sflag:s4] =	ssyncset.done $0x0  }
0x18b: {  	s12 =	sld [smem:$0x7F7];
	[sflag:s4] =	ssyncadd.s32 $0xFFFFC800  }
0x18c: {  	[tilespmem:s8], [sflag:$0x1] =	stream.indirect.gather [hbm4b:s5+s11], $0x10, s0, s11, $0xb8;
	[tilespmem:$0x15000] =	vst v63  }
0x18d: {  	_ = 	snop  }
0x18e: {  	[tilespmem:s6], [sflag:$0x1] =	stream.indirect.gather [hbm4b:s3+s11], $0x10, s12, s11, $0xb8;
	[tilespmem:$0x15000] =	vst v63  }
0x18f: {  	_ =	swait.ge [sflag:s7], $0x3800  }
0x190: {  	[sflag:s7] =	ssyncset.done $0x0  }
0x191: {  	s12 =	rddreg [dreg:$0x9];
	[sflag:s7] =	ssyncadd.s32 $0xFFFFC800  }
0x192: {  	[hbm4b:s12+s2] =	stream.linear.scatter [tilespmem:s10], [sflag:$0x2], $0x3800, $0x38;
	[tilespmem:$0x15000] =	vst v63  }
0x193: {  	_ =	swait.ge [sflag:s4], $0x3800  }
0x194: {  	[sflag:s4] =	ssyncset.done $0x0  }
0x195: {  	[sflag:s4] =	ssyncadd.s32 $0xFFFFC800  }
0x196: {  	_ =	swait.ge [sflag:s7], $0x3800  }
0x197: {  	[sflag:s7] =	ssyncset.done $0x0  }
0x198: {  	s12 =	rddreg [dreg:$0xa];
	[sflag:s7] =	ssyncadd.s32 $0xFFFFC800  }
0x199: {  	[hbm4b:s12+s2] =	stream.linear.scatter [tilespmem:s9], [sflag:$0x2], $0x3800, $0x38;
	[tilespmem:$0x15000] =	vst v63  }
0x19a: {  	_ =	swait.ge [sflag:s4], $0x3800  }
0x19b: {  	s0 =	sld [smem:$0x7F8]  }
0x19c: {  	[sflag:s4] =	ssyncset.done $0x0  }
0x19d: {  	s12 =	sld [smem:$0x7F9];
	[sflag:s4] =	ssyncadd.s32 $0xFFFFC800  }
0x19e: {  	[tilespmem:s10], [sflag:$0x1] =	stream.indirect.gather [hbm4b:s5+s11], $0x10, s0, s11, $0xb8;
	[tilespmem:$0x15000] =	vst v63  }
0x19f: {  	_ = 	snop  }
0x1a0: {  	[tilespmem:s9], [sflag:$0x1] =	stream.indirect.gather [hbm4b:s3+s11], $0x10, s12, s11, $0xb8;
	[tilespmem:$0x15000] =	vst v63  }
0x1a1: {  	_ =	swait.ge [sflag:s7], $0x3800  }
0x1a2: {  	[sflag:s7] =	ssyncset.done $0x0  }
0x1a3: {  	s12 =	rddreg [dreg:$0xb];
	[sflag:s7] =	ssyncadd.s32 $0xFFFFC800  }
0x1a4: {  	[hbm4b:s12+s2] =	stream.linear.scatter [tilespmem:s8], [sflag:$0x2], $0x3800, $0x38;
	[tilespmem:$0x15000] =	vst v63  }
0x1a5: {  	_ =	swait.ge [sflag:s4], $0x3800  }
0x1a6: {  	[sflag:s4] =	ssyncset.done $0x0  }
0x1a7: {  	[sflag:s4] =	ssyncadd.s32 $0xFFFFC800  }
0x1a8: {  	_ =	swait.ge [sflag:s7], $0x3800  }
0x1a9: {  	[sflag:s7] =	ssyncset.done $0x0  }
0x1aa: {  	s12 =	rddreg [dreg:$0xc];
	[sflag:s7] =	ssyncadd.s32 $0xFFFFC800  }
0x1ab: {  	[hbm4b:s12+s2] =	stream.linear.scatter [tilespmem:s6], [sflag:$0x2], $0x3800, $0x38;
	[tilespmem:$0x15000] =	vst v63  }
0x1ac: {  	_ =	swait.ge [sflag:s4], $0x3800  }
0x1ad: {  	s0 =	sld [smem:$0x7FA]  }
0x1ae: {  	[sflag:s4] =	ssyncset.done $0x0  }
0x1af: {  	s12 =	sld [smem:$0x7FB];
	[sflag:s4] =	ssyncadd.s32 $0xFFFFC800  }
0x1b0: {  	[tilespmem:s8], [sflag:$0x1] =	stream.indirect.gather [hbm4b:s5+s11], $0x10, s0, s11, $0xb8;
	[tilespmem:$0x15000] =	vst v63  }
0x1b1: {  	_ = 	snop  }
0x1b2: {  	[tilespmem:s6], [sflag:$0x1] =	stream.indirect.gather [hbm4b:s3+s11], $0x10, s12, s11, $0xb8;
	[tilespmem:$0x15000] =	vst v63  }
0x1b3: {  	_ =	swait.ge [sflag:s7], $0x3800  }
0x1b4: {  	[sflag:s7] =	ssyncset.done $0x0  }
0x1b5: {  	s12 =	rddreg [dreg:$0xd];
	[sflag:s7] =	ssyncadd.s32 $0xFFFFC800  }
0x1b6: {  	[hbm4b:s12+s2] =	stream.linear.scatter [tilespmem:s10], [sflag:$0x2], $0x3800, $0x38;
	[tilespmem:$0x15000] =	vst v63  }
0x1b7: {  	_ =	swait.ge [sflag:s4], $0x3800  }
0x1b8: {  	[sflag:s4] =	ssyncset.done $0x0  }
0x1b9: {  	[sflag:s4] =	ssyncadd.s32 $0xFFFFC800  }
0x1ba: {  	_ =	swait.ge [sflag:s7], $0x3800  }
0x1bb: {  	[sflag:s7] =	ssyncset.done $0x0  }
0x1bc: {  	s12 =	rddreg [dreg:$0xe];
	[sflag:s7] =	ssyncadd.s32 $0xFFFFC800  }
0x1bd: {  	[hbm4b:s12+s2] =	stream.linear.scatter [tilespmem:s9], [sflag:$0x2], $0x3800, $0x38;
	[tilespmem:$0x15000] =	vst v63  }
0x1be: {  	_ =	swait.ge [sflag:s4], $0x3800  }
0x1bf: {  	s0 =	sld [smem:$0x7FC]  }
0x1c0: {  	[sflag:s4] =	ssyncset.done $0x0  }
0x1c1: {  	s12 =	sld [smem:$0x7FD];
	[sflag:s4] =	ssyncadd.s32 $0xFFFFC800  }
0x1c2: {  	[tilespmem:s10], [sflag:$0x1] =	stream.indirect.gather [hbm4b:s5+s11], $0x10, s0, s11, $0xb8;
	[tilespmem:$0x15000] =	vst v63  }
0x1c3: {  	_ = 	snop  }
0x1c4: {  	[tilespmem:s9], [sflag:$0x1] =	stream.indirect.gather [hbm4b:s3+s11], $0x10, s12, s11, $0xb8;
	[tilespmem:$0x15000] =	vst v63  }
0x1c5: {  	_ =	swait.ge [sflag:s7], $0x3800  }
0x1c6: {  	[sflag:s7] =	ssyncset.done $0x0  }
0x1c7: {  	s12 =	rddreg [dreg:$0xf];
	[sflag:s7] =	ssyncadd.s32 $0xFFFFC800  }
0x1c8: {  	[hbm4b:s12+s2] =	stream.linear.scatter [tilespmem:s8], [sflag:$0x2], $0x3800, $0x38;
	[tilespmem:$0x15000] =	vst v63  }
0x1c9: {  	_ =	swait.ge [sflag:s4], $0x3800  }
0x1ca: {  	[sflag:s4] =	ssyncset.done $0x0  }
0x1cb: {  	[sflag:s4] =	ssyncadd.s32 $0xFFFFC800  }
0x1cc: {  	_ =	swait.ge [sflag:s7], $0x3800  }
0x1cd: {  	[sflag:s7] =	ssyncset.done $0x0  }
0x1ce: {  	s12 =	rddreg [dreg:$0x10];
	[sflag:s7] =	ssyncadd.s32 $0xFFFFC800  }
0x1cf: {  	[hbm4b:s12+s2] =	stream.linear.scatter [tilespmem:s6], [sflag:$0x2], $0x3800, $0x38;
	[tilespmem:$0x15000] =	vst v63  }
0x1d0: {  	_ =	swait.ge [sflag:s4], $0x3800  }
0x1d1: {  	[sflag:s4] =	ssyncset.done $0x0  }
0x1d2: {  	[sflag:s4] =	ssyncadd.s32 $0xFFFFC800  }
0x1d3: {  	[tilespmem:s8], [sflag:$0x1] =	stream.indirect.gather [hbm4b:s5+s11], $0x10, s30, s11, $0xb8;
	[tilespmem:$0x15000] =	vst v63  }
0x1d4: {  	_ = 	snop  }
0x1d5: {  	[tilespmem:s6], [sflag:$0x1] =	stream.indirect.gather [hbm4b:s3+s11], $0x10, s19, s11, $0xb8;
	[tilespmem:$0x15000] =	vst v63  }
0x1d6: {  	_ =	swait.ge [sflag:s7], $0x3800  }
0x1d7: {  	[sflag:s7] =	ssyncset.done $0x0  }
0x1d8: {  	s12 =	rddreg [dreg:$0x11];
	[sflag:s7] =	ssyncadd.s32 $0xFFFFC800  }
0x1d9: {  	[hbm4b:s12+s2] =	stream.linear.scatter [tilespmem:s10], [sflag:$0x2], $0x3800, $0x38;
	[tilespmem:$0x15000] =	vst v63  }
0x1da: {  	_ =	swait.ge [sflag:s4], $0x3800  }
0x1db: {  	[sflag:s4] =	ssyncset.done $0x0  }
0x1dc: {  	[sflag:s4] =	ssyncadd.s32 $0xFFFFC800  }
0x1dd: {  	_ =	swait.ge [sflag:s7], $0x3800  }
0x1de: {  	[sflag:s7] =	ssyncset.done $0x0  }
0x1df: {  	s12 =	rddreg [dreg:$0x12];
	[sflag:s7] =	ssyncadd.s32 $0xFFFFC800  }
0x1e0: {  	[hbm4b:s12+s2] =	stream.linear.scatter [tilespmem:s9], [sflag:$0x2], $0x3800, $0x38;
	[tilespmem:$0x15000] =	vst v63  }
0x1e1: {  	_ =	swait.ge [sflag:s4], $0x3800  }
0x1e2: {  	[sflag:s4] =	ssyncset.done $0x0  }
0x1e3: {  	[sflag:s4] =	ssyncadd.s32 $0xFFFFC800  }
0x1e4: {  	[tilespmem:s10], [sflag:$0x1] =	stream.indirect.gather [hbm4b:s5+s11], $0x10, s28, s11, $0xb8;
	[tilespmem:$0x15000] =	vst v63  }
0x1e5: {  	_ = 	snop  }
0x1e6: {  	[tilespmem:s9], [sflag:$0x1] =	stream.indirect.gather [hbm4b:s3+s11], $0x10, s29, s11, $0xb8;
	[tilespmem:$0x15000] =	vst v63  }
0x1e7: {  	_ =	swait.ge [sflag:s7], $0x3800  }
0x1e8: {  	[sflag:s7] =	ssyncset.done $0x0  }
0x1e9: {  	s12 =	rddreg [dreg:$0x13];
	[sflag:s7] =	ssyncadd.s32 $0xFFFFC800  }
0x1ea: {  	[hbm4b:s12+s2] =	stream.linear.scatter [tilespmem:s8], [sflag:$0x2], $0x3800, $0x38;
	[tilespmem:$0x15000] =	vst v63  }
0x1eb: {  	_ =	swait.ge [sflag:s4], $0x3800  }
0x1ec: {  	[sflag:s4] =	ssyncset.done $0x0  }
0x1ed: {  	[sflag:s4] =	ssyncadd.s32 $0xFFFFC800  }
0x1ee: {  	_ =	swait.ge [sflag:s7], $0x3800  }
0x1ef: {  	[sflag:s7] =	ssyncset.done $0x0  }
0x1f0: {  	s12 =	rddreg [dreg:$0x14];
	[sflag:s7] =	ssyncadd.s32 $0xFFFFC800  }
0x1f1: {  	[hbm4b:s12+s2] =	stream.linear.scatter [tilespmem:s6], [sflag:$0x2], $0x3800, $0x38;
	[tilespmem:$0x15000] =	vst v63  }
0x1f2: {  	_ =	swait.ge [sflag:s4], $0x3800  }
0x1f3: {  	[sflag:s4] =	ssyncset.done $0x0  }
0x1f4: {  	[sflag:s4] =	ssyncadd.s32 $0xFFFFC800  }
0x1f5: {  	[tilespmem:s8], [sflag:$0x1] =	stream.indirect.gather [hbm4b:s5+s11], $0x10, s25, s11, $0xb8;
	[tilespmem:$0x15000] =	vst v63  }
0x1f6: {  	_ = 	snop  }
0x1f7: {  	[tilespmem:s6], [sflag:$0x1] =	stream.indirect.gather [hbm4b:s3+s11], $0x10, s26, s11, $0xb8;
	[tilespmem:$0x15000] =	vst v63  }
0x1f8: {  	_ =	swait.ge [sflag:s7], $0x3800  }
0x1f9: {  	[sflag:s7] =	ssyncset.done $0x0  }
0x1fa: {  	s12 =	rddreg [dreg:$0x15];
	[sflag:s7] =	ssyncadd.s32 $0xFFFFC800  }
0x1fb: {  	[hbm4b:s12+s2] =	stream.linear.scatter [tilespmem:s10], [sflag:$0x2], $0x3800, $0x38;
	[tilespmem:$0x15000] =	vst v63  }
0x1fc: {  	_ =	swait.ge [sflag:s4], $0x3800  }
0x1fd: {  	[sflag:s4] =	ssyncset.done $0x0  }
0x1fe: {  	[sflag:s4] =	ssyncadd.s32 $0xFFFFC800  }
0x1ff: {  	_ =	swait.ge [sflag:s7], $0x3800  }
0x200: {  	[sflag:s7] =	ssyncset.done $0x0  }
0x201: {  	s12 =	rddreg [dreg:$0x16];
	[sflag:s7] =	ssyncadd.s32 $0xFFFFC800  }
0x202: {  	[hbm4b:s12+s2] =	stream.linear.scatter [tilespmem:s9], [sflag:$0x2], $0x3800, $0x38;
	[tilespmem:$0x15000] =	vst v63  }
0x203: {  	_ =	swait.ge [sflag:s4], $0x3800  }
0x204: {  	[sflag:s4] =	ssyncset.done $0x0  }
0x205: {  	[sflag:s4] =	ssyncadd.s32 $0xFFFFC800  }
0x206: {  	[tilespmem:s10], [sflag:$0x1] =	stream.indirect.gather [hbm4b:s5+s11], $0x10, s23, s11, $0xb8;
	[tilespmem:$0x15000] =	vst v63  }
0x207: {  	_ = 	snop  }
0x208: {  	[tilespmem:s9], [sflag:$0x1] =	stream.indirect.gather [hbm4b:s3+s11], $0x10, s24, s11, $0xb8;
	[tilespmem:$0x15000] =	vst v63  }
0x209: {  	_ =	swait.ge [sflag:s7], $0x3800  }
0x20a: {  	[sflag:s7] =	ssyncset.done $0x0  }
0x20b: {  	s12 =	rddreg [dreg:$0x17];
	[sflag:s7] =	ssyncadd.s32 $0xFFFFC800  }
0x20c: {  	[hbm4b:s12+s2] =	stream.linear.scatter [tilespmem:s8], [sflag:$0x2], $0x3800, $0x38;
	[tilespmem:$0x15000] =	vst v63  }
0x20d: {  	_ =	swait.ge [sflag:s4], $0x3800  }
0x20e: {  	[sflag:s4] =	ssyncset.done $0x0  }
0x20f: {  	[sflag:s4] =	ssyncadd.s32 $0xFFFFC800  }
0x210: {  	_ =	swait.ge [sflag:s7], $0x3800  }
0x211: {  	[sflag:s7] =	ssyncset.done $0x0  }
0x212: {  	s12 =	rddreg [dreg:$0x18];
	[sflag:s7] =	ssyncadd.s32 $0xFFFFC800  }
0x213: {  	[hbm4b:s12+s2] =	stream.linear.scatter [tilespmem:s6], [sflag:$0x2], $0x3800, $0x38;
	[tilespmem:$0x15000] =	vst v63  }
0x214: {  	_ =	swait.ge [sflag:s4], $0x3800  }
0x215: {  	[sflag:s4] =	ssyncset.done $0x0  }
0x216: {  	[sflag:s4] =	ssyncadd.s32 $0xFFFFC800  }
0x217: {  	[tilespmem:s8], [sflag:$0x1] =	stream.indirect.gather [hbm4b:s5+s11], $0x10, s21, s11, $0xb8;
	[tilespmem:$0x15000] =	vst v63  }
0x218: {  	_ = 	snop  }
0x219: {  	[tilespmem:s6], [sflag:$0x1] =	stream.indirect.gather [hbm4b:s3+s11], $0x10, s22, s11, $0xb8;
	[tilespmem:$0x15000] =	vst v63  }
0x21a: {  	_ =	swait.ge [sflag:s7], $0x3800  }
0x21b: {  	[sflag:s7] =	ssyncset.done $0x0  }
0x21c: {  	s12 =	rddreg [dreg:$0x19];
	[sflag:s7] =	ssyncadd.s32 $0xFFFFC800  }
0x21d: {  	[hbm4b:s12+s2] =	stream.linear.scatter [tilespmem:s10], [sflag:$0x2], $0x3800, $0x38;
	[tilespmem:$0x15000] =	vst v63  }
0x21e: {  	_ =	swait.ge [sflag:s4], $0x3800  }
0x21f: {  	[sflag:s4] =	ssyncset.done $0x0  }
0x220: {  	[sflag:s4] =	ssyncadd.s32 $0xFFFFC800  }
0x221: {  	_ =	swait.ge [sflag:s7], $0x3800  }
0x222: {  	[sflag:s7] =	ssyncset.done $0x0  }
0x223: {  	s12 =	rddreg [dreg:$0x1a];
	[sflag:s7] =	ssyncadd.s32 $0xFFFFC800  }
0x224: {  	[hbm4b:s12+s2] =	stream.linear.scatter [tilespmem:s9], [sflag:$0x2], $0x3800, $0x38;
	[tilespmem:$0x15000] =	vst v63  }
0x225: {  	_ =	swait.ge [sflag:s4], $0x3800  }
0x226: {  	[sflag:s4] =	ssyncset.done $0x0  }
0x227: {  	s12 =	simm.s32 $0x2A00;
	[sflag:s4] =	ssyncadd.s32 $0xFFFFC800  }
0x228: {  	[tilespmem:s10], [sflag:$0x1] =	stream.indirect.gather [hbm4b:s5+s11], $0x10, s12, s11, $0xb8;
	[tilespmem:$0x15000] =	vst v63  }
0x229: {  	_ = 	snop  }
0x22a: {  	[tilespmem:s9], [sflag:$0x1] =	stream.indirect.gather [hbm4b:s3+s11], $0x10, s20, s11, $0xb8;
	[tilespmem:$0x15000] =	vst v63  }
0x22b: {  	_ =	swait.ge [sflag:s7], $0x3800  }
0x22c: {  	[sflag:s7] =	ssyncset.done $0x0  }
0x22d: {  	s12 =	rddreg [dreg:$0x1b];
	[sflag:s7] =	ssyncadd.s32 $0xFFFFC800  }
0x22e: {  	[hbm4b:s12+s2] =	stream.linear.scatter [tilespmem:s8], [sflag:$0x2], $0x3800, $0x38;
	[tilespmem:$0x15000] =	vst v63  }
0x22f: {  	_ =	swait.ge [sflag:s4], $0x3800  }
0x230: {  	[sflag:s4] =	ssyncset.done $0x0  }
0x231: {  	[sflag:s4] =	ssyncadd.s32 $0xFFFFC800  }
0x232: {  	_ =	swait.ge [sflag:s7], $0x3800  }
0x233: {  	[sflag:s7] =	ssyncset.done $0x0  }
0x234: {  	s12 =	rddreg [dreg:$0x1c];
	[sflag:s7] =	ssyncadd.s32 $0xFFFFC800  }
0x235: {  	[hbm4b:s12+s2] =	stream.linear.scatter [tilespmem:s6], [sflag:$0x2], $0x3800, $0x38;
	[tilespmem:$0x15000] =	vst v63  }
0x236: {  	_ =	swait.ge [sflag:s4], $0x3800  }
0x237: {  	[sflag:s4] =	ssyncset.done $0x0  }
0x238: {  	[sflag:s4] =	ssyncadd.s32 $0xFFFFC800  }
0x239: {  	[tilespmem:s8], [sflag:$0x1] =	stream.indirect.gather [hbm4b:s5+s11], $0x10, s17, s11, $0xb8;
	[tilespmem:$0x15000] =	vst v63  }
0x23a: {  	_ = 	snop  }
0x23b: {  	[tilespmem:s6], [sflag:$0x1] =	stream.indirect.gather [hbm4b:s3+s11], $0x10, s18, s11, $0xb8;
	[tilespmem:$0x15000] =	vst v63  }
0x23c: {  	_ =	swait.ge [sflag:s7], $0x3800  }
0x23d: {  	[sflag:s7] =	ssyncset.done $0x0  }
0x23e: {  	s12 =	rddreg [dreg:$0x1d];
	[sflag:s7] =	ssyncadd.s32 $0xFFFFC800  }
0x23f: {  	[hbm4b:s12+s2] =	stream.linear.scatter [tilespmem:s10], [sflag:$0x2], $0x3800, $0x38;
	[tilespmem:$0x15000] =	vst v63  }
0x240: {  	_ =	swait.ge [sflag:s4], $0x3800  }
0x241: {  	[sflag:s4] =	ssyncset.done $0x0  }
0x242: {  	[sflag:s4] =	ssyncadd.s32 $0xFFFFC800  }
0x243: {  	_ =	swait.ge [sflag:s7], $0x3800  }
0x244: {  	[sflag:s7] =	ssyncset.done $0x0  }
0x245: {  	s12 =	rddreg [dreg:$0x1e];
	[sflag:s7] =	ssyncadd.s32 $0xFFFFC800  }
0x246: {  	[hbm4b:s12+s2] =	stream.linear.scatter [tilespmem:s9], [sflag:$0x2], $0x3800, $0x38;
	[tilespmem:$0x15000] =	vst v63  }
0x247: {  	_ =	swait.ge [sflag:s4], $0x3800  }
0x248: {  	[sflag:s4] =	ssyncset.done $0x0  }
0x249: {  	[sflag:s4] =	ssyncadd.s32 $0xFFFFC800  }
0x24a: {  	[tilespmem:s10], [sflag:$0x1] =	stream.indirect.gather [hbm4b:s5+s11], $0x10, s15, s11, $0xb8;
	[tilespmem:$0x15000] =	vst v63  }
0x24b: {  	_ = 	snop  }
0x24c: {  	[tilespmem:s9], [sflag:$0x1] =	stream.indirect.gather [hbm4b:s3+s11], $0x10, s16, s11, $0xb8;
	[tilespmem:$0x15000] =	vst v63  }
0x24d: {  	_ =	swait.ge [sflag:s7], $0x3800  }
0x24e: {  	[sflag:s7] =	ssyncset.done $0x0  }
0x24f: {  	s12 =	rddreg [dreg:$0x1f];
	[sflag:s7] =	ssyncadd.s32 $0xFFFFC800  }
0x250: {  	[hbm4b:s12+s2] =	stream.linear.scatter [tilespmem:s8], [sflag:$0x2], $0x3800, $0x38;
	[tilespmem:$0x15000] =	vst v63  }
0x251: {  	_ =	swait.ge [sflag:s4], $0x3800  }
0x252: {  	[sflag:s4] =	ssyncset.done $0x0  }
0x253: {  	[sflag:s4] =	ssyncadd.s32 $0xFFFFC800  }
0x254: {  	_ =	swait.ge [sflag:s7], $0x3800  }
0x255: {  	s12 =	sld [smem:$0x7EE]  }
0x256: {  	[sflag:s7] =	ssyncset.done $0x0  }
0x257: {  	[sflag:s7] =	ssyncadd.s32 $0xFFFFC800  }
0x258: {  	[hbm4b:s12+s2] =	stream.linear.scatter [tilespmem:s6], [sflag:$0x2], $0x3800, $0x38;
	[tilespmem:$0x15000] =	vst v63  }
0x259: {  	_ =	swait.ge [sflag:s4], $0x3800  }
0x25a: {  	[sflag:s4] =	ssyncset.done $0x0  }
0x25b: {  	[sflag:s4] =	ssyncadd.s32 $0xFFFFC800  }
0x25c: {  	[tilespmem:s8], [sflag:$0x1] =	stream.indirect.gather [hbm4b:s5+s11], $0x10, s13, s11, $0xb8;
	[tilespmem:$0x15000] =	vst v63  }
0x25d: {  	_ = 	snop  }
0x25e: {  	[tilespmem:s6], [sflag:$0x1] =	stream.indirect.gather [hbm4b:s3+s11], $0x10, s14, s11, $0xb8;
	[tilespmem:$0x15000] =	vst v63  }
0x25f: {  	_ =	swait.ge [sflag:s7], $0x3800  }
0x260: {  	s12 =	sld [smem:$0x7EF]  }
0x261: {  	[sflag:s7] =	ssyncset.done $0x0  }
0x262: {  	[sflag:s7] =	ssyncadd.s32 $0xFFFFC800  }
0x263: {  	[hbm4b:s12+s2] =	stream.linear.scatter [tilespmem:s10], [sflag:$0x2], $0x3800, $0x38;
	[tilespmem:$0x15000] =	vst v63  }
0x264: {  	_ =	swait.ge [sflag:s4], $0x3800  }
0x265: {  	[sflag:s4] =	ssyncset.done $0x0  }
0x266: {  	[sflag:s4] =	ssyncadd.s32 $0xFFFFC800  }
0x267: {  	_ =	swait.ge [sflag:s7], $0x3800  }
0x268: {  	s12 =	sld [smem:$0x7F0]  }
0x269: {  	[sflag:s7] =	ssyncset.done $0x0  }
0x26a: {  	[sflag:s7] =	ssyncadd.s32 $0xFFFFC800  }
0x26b: {  	[hbm4b:s12+s2] =	stream.linear.scatter [tilespmem:s9], [sflag:$0x2], $0x3800, $0x38;
	[tilespmem:$0x15000] =	vst v63  }
0x26c: {  	_ =	swait.ge [sflag:s4], $0x3800  }
0x26d: {  	[sflag:s4] =	ssyncset.done $0x0  }
0x26e: {  	[sflag:s4] =	ssyncadd.s32 $0xFFFFC800  }
0x26f: {  	_ =	swait.ge [sflag:s7], $0x3800  }
0x270: {  	s12 =	sld [smem:$0x7F1]  }
0x271: {  	[sflag:s7] =	ssyncset.done $0x0  }
0x272: {  	[sflag:s7] =	ssyncadd.s32 $0xFFFFC800  }
0x273: {  	[hbm4b:s12+s2] =	stream.linear.scatter [tilespmem:s8], [sflag:$0x2], $0x3800, $0x38;
	[tilespmem:$0x15000] =	vst v63  }
0x274: {  	_ =	swait.ge [sflag:s4], $0x3800  }
0x275: {  	[sflag:s4] =	ssyncset.done $0x0  }
0x276: {  	[sflag:s4] =	ssyncadd.s32 $0xFFFFC800  }
0x277: {  	_ =	swait.ge [sflag:s7], $0x3800  }
0x278: {  	p1 =	sne.s32 s1, $0x1;
	s12 =	sld [smem:$0x7F2]  }
.Ltmp2:
0x279: {  	[sflag:s7] =	ssyncset.done $0x0;
	(pc) =	sbr.rel @p1 .LBB2_4-.Ltmp2, $4  }
0x27a: {  	[sflag:s7] =	ssyncadd.s32 $0xFFFFC800  }
0x27b: {  	[hbm4b:s12+s2] =	stream.linear.scatter [tilespmem:s6], [sflag:$0x2], $0x3800, $0x38;
	[tilespmem:$0x15000] =	vst v63  }
0x27c: {  	_ =	swait.ge [sflag:s4], $0x3800  }
0x27d: {  	s1 =	sadd.s32 $0xFFFFFFFF, s1;
	s0 =	rddreg [dreg:$0x3];
	[sflag:s4] =	ssyncset.done $0x0  }
0x27e: {  	s14 =	simm.s32 $0x5080;
	s30 =	simm.s32 $0x1880;
	s29 =	simm.s32 $0x5400  }
0x27f: {  	s28 =	simm.s32 $0x1C00;
	s26 =	simm.s32 $0x5780;
	s25 =	simm.s32 $0x1F80  }
0x280: {  	s24 =	simm.s32 $0x5B00;
	s23 =	simm.s32 $0x2300;
	s22 =	simm.s32 $0x5E80  }
0x281: {  	s21 =	simm.s32 $0x2680;
	s20 =	simm.s32 $0x6200;
	s19 =	simm.s32 $0x2A00  }
0x282: {  	s18 =	simm.s32 $0x6580;
	s17 =	simm.s32 $0x2D80;
	s16 =	simm.s32 $0x6900  }
0x283: {  	s15 =	simm.s32 $0x3100;
	s13 =	simm.s32 $0x3480;
	s12 =	stileid.u32  }
.LBB2_6:
0x284: {  	[sflag:s4] =	ssyncadd.s32 @p0 $0xFFFFC800  }
0x285: {  	[tilespmem:s2], [sflag:$0x2] =	stream.linear.gather [hbm4b:s0+s2], $0x3800, $0x38;
	[tilespmem:$0x15000] =	vst v63  }
0x286: {  	_ =	swait.ge [sflag:s4], $0x3800  }
0x287: {  	[sflag:s4] =	ssyncset.done $0x0  }
0x288: {  	s1 =	rddreg [dreg:$0x4];
	[sflag:s4] =	ssyncadd.s32 $0xFFFFC800  }
0x289: {  	[tilespmem:s31], [sflag:$0x2] =	stream.linear.gather [hbm4b:s1+s2], $0x3800, $0x38;
	[tilespmem:$0x15000] =	vst v63  }
0x28a: {  	_ =	swait.ge [sflag:s4], $0x3800  }
0x28b: {  	[sflag:s4] =	ssyncset.done $0x0  }
0x28c: {  	[sflag:s4] =	ssyncadd.s32 $0xFFFFC800  }
0x28d: {  	[tilespmem:s10], [sflag:$0x1] =	stream.indirect.gather [hbm4b:s5+s11], $0x10, s2, s11, $0xb8;
	[tilespmem:$0x15000] =	vst v63  }
0x28e: {  	_ = 	snop  }
0x28f: {  	[tilespmem:s9], [sflag:$0x1] =	stream.indirect.gather [hbm4b:s3+s11], $0x10, s31, s11, $0xb8;
	[tilespmem:$0x15000] =	vst v63  }
0x290: {  	s1 =	sld [smem:$0x7F3]  }
0x291: {  	[tilespmem:s8], [sflag:$0x1] =	stream.indirect.gather [hbm4b:s5+s11], $0x10, s11, s11, $0xb8;
	[tilespmem:$0x15000] =	vst v63  }
0x292: {  	_ = 	snop  }
0x293: {  	[tilespmem:s6], [sflag:$0x1] =	stream.indirect.gather [hbm4b:s3+s11], $0x10, s1, s11, $0xb8;
	[tilespmem:$0x15000] =	vst v63  }
0x294: {  	_ =	swait.ge [sflag:s7], $0x3800  }
0x295: {  	[sflag:s7] =	ssyncset.done $0x0  }
0x296: {  	s31 =	rddreg [dreg:$0x5];
	[sflag:s7] =	ssyncadd.s32 $0xFFFFC800  }
0x297: {  	[hbm4b:s31+s2] =	stream.linear.scatter [tilespmem:s10], [sflag:$0x2], $0x3800, $0x38;
	[tilespmem:$0x15000] =	vst v63  }
0x298: {  	_ =	swait.ge [sflag:s4], $0x3800  }
0x299: {  	[sflag:s4] =	ssyncset.done $0x0  }
0x29a: {  	[sflag:s4] =	ssyncadd.s32 $0xFFFFC800  }
0x29b: {  	_ =	swait.ge [sflag:s7], $0x3800  }
0x29c: {  	[sflag:s7] =	ssyncset.done $0x0  }
0x29d: {  	s1 =	rddreg [dreg:$0x6];
	[sflag:s7] =	ssyncadd.s32 $0xFFFFC800  }
0x29e: {  	[hbm4b:s1+s2] =	stream.linear.scatter [tilespmem:s9], [sflag:$0x2], $0x3800, $0x38;
	[tilespmem:$0x15000] =	vst v63  }
0x29f: {  	_ =	swait.ge [sflag:s4], $0x3800  }
0x2a0: {  	s31 =	sld [smem:$0x7F4]  }
0x2a1: {  	[sflag:s4] =	ssyncset.done $0x0  }
0x2a2: {  	s1 =	sld [smem:$0x7F5];
	[sflag:s4] =	ssyncadd.s32 $0xFFFFC800  }
0x2a3: {  	[tilespmem:s10], [sflag:$0x1] =	stream.indirect.gather [hbm4b:s5+s11], $0x10, s31, s11, $0xb8;
	[tilespmem:$0x15000] =	vst v63  }
0x2a4: {  	_ = 	snop  }
0x2a5: {  	[tilespmem:s9], [sflag:$0x1] =	stream.indirect.gather [hbm4b:s3+s11], $0x10, s1, s11, $0xb8;
	[tilespmem:$0x15000] =	vst v63  }
0x2a6: {  	_ =	swait.ge [sflag:s7], $0x3800  }
0x2a7: {  	[sflag:s7] =	ssyncset.done $0x0  }
0x2a8: {  	s1 =	rddreg [dreg:$0x7];
	[sflag:s7] =	ssyncadd.s32 $0xFFFFC800  }
0x2a9: {  	[hbm4b:s1+s2] =	stream.linear.scatter [tilespmem:s8], [sflag:$0x2], $0x3800, $0x38;
	[tilespmem:$0x15000] =	vst v63  }
0x2aa: {  	_ =	swait.ge [sflag:s4], $0x3800  }
0x2ab: {  	[sflag:s4] =	ssyncset.done $0x0  }
0x2ac: {  	[sflag:s4] =	ssyncadd.s32 $0xFFFFC800  }
0x2ad: {  	_ =	swait.ge [sflag:s7], $0x3800  }
0x2ae: {  	[sflag:s7] =	ssyncset.done $0x0  }
0x2af: {  	s31 =	rddreg [dreg:$0x8];
	[sflag:s7] =	ssyncadd.s32 $0xFFFFC800  }
0x2b0: {  	[hbm4b:s31+s2] =	stream.linear.scatter [tilespmem:s6], [sflag:$0x2], $0x3800, $0x38;
	[tilespmem:$0x15000] =	vst v63  }
0x2b1: {  	_ =	swait.ge [sflag:s4], $0x3800  }
0x2b2: {  	s1 =	sld [smem:$0x7F6]  }
0x2b3: {  	[sflag:s4] =	ssyncset.done $0x0  }
0x2b4: {  	s31 =	sld [smem:$0x7F7];
	[sflag:s4] =	ssyncadd.s32 $0xFFFFC800  }
0x2b5: {  	[tilespmem:s8], [sflag:$0x1] =	stream.indirect.gather [hbm4b:s5+s11], $0x10, s1, s11, $0xb8;
	[tilespmem:$0x15000] =	vst v63  }
0x2b6: {  	_ = 	snop  }
0x2b7: {  	[tilespmem:s6], [sflag:$0x1] =	stream.indirect.gather [hbm4b:s3+s11], $0x10, s31, s11, $0xb8;
	[tilespmem:$0x15000] =	vst v63  }
0x2b8: {  	_ =	swait.ge [sflag:s7], $0x3800  }
0x2b9: {  	[sflag:s7] =	ssyncset.done $0x0  }
0x2ba: {  	s1 =	rddreg [dreg:$0x9];
	[sflag:s7] =	ssyncadd.s32 $0xFFFFC800  }
0x2bb: {  	[hbm4b:s1+s2] =	stream.linear.scatter [tilespmem:s10], [sflag:$0x2], $0x3800, $0x38;
	[tilespmem:$0x15000] =	vst v63  }
0x2bc: {  	_ =	swait.ge [sflag:s4], $0x3800  }
0x2bd: {  	[sflag:s4] =	ssyncset.done $0x0  }
0x2be: {  	[sflag:s4] =	ssyncadd.s32 $0xFFFFC800  }
0x2bf: {  	_ =	swait.ge [sflag:s7], $0x3800  }
0x2c0: {  	[sflag:s7] =	ssyncset.done $0x0  }
0x2c1: {  	s31 =	rddreg [dreg:$0xa];
	[sflag:s7] =	ssyncadd.s32 $0xFFFFC800  }
0x2c2: {  	[hbm4b:s31+s2] =	stream.linear.scatter [tilespmem:s9], [sflag:$0x2], $0x3800, $0x38;
	[tilespmem:$0x15000] =	vst v63  }
0x2c3: {  	_ =	swait.ge [sflag:s4], $0x3800  }
0x2c4: {  	s1 =	sld [smem:$0x7F8]  }
0x2c5: {  	[sflag:s4] =	ssyncset.done $0x0  }
0x2c6: {  	s31 =	sld [smem:$0x7F9];
	[sflag:s4] =	ssyncadd.s32 $0xFFFFC800  }
0x2c7: {  	[tilespmem:s10], [sflag:$0x1] =	stream.indirect.gather [hbm4b:s5+s11], $0x10, s1, s11, $0xb8;
	[tilespmem:$0x15000] =	vst v63  }
0x2c8: {  	_ = 	snop  }
0x2c9: {  	[tilespmem:s9], [sflag:$0x1] =	stream.indirect.gather [hbm4b:s3+s11], $0x10, s31, s11, $0xb8;
	[tilespmem:$0x15000] =	vst v63  }
0x2ca: {  	_ =	swait.ge [sflag:s7], $0x3800  }
0x2cb: {  	[sflag:s7] =	ssyncset.done $0x0  }
0x2cc: {  	s1 =	rddreg [dreg:$0xb];
	[sflag:s7] =	ssyncadd.s32 $0xFFFFC800  }
0x2cd: {  	[hbm4b:s1+s2] =	stream.linear.scatter [tilespmem:s8], [sflag:$0x2], $0x3800, $0x38;
	[tilespmem:$0x15000] =	vst v63  }
0x2ce: {  	_ =	swait.ge [sflag:s4], $0x3800  }
0x2cf: {  	[sflag:s4] =	ssyncset.done $0x0  }
0x2d0: {  	[sflag:s4] =	ssyncadd.s32 $0xFFFFC800  }
0x2d1: {  	_ =	swait.ge [sflag:s7], $0x3800  }
0x2d2: {  	[sflag:s7] =	ssyncset.done $0x0  }
0x2d3: {  	s31 =	rddreg [dreg:$0xc];
	[sflag:s7] =	ssyncadd.s32 $0xFFFFC800  }
0x2d4: {  	[hbm4b:s31+s2] =	stream.linear.scatter [tilespmem:s6], [sflag:$0x2], $0x3800, $0x38;
	[tilespmem:$0x15000] =	vst v63  }
0x2d5: {  	_ =	swait.ge [sflag:s4], $0x3800  }
0x2d6: {  	s1 =	sld [smem:$0x7FA]  }
0x2d7: {  	[sflag:s4] =	ssyncset.done $0x0  }
0x2d8: {  	s31 =	sld [smem:$0x7FB];
	[sflag:s4] =	ssyncadd.s32 $0xFFFFC800  }
0x2d9: {  	[tilespmem:s8], [sflag:$0x1] =	stream.indirect.gather [hbm4b:s5+s11], $0x10, s1, s11, $0xb8;
	[tilespmem:$0x15000] =	vst v63  }
0x2da: {  	_ = 	snop  }
0x2db: {  	[tilespmem:s6], [sflag:$0x1] =	stream.indirect.gather [hbm4b:s3+s11], $0x10, s31, s11, $0xb8;
	[tilespmem:$0x15000] =	vst v63  }
0x2dc: {  	_ =	swait.ge [sflag:s7], $0x3800  }
0x2dd: {  	[sflag:s7] =	ssyncset.done $0x0  }
0x2de: {  	s1 =	rddreg [dreg:$0xd];
	[sflag:s7] =	ssyncadd.s32 $0xFFFFC800  }
0x2df: {  	[hbm4b:s1+s2] =	stream.linear.scatter [tilespmem:s10], [sflag:$0x2], $0x3800, $0x38;
	[tilespmem:$0x15000] =	vst v63  }
0x2e0: {  	_ =	swait.ge [sflag:s4], $0x3800  }
0x2e1: {  	[sflag:s4] =	ssyncset.done $0x0  }
0x2e2: {  	[sflag:s4] =	ssyncadd.s32 $0xFFFFC800  }
0x2e3: {  	_ =	swait.ge [sflag:s7], $0x3800  }
0x2e4: {  	[sflag:s7] =	ssyncset.done $0x0  }
0x2e5: {  	s31 =	rddreg [dreg:$0xe];
	[sflag:s7] =	ssyncadd.s32 $0xFFFFC800  }
0x2e6: {  	[hbm4b:s31+s2] =	stream.linear.scatter [tilespmem:s9], [sflag:$0x2], $0x3800, $0x38;
	[tilespmem:$0x15000] =	vst v63  }
0x2e7: {  	_ =	swait.ge [sflag:s4], $0x3800  }
0x2e8: {  	s1 =	sld [smem:$0x7FC]  }
0x2e9: {  	[sflag:s4] =	ssyncset.done $0x0  }
0x2ea: {  	s31 =	sld [smem:$0x7FD];
	[sflag:s4] =	ssyncadd.s32 $0xFFFFC800  }
0x2eb: {  	[tilespmem:s10], [sflag:$0x1] =	stream.indirect.gather [hbm4b:s5+s11], $0x10, s1, s11, $0xb8;
	[tilespmem:$0x15000] =	vst v63  }
0x2ec: {  	_ = 	snop  }
0x2ed: {  	[tilespmem:s9], [sflag:$0x1] =	stream.indirect.gather [hbm4b:s3+s11], $0x10, s31, s11, $0xb8;
	[tilespmem:$0x15000] =	vst v63  }
0x2ee: {  	_ =	swait.ge [sflag:s7], $0x3800  }
0x2ef: {  	[sflag:s7] =	ssyncset.done $0x0  }
0x2f0: {  	s31 =	rddreg [dreg:$0xf];
	[sflag:s7] =	ssyncadd.s32 $0xFFFFC800  }
0x2f1: {  	[hbm4b:s31+s2] =	stream.linear.scatter [tilespmem:s8], [sflag:$0x2], $0x3800, $0x38;
	[tilespmem:$0x15000] =	vst v63  }
0x2f2: {  	_ =	swait.ge [sflag:s4], $0x3800  }
0x2f3: {  	[sflag:s4] =	ssyncset.done $0x0  }
0x2f4: {  	[sflag:s4] =	ssyncadd.s32 $0xFFFFC800  }
0x2f5: {  	_ =	swait.ge [sflag:s7], $0x3800  }
0x2f6: {  	[sflag:s7] =	ssyncset.done $0x0  }
0x2f7: {  	s1 =	rddreg [dreg:$0x10];
	[sflag:s7] =	ssyncadd.s32 $0xFFFFC800  }
0x2f8: {  	[hbm4b:s1+s2] =	stream.linear.scatter [tilespmem:s6], [sflag:$0x2], $0x3800, $0x38;
	[tilespmem:$0x15000] =	vst v63  }
0x2f9: {  	_ =	swait.ge [sflag:s4], $0x3800  }
0x2fa: {  	[sflag:s4] =	ssyncset.done $0x0  }
0x2fb: {  	[sflag:s4] =	ssyncadd.s32 $0xFFFFC800  }
0x2fc: {  	[tilespmem:s8], [sflag:$0x1] =	stream.indirect.gather [hbm4b:s5+s11], $0x10, s30, s11, $0xb8;
	[tilespmem:$0x15000] =	vst v63  }
0x2fd: {  	_ = 	snop  }
0x2fe: {  	[tilespmem:s6], [sflag:$0x1] =	stream.indirect.gather [hbm4b:s3+s11], $0x10, s14, s11, $0xb8;
	[tilespmem:$0x15000] =	vst v63  }
0x2ff: {  	_ =	swait.ge [sflag:s7], $0x3800  }
0x300: {  	[sflag:s7] =	ssyncset.done $0x0  }
0x301: {  	s30 =	rddreg [dreg:$0x11];
	[sflag:s7] =	ssyncadd.s32 $0xFFFFC800  }
0x302: {  	[hbm4b:s30+s2] =	stream.linear.scatter [tilespmem:s10], [sflag:$0x2], $0x3800, $0x38;
	[tilespmem:$0x15000] =	vst v63  }
0x303: {  	_ =	swait.ge [sflag:s4], $0x3800  }
0x304: {  	[sflag:s4] =	ssyncset.done $0x0  }
0x305: {  	[sflag:s4] =	ssyncadd.s32 $0xFFFFC800  }
0x306: {  	_ =	swait.ge [sflag:s7], $0x3800  }
0x307: {  	[sflag:s7] =	ssyncset.done $0x0  }
0x308: {  	s31 =	rddreg [dreg:$0x12];
	[sflag:s7] =	ssyncadd.s32 $0xFFFFC800  }
0x309: {  	[hbm4b:s31+s2] =	stream.linear.scatter [tilespmem:s9], [sflag:$0x2], $0x3800, $0x38;
	[tilespmem:$0x15000] =	vst v63  }
0x30a: {  	_ =	swait.ge [sflag:s4], $0x3800  }
0x30b: {  	[sflag:s4] =	ssyncset.done $0x0  }
0x30c: {  	[sflag:s4] =	ssyncadd.s32 $0xFFFFC800  }
0x30d: {  	[tilespmem:s10], [sflag:$0x1] =	stream.indirect.gather [hbm4b:s5+s11], $0x10, s28, s11, $0xb8;
	[tilespmem:$0x15000] =	vst v63  }
0x30e: {  	_ = 	snop  }
0x30f: {  	[tilespmem:s9], [sflag:$0x1] =	stream.indirect.gather [hbm4b:s3+s11], $0x10, s29, s11, $0xb8;
	[tilespmem:$0x15000] =	vst v63  }
0x310: {  	_ =	swait.ge [sflag:s7], $0x3800  }
0x311: {  	[sflag:s7] =	ssyncset.done $0x0  }
0x312: {  	s1 =	rddreg [dreg:$0x13];
	[sflag:s7] =	ssyncadd.s32 $0xFFFFC800  }
0x313: {  	[hbm4b:s1+s2] =	stream.linear.scatter [tilespmem:s8], [sflag:$0x2], $0x3800, $0x38;
	[tilespmem:$0x15000] =	vst v63  }
0x314: {  	_ =	swait.ge [sflag:s4], $0x3800  }
0x315: {  	[sflag:s4] =	ssyncset.done $0x0  }
0x316: {  	[sflag:s4] =	ssyncadd.s32 $0xFFFFC800  }
0x317: {  	_ =	swait.ge [sflag:s7], $0x3800  }
0x318: {  	[sflag:s7] =	ssyncset.done $0x0  }
0x319: {  	s14 =	rddreg [dreg:$0x14];
	[sflag:s7] =	ssyncadd.s32 $0xFFFFC800  }
0x31a: {  	[hbm4b:s14+s2] =	stream.linear.scatter [tilespmem:s6], [sflag:$0x2], $0x3800, $0x38;
	[tilespmem:$0x15000] =	vst v63  }
0x31b: {  	_ =	swait.ge [sflag:s4], $0x3800  }
0x31c: {  	[sflag:s4] =	ssyncset.done $0x0  }
0x31d: {  	[sflag:s4] =	ssyncadd.s32 $0xFFFFC800  }
0x31e: {  	[tilespmem:s8], [sflag:$0x1] =	stream.indirect.gather [hbm4b:s5+s11], $0x10, s25, s11, $0xb8;
	[tilespmem:$0x15000] =	vst v63  }
0x31f: {  	_ = 	snop  }
0x320: {  	[tilespmem:s6], [sflag:$0x1] =	stream.indirect.gather [hbm4b:s3+s11], $0x10, s26, s11, $0xb8;
	[tilespmem:$0x15000] =	vst v63  }
0x321: {  	_ =	swait.ge [sflag:s7], $0x3800  }
0x322: {  	[sflag:s7] =	ssyncset.done $0x0  }
0x323: {  	s28 =	rddreg [dreg:$0x15];
	[sflag:s7] =	ssyncadd.s32 $0xFFFFC800  }
0x324: {  	[hbm4b:s28+s2] =	stream.linear.scatter [tilespmem:s10], [sflag:$0x2], $0x3800, $0x38;
	[tilespmem:$0x15000] =	vst v63  }
0x325: {  	_ =	swait.ge [sflag:s4], $0x3800  }
0x326: {  	[sflag:s4] =	ssyncset.done $0x0  }
0x327: {  	[sflag:s4] =	ssyncadd.s32 $0xFFFFC800  }
0x328: {  	_ =	swait.ge [sflag:s7], $0x3800  }
0x329: {  	[sflag:s7] =	ssyncset.done $0x0  }
0x32a: {  	s29 =	rddreg [dreg:$0x16];
	[sflag:s7] =	ssyncadd.s32 $0xFFFFC800  }
0x32b: {  	[hbm4b:s29+s2] =	stream.linear.scatter [tilespmem:s9], [sflag:$0x2], $0x3800, $0x38;
	[tilespmem:$0x15000] =	vst v63  }
0x32c: {  	_ =	swait.ge [sflag:s4], $0x3800  }
0x32d: {  	[sflag:s4] =	ssyncset.done $0x0  }
0x32e: {  	[sflag:s4] =	ssyncadd.s32 $0xFFFFC800  }
0x32f: {  	[tilespmem:s10], [sflag:$0x1] =	stream.indirect.gather [hbm4b:s5+s11], $0x10, s23, s11, $0xb8;
	[tilespmem:$0x15000] =	vst v63  }
0x330: {  	_ = 	snop  }
0x331: {  	[tilespmem:s9], [sflag:$0x1] =	stream.indirect.gather [hbm4b:s3+s11], $0x10, s24, s11, $0xb8;
	[tilespmem:$0x15000] =	vst v63  }
0x332: {  	_ =	swait.ge [sflag:s7], $0x3800  }
0x333: {  	[sflag:s7] =	ssyncset.done $0x0  }
0x334: {  	s30 =	rddreg [dreg:$0x17];
	[sflag:s7] =	ssyncadd.s32 $0xFFFFC800  }
0x335: {  	[hbm4b:s30+s2] =	stream.linear.scatter [tilespmem:s8], [sflag:$0x2], $0x3800, $0x38;
	[tilespmem:$0x15000] =	vst v63  }
0x336: {  	_ =	swait.ge [sflag:s4], $0x3800  }
0x337: {  	[sflag:s4] =	ssyncset.done $0x0  }
0x338: {  	[sflag:s4] =	ssyncadd.s32 $0xFFFFC800  }
0x339: {  	_ =	swait.ge [sflag:s7], $0x3800  }
0x33a: {  	[sflag:s7] =	ssyncset.done $0x0  }
0x33b: {  	s31 =	rddreg [dreg:$0x18];
	[sflag:s7] =	ssyncadd.s32 $0xFFFFC800  }
0x33c: {  	[hbm4b:s31+s2] =	stream.linear.scatter [tilespmem:s6], [sflag:$0x2], $0x3800, $0x38;
	[tilespmem:$0x15000] =	vst v63  }
0x33d: {  	_ =	swait.ge [sflag:s4], $0x3800  }
0x33e: {  	[sflag:s4] =	ssyncset.done $0x0  }
0x33f: {  	[sflag:s4] =	ssyncadd.s32 $0xFFFFC800  }
0x340: {  	[tilespmem:s8], [sflag:$0x1] =	stream.indirect.gather [hbm4b:s5+s11], $0x10, s21, s11, $0xb8;
	[tilespmem:$0x15000] =	vst v63  }
0x341: {  	_ = 	snop  }
0x342: {  	[tilespmem:s6], [sflag:$0x1] =	stream.indirect.gather [hbm4b:s3+s11], $0x10, s22, s11, $0xb8;
	[tilespmem:$0x15000] =	vst v63  }
0x343: {  	_ =	swait.ge [sflag:s7], $0x3800  }
0x344: {  	[sflag:s7] =	ssyncset.done $0x0  }
0x345: {  	s1 =	rddreg [dreg:$0x19];
	[sflag:s7] =	ssyncadd.s32 $0xFFFFC800  }
0x346: {  	[hbm4b:s1+s2] =	stream.linear.scatter [tilespmem:s10], [sflag:$0x2], $0x3800, $0x38;
	[tilespmem:$0x15000] =	vst v63  }
0x347: {  	_ =	swait.ge [sflag:s4], $0x3800  }
0x348: {  	[sflag:s4] =	ssyncset.done $0x0  }
0x349: {  	[sflag:s4] =	ssyncadd.s32 $0xFFFFC800  }
0x34a: {  	_ =	swait.ge [sflag:s7], $0x3800  }
0x34b: {  	[sflag:s7] =	ssyncset.done $0x0  }
0x34c: {  	s14 =	rddreg [dreg:$0x1a];
	[sflag:s7] =	ssyncadd.s32 $0xFFFFC800  }
0x34d: {  	[hbm4b:s14+s2] =	stream.linear.scatter [tilespmem:s9], [sflag:$0x2], $0x3800, $0x38;
	[tilespmem:$0x15000] =	vst v63  }
0x34e: {  	_ =	swait.ge [sflag:s4], $0x3800  }
0x34f: {  	[sflag:s4] =	ssyncset.done $0x0  }
0x350: {  	[sflag:s4] =	ssyncadd.s32 $0xFFFFC800  }
0x351: {  	[tilespmem:s10], [sflag:$0x1] =	stream.indirect.gather [hbm4b:s5+s11], $0x10, s19, s11, $0xb8;
	[tilespmem:$0x15000] =	vst v63  }
0x352: {  	_ = 	snop  }
0x353: {  	[tilespmem:s9], [sflag:$0x1] =	stream.indirect.gather [hbm4b:s3+s11], $0x10, s20, s11, $0xb8;
	[tilespmem:$0x15000] =	vst v63  }
0x354: {  	_ =	swait.ge [sflag:s7], $0x3800  }
0x355: {  	[sflag:s7] =	ssyncset.done $0x0  }
0x356: {  	s20 =	rddreg [dreg:$0x1b];
	[sflag:s7] =	ssyncadd.s32 $0xFFFFC800  }
0x357: {  	[hbm4b:s20+s2] =	stream.linear.scatter [tilespmem:s8], [sflag:$0x2], $0x3800, $0x38;
	[tilespmem:$0x15000] =	vst v63  }
0x358: {  	_ =	swait.ge [sflag:s4], $0x3800  }
0x359: {  	[sflag:s4] =	ssyncset.done $0x0  }
0x35a: {  	[sflag:s4] =	ssyncadd.s32 $0xFFFFC800  }
0x35b: {  	_ =	swait.ge [sflag:s7], $0x3800  }
0x35c: {  	[sflag:s7] =	ssyncset.done $0x0  }
0x35d: {  	s21 =	rddreg [dreg:$0x1c];
	[sflag:s7] =	ssyncadd.s32 $0xFFFFC800  }
0x35e: {  	[hbm4b:s21+s2] =	stream.linear.scatter [tilespmem:s6], [sflag:$0x2], $0x3800, $0x38;
	[tilespmem:$0x15000] =	vst v63  }
0x35f: {  	_ =	swait.ge [sflag:s4], $0x3800  }
0x360: {  	[sflag:s4] =	ssyncset.done $0x0  }
0x361: {  	[sflag:s4] =	ssyncadd.s32 $0xFFFFC800  }
0x362: {  	[tilespmem:s8], [sflag:$0x1] =	stream.indirect.gather [hbm4b:s5+s11], $0x10, s17, s11, $0xb8;
	[tilespmem:$0x15000] =	vst v63  }
0x363: {  	_ = 	snop  }
0x364: {  	[tilespmem:s6], [sflag:$0x1] =	stream.indirect.gather [hbm4b:s3+s11], $0x10, s18, s11, $0xb8;
	[tilespmem:$0x15000] =	vst v63  }
0x365: {  	_ =	swait.ge [sflag:s7], $0x3800  }
0x366: {  	[sflag:s7] =	ssyncset.done $0x0  }
0x367: {  	s22 =	rddreg [dreg:$0x1d];
	[sflag:s7] =	ssyncadd.s32 $0xFFFFC800  }
0x368: {  	[hbm4b:s22+s2] =	stream.linear.scatter [tilespmem:s10], [sflag:$0x2], $0x3800, $0x38;
	[tilespmem:$0x15000] =	vst v63  }
0x369: {  	_ =	swait.ge [sflag:s4], $0x3800  }
0x36a: {  	[sflag:s4] =	ssyncset.done $0x0  }
0x36b: {  	[sflag:s4] =	ssyncadd.s32 $0xFFFFC800  }
0x36c: {  	_ =	swait.ge [sflag:s7], $0x3800  }
0x36d: {  	[sflag:s7] =	ssyncset.done $0x0  }
0x36e: {  	s23 =	rddreg [dreg:$0x1e];
	[sflag:s7] =	ssyncadd.s32 $0xFFFFC800  }
0x36f: {  	[hbm4b:s23+s2] =	stream.linear.scatter [tilespmem:s9], [sflag:$0x2], $0x3800, $0x38;
	[tilespmem:$0x15000] =	vst v63  }
0x370: {  	_ =	swait.ge [sflag:s4], $0x3800  }
0x371: {  	[sflag:s4] =	ssyncset.done $0x0  }
0x372: {  	[sflag:s4] =	ssyncadd.s32 $0xFFFFC800  }
0x373: {  	[tilespmem:s10], [sflag:$0x1] =	stream.indirect.gather [hbm4b:s5+s11], $0x10, s15, s11, $0xb8;
	[tilespmem:$0x15000] =	vst v63  }
0x374: {  	_ = 	snop  }
0x375: {  	[tilespmem:s9], [sflag:$0x1] =	stream.indirect.gather [hbm4b:s3+s11], $0x10, s16, s11, $0xb8;
	[tilespmem:$0x15000] =	vst v63  }
0x376: {  	_ =	swait.ge [sflag:s7], $0x3800  }
0x377: {  	[sflag:s7] =	ssyncset.done $0x0  }
0x378: {  	s24 =	rddreg [dreg:$0x1f];
	[sflag:s7] =	ssyncadd.s32 $0xFFFFC800  }
0x379: {  	[hbm4b:s24+s2] =	stream.linear.scatter [tilespmem:s8], [sflag:$0x2], $0x3800, $0x38;
	[tilespmem:$0x15000] =	vst v63  }
0x37a: {  	_ =	swait.ge [sflag:s4], $0x3800  }
0x37b: {  	[sflag:s4] =	ssyncset.done $0x0  }
0x37c: {  	[sflag:s4] =	ssyncadd.s32 $0xFFFFC800  }
0x37d: {  	_ =	swait.ge [sflag:s7], $0x3800  }
0x37e: {  	s25 =	sld [smem:$0x7EE]  }
0x37f: {  	[sflag:s7] =	ssyncset.done $0x0  }
0x380: {  	[sflag:s7] =	ssyncadd.s32 $0xFFFFC800  }
0x381: {  	[hbm4b:s25+s2] =	stream.linear.scatter [tilespmem:s6], [sflag:$0x2], $0x3800, $0x38;
	[tilespmem:$0x15000] =	vst v63  }
0x382: {  	_ =	swait.ge [sflag:s4], $0x3800  }
0x383: {  	[sflag:s4] =	ssyncset.done $0x0  }
0x384: {  	[sflag:s4] =	ssyncadd.s32 $0xFFFFC800  }
0x385: {  	[tilespmem:s8], [sflag:$0x1] =	stream.indirect.gather [hbm4b:s5+s11], $0x10, s13, s11, $0xb8;
	[tilespmem:$0x15000] =	vst v63  }
0x386: {  	s26 =	simm.s32 $0x6C80  }
0x387: {  	[tilespmem:s6], [sflag:$0x1] =	stream.indirect.gather [hbm4b:s3+s11], $0x10, s26, s11, $0xb8;
	[tilespmem:$0x15000] =	vst v63  }
0x388: {  	_ =	swait.ge [sflag:s7], $0x3800  }
0x389: {  	s28 =	sld [smem:$0x7EF]  }
0x38a: {  	[sflag:s7] =	ssyncset.done $0x0  }
0x38b: {  	[sflag:s7] =	ssyncadd.s32 $0xFFFFC800  }
0x38c: {  	[hbm4b:s28+s2] =	stream.linear.scatter [tilespmem:s10], [sflag:$0x2], $0x3800, $0x38;
	[tilespmem:$0x15000] =	vst v63  }
0x38d: {  	_ =	swait.ge [sflag:s4], $0x3800  }
0x38e: {  	[sflag:s4] =	ssyncset.done $0x0  }
0x38f: {  	[sflag:s4] =	ssyncadd.s32 $0xFFFFC800  }
0x390: {  	_ =	swait.ge [sflag:s7], $0x3800  }
0x391: {  	s29 =	sld [smem:$0x7F0]  }
0x392: {  	[sflag:s7] =	ssyncset.done $0x0  }
0x393: {  	[sflag:s7] =	ssyncadd.s32 $0xFFFFC800  }
0x394: {  	[hbm4b:s29+s2] =	stream.linear.scatter [tilespmem:s9], [sflag:$0x2], $0x3800, $0x38;
	[tilespmem:$0x15000] =	vst v63  }
0x395: {  	_ =	swait.ge [sflag:s4], $0x3800  }
0x396: {  	[sflag:s4] =	ssyncset.done $0x0  }
0x397: {  	[sflag:s4] =	ssyncadd.s32 $0xFFFFC800  }
0x398: {  	_ =	swait.ge [sflag:s7], $0x3800  }
0x399: {  	s30 =	sld [smem:$0x7F1]  }
0x39a: {  	[sflag:s7] =	ssyncset.done $0x0  }
0x39b: {  	[sflag:s7] =	ssyncadd.s32 $0xFFFFC800  }
0x39c: {  	[hbm4b:s30+s2] =	stream.linear.scatter [tilespmem:s8], [sflag:$0x2], $0x3800, $0x38;
	[tilespmem:$0x15000] =	vst v63  }
0x39d: {  	_ =	swait.ge [sflag:s4], $0x3800  }
0x39e: {  	[sflag:s4] =	ssyncset.done $0x0  }
0x39f: {  	[sflag:s4] =	ssyncadd.s32 $0xFFFFC800  }
0x3a0: {  	_ =	swait.ge [sflag:s7], $0x3800  }
0x3a1: {  	s31 =	sld [smem:$0x7F2]  }
0x3a2: {  	[sflag:s7] =	ssyncset.done $0x0  }
0x3a3: {  	[sflag:s7] =	ssyncadd.s32 $0xFFFFC800  }
0x3a4: {  	[hbm4b:s31+s2] =	stream.linear.scatter [tilespmem:s6], [sflag:$0x2], $0x3800, $0x38;
	[tilespmem:$0x15000] =	vst v63  }
0x3a5: {  	_ =	swait.ge [sflag:s4], $0x3800  }
0x3a6: {  	[sflag:s4] =	ssyncset.done $0x0  }
0x3a7: {  	[sflag:s4] =	ssyncadd.s32 $0xFFFFC800  }
0x3a8: {  	_ =	sfence.sel $0x180000  }
0x3a9: {  	[bflag:$0x0] =	sbarrier.arrive $0xFFFF  }
0x3aa: {  	_ =	strace $0x90000047  }
0x3ab: {  	[bflag:$0x2] =	sbarrier.arrive $0xFFFF  }
0x3ac: {  	p0 =	sne.s32 s12, $0x0;
	s0 =	rddreg [dreg:$0x2]  }
0x3ad: {  	s0 =	sadd.s32 @!p0 $0x100000, s0  }
0x3ae: {  	[sflag:s0] =	ssyncadd.tile.s32 @!p0 $0x1;
	_ =	shalt  }
.LBB2_1:
0x3af: {  	s14 =	simm.s32 $0x5080;
	s30 =	simm.s32 $0x1880;
	s29 =	simm.s32 $0x5400  }
.Ltmp3:
0x3b0: {  	s28 =	simm.s32 $0x1C00;
	s26 =	simm.s32 $0x5780;
	(pc) =	sbr.rel .LBB2_6-.Ltmp3, $4  }
0x3b1: {  	s25 =	simm.s32 $0x1F80;
	s24 =	simm.s32 $0x5B00;
	s23 =	simm.s32 $0x2300  }
0x3b2: {  	s22 =	simm.s32 $0x5E80;
	s21 =	simm.s32 $0x2680;
	s20 =	simm.s32 $0x6200  }
0x3b3: {  	s19 =	simm.s32 $0x2A00;
	s18 =	simm.s32 $0x6580;
	s17 =	simm.s32 $0x2D80  }
0x3b4: {  	s16 =	simm.s32 $0x6900;
	s15 =	simm.s32 $0x3100;
	s13 =	simm.s32 $0x3480  }
.LBB2_3:
0x3b5: {  	s14 =	simm.s32 $0x5080  }
0x3b6: {  	s30 =	simm.s32 $0x1880;
	s29 =	simm.s32 $0x5400;
	s28 =	simm.s32 $0x1C00  }
.Ltmp4:
0x3b7: {  	s26 =	simm.s32 $0x5780;
	s25 =	simm.s32 $0x1F80;
	(pc) =	sbr.rel .LBB2_6-.Ltmp4, $4  }
0x3b8: {  	s24 =	simm.s32 $0x5B00;
	s23 =	simm.s32 $0x2300;
	s22 =	simm.s32 $0x5E80  }
0x3b9: {  	s21 =	simm.s32 $0x2680;
	s20 =	simm.s32 $0x6200;
	s19 =	simm.s32 $0x2A00  }
0x3ba: {  	s18 =	simm.s32 $0x6580;
	s17 =	simm.s32 $0x2D80;
	s16 =	simm.s32 $0x6900  }
0x3bb: {  	s15 =	simm.s32 $0x3100;
	s13 =	simm.s32 $0x3480;
	s12 =	stileid.u32  }
.Lfunc_end2:
_tile_overlayer_lowered:
.L_overlay_start_2:
0x3bc: {  	(tag) =	ssettag $0x2  }
0x3bd: {  	s0 =	rddreg [dreg:$0x0];
	s2 =	stileid.u32  }
0x3be: {  	s1 =	rddreg [dreg:$0x1];
	p0 =	sne.s32 s2, $0x0  }
0x3bf: {  	s3 =	rddreg [dreg:$0x2];
	[bflag:$0x3] =	sbarrier.arrive $0xFFFF;
	s2 =	simm.s32 @!p0 $0x1C02  }
0x3c0: {  	[timem:s3], [sflag:s2] =	dma.local @!p0 [hbm:s0], s1  }
0x3c1: {  	s0 =	simm.s32 @!p0 $0x2  }
0x3c2: {  	_ =	swait.ge @!p0 [sflag:s0], s1  }
0x3c3: {  	s1 =	ssub.s32 @!p0 $0x0, s1;
	[sflag:s0] =	ssyncset.done @!p0 $0x0  }
0x3c4: {  	[sflag:s0] =	ssyncadd.s32 @!p0 s1  }
0x3c5: {  	[bflag:$0x3] =	sbarrier.arrive $0xFFFF  }
0x3c6: {  	_ =	shalt  }

// kernel: kernel.9.cloned.1.call-start
scs
__scs_entry_jumppad:
0x0: {  	(pc) =	sbr.rel $0x88, $3  }
0x1: {  	(tag) =	ssettag $0x0;
	lr =	simm.s32 $0x1  }
0x2: {  	[smem:$0x3F93] =	sst lr;
	_ =	strace $0xD0000000  }
0x3: {  	_ = 	snop  }
0x4: {  	_ = 	snop  }
0x5: {  	_ = 	snop  }
0x6: {  	_ = 	snop  }
0x7: {  	_ = 	snop  }
__scs_overlays_trampoline_lowered:
0x8: {  	[smem:$0x3FA2] =	sst s0  }
0x9: {  	[smem:$0x3FA3] =	sst s1  }
0xa: {  	[smem:$0x3FA4] =	sst s2  }
0xb: {  	[smem:$0x3FA5] =	sst s3  }
0xc: {  	[smem:$0x3FA6] =	sst s4  }
0xd: {  	[smem:$0x3FA7] =	sst s5  }
0xe: {  	[smem:$0x3FA8] =	sst s6  }
0xf: {  	[smem:$0x3FA9] =	sst s7  }
0x10: {  	[smem:$0x3FAA] =	sst s8  }
0x11: {  	[smem:$0x3FAB] =	sst s9;
	s0 =	simm.s32 @!p0 $0x0  }
0x12: {  	s1 =	sld [smem:$0x3F91];
	s0 =	simm.s32 @p0 $0x1  }
0x13: {  	[smem:$0x3FAC] =	sst s0;
	s0 =	simm.s32 @!p1 $0x0  }
0x14: {  	s2 =	sld [smem:$0x3F90];
	s0 =	simm.s32 @p1 $0x1  }
0x15: {  	[smem:$0x3FAD] =	sst s0;
	s0 =	simm.s32 @!p2 $0x0  }
0x16: {  	s3 =	sld [smem:$0x3FDB];
	s0 =	simm.s32 @p2 $0x1  }
0x17: {  	s4 =	simm.s32 $0x1BF5;
	[smem:$0x3FAF] =	sst s0  }
0x18: {  	s0 =	sld [smem:$0x3F92];
	_ =	swait.ge [sflag:s4], $0x0  }
0x19: {  	s7 =	sld [smem:$0x3F93]  }
0x1a: {  	s8 =	sadd.s32 $0xFFFFE003, lr  }
0x1b: {  	s9 =	sadd.s32 $0xFFFFFEF7, lr;
	s5 =	simm.s32 $0xFFFFFFFF;
	p2 =	slt.u32 s8, $0xFFFFF086  }
0x1c: {  	p1 =	slt.u32 s9, $0xF7A;
	s5 =	simm.s32 @!p2 $0x0  }
0x1d: {  	s5 =	simm.s32 @p1 $0x1;
	p0 =	seq.s32 s7, s2  }
0x1e: {  	s7 =	smul.u32 @!p0 $0xF7A, s2;
	p2 =	seq.s32 @!p0 s5, $0x0  }
0x1f: {  	s9 =	smul.u32 $0xF7A, s1;
	s8 =	simm.s32 @!p0 $0x1BF5;
	p2 =	por !p2, p0  }
0x20: {  	[sflag:s8] =	ssyncset.s32 @!p0 $0xFFFFF086;
	s6 =	sadd.s32 @!p0 s3, s7;
	s7 =	simm.s32 @!p0 $0x108  }
0x21: {  	s3 =	sadd.s32 s3, s9;
	s6 =	sadd.s32 @!p0 $0x88, s6;
	s7 =	simm.s32 @p2 $0x1082  }
0x22: {  	[simem:s7], [sflag:s8] =	dma.local @!p0 [hbm:s6], $0xF7A  }
0x23: {  	s9 =	sor.u32 $0xD0000000, s2;
	s6 =	simm.s32 $0x108;
	_ =	swait.ge @!p0 [sflag:s8], $0x0  }
0x24: {  	s3 =	sadd.s32 $0x88, s3;
	s6 =	simm.s32 @!p1 $0x1082;
	[sflag:s4] =	ssyncset.s32 $0xFFFFF086  }
0x25: {  	[simem:s6], [sflag:s4] =	dma.local [hbm:s3], $0xF7A  }
0x26: {  	[smem:$0x3F93] =	sst s1;
	(tag) =	ssettag s2;
	_ =	strace s9  }
0x27: {  	s1 =	sld [smem:$0x3FA3]  }
0x28: {  	s2 =	sld [smem:$0x3FA4]  }
0x29: {  	s4 =	sld [smem:$0x3FA6]  }
0x2a: {  	p0 =	seq.s32 s5, $0x0;
	s5 =	sld [smem:$0x3FA7]  }
0x2b: {  	s6 =	sld [smem:$0x3FA8]  }
0x2c: {  	s7 =	sld [smem:$0x3FA9]  }
0x2d: {  	s3 =	simm.s32 $0x108;
	s8 =	sld [smem:$0x3FAA]  }
0x2e: {  	s3 =	simm.s32 @!p0 $0x1082;
	s9 =	sld [smem:$0x3FAB]  }
0x2f: {  	lr =	sadd.s32 s0, s3;
	s0 =	sld [smem:$0x3FA2]  }
0x30: {  	s3 =	sld [smem:$0x3FA5]  }
0x31: {  	[smem:$0x3FAE] =	sst s10  }
0x32: {  	s10 =	sld [smem:$0x3FAC];
	_ =	sdelay $0x3  }
0x33: {  	p0 =	seq.s32 s10, $0x1;
	s10 =	sld [smem:$0x3FAE];
	_ =	sdelay $0x3  }
0x34: {  	[smem:$0x3FAE] =	sst s10  }
0x35: {  	s10 =	sld [smem:$0x3FAD];
	_ =	sdelay $0x3  }
0x36: {  	p1 =	seq.s32 s10, $0x1;
	s10 =	sld [smem:$0x3FAE];
	_ =	sdelay $0x3  }
0x37: {  	[smem:$0x3FAE] =	sst s10  }
0x38: {  	s10 =	sld [smem:$0x3FAF]  }
0x39: {  	_ = 	snop;
	(pc) =	sbr.ind lr, $3  }
0x3a: {  	_ = 	snop  }
0x3b: {  	_ = 	snop  }
0x3c: {  	p2 =	seq.s32 s10, $0x1;
	s10 =	sld [smem:$0x3FAE]  }
0x3d: {  	_ =	shalt  }
0x3e: {  	_ =	shalt  }
0x3f: {  	_ =	shalt  }
0x40: {  	_ =	shalt  }
0x41: {  	_ =	shalt  }
0x42: {  	_ =	shalt  }
0x43: {  	_ =	shalt  }
0x44: {  	_ =	shalt  }
0x45: {  	_ =	shalt  }
0x46: {  	_ =	shalt  }
0x47: {  	_ =	shalt  }
0x48: {  	_ =	shalt  }
0x49: {  	_ =	shalt  }
0x4a: {  	_ =	shalt  }
0x4b: {  	_ =	shalt  }
0x4c: {  	_ =	shalt  }
0x4d: {  	_ =	shalt  }
0x4e: {  	_ =	shalt  }
0x4f: {  	_ =	shalt  }
0x50: {  	_ =	shalt  }
0x51: {  	_ =	shalt  }
0x52: {  	_ =	shalt  }
0x53: {  	_ =	shalt  }
0x54: {  	_ =	shalt  }
0x55: {  	_ =	shalt  }
0x56: {  	_ =	shalt  }
0x57: {  	_ =	shalt  }
0x58: {  	_ =	shalt  }
0x59: {  	_ =	shalt  }
0x5a: {  	_ =	shalt  }
0x5b: {  	_ =	shalt  }
0x5c: {  	_ =	shalt  }
0x5d: {  	_ =	shalt  }
0x5e: {  	_ =	shalt  }
0x5f: {  	_ =	shalt  }
0x60: {  	_ =	shalt  }
0x61: {  	_ =	shalt  }
0x62: {  	_ =	shalt  }
0x63: {  	_ =	shalt  }
0x64: {  	_ =	shalt  }
0x65: {  	_ =	shalt  }
0x66: {  	_ =	shalt  }
0x67: {  	_ =	shalt  }
0x68: {  	_ =	shalt  }
0x69: {  	_ =	shalt  }
0x6a: {  	_ =	shalt  }
0x6b: {  	_ =	shalt  }
0x6c: {  	_ =	shalt  }
0x6d: {  	_ =	shalt  }
0x6e: {  	_ =	shalt  }
0x6f: {  	_ =	shalt  }
0x70: {  	_ =	shalt  }
0x71: {  	_ =	shalt  }
0x72: {  	_ =	shalt  }
0x73: {  	_ =	shalt  }
0x74: {  	_ =	shalt  }
0x75: {  	_ =	shalt  }
0x76: {  	_ =	shalt  }
0x77: {  	_ =	shalt  }
0x78: {  	_ =	shalt  }
0x79: {  	_ =	shalt  }
0x7a: {  	_ =	shalt  }
0x7b: {  	_ =	shalt  }
0x7c: {  	_ =	shalt  }
0x7d: {  	_ =	shalt  }
0x7e: {  	_ =	shalt  }
0x7f: {  	_ =	shalt  }
0x80: {  	_ =	shalt  }
0x81: {  	_ =	shalt  }
0x82: {  	_ =	shalt  }
0x83: {  	_ =	shalt  }
0x84: {  	_ =	shalt  }
0x85: {  	_ =	shalt  }
0x86: {  	_ =	shalt  }
0x87: {  	_ =	shalt  }
.Lfunc_end0:
.L_simem_size_0:
called_computation.1_lowered:
.L_overlay_start_0:
0x88: {  	s2 =	sld [smem:$0x3FD9]  }
0x89: {  	s3 =	sld [smem:$0x3FFE];
	_ =	sdelay $0x1  }
0x8a: {  	s1 =	srdreg.scid  }
0x8b: {  	s0 =	sand.u32 $0x1, s1  }
0x8c: {  	s17 =	sshll.u32 s0, $0xA;
	s2 =	sadd.s32 s3, s2  }
0x8d: {  	s2 =	sadd.s32 s2, s17  }
0x8e: {  	[smem:$0x3FBA] =	sst s2  }
0x8f: {  	_ = 	snop  }
0x90: {  	(tm) =	ssettm $0x1  }
0x91: {  	s18 =	sld [smem:$0x3FFB];
	_ =	sdelay $0x3  }
0x92: {  	_ =	strace s18  }
0x93: {  	s2 =	sld [smem:$0x3FFC];
	_ =	sdelay $0x3  }
0x94: {  	_ =	strace s2  }
0x95: {  	s2 =	sld [smem:$0x3FFD];
	_ =	sdelay $0x3  }
0x96: {  	_ =	strace s2  }
0x97: {  	_ =	strace $0x8FFFFFFF  }
0x98: {  	s19 =	sld [smem:$0x3FDB];
	_ =	sdelay $0x1  }
0x99: {  	s20 =	simm.s32 $_scs_section_size  }
0x9a: {  	s4 =	simm.s32 $_size__tile_overlayer_lowered;
	s5 =	simm.s32 $_tile_overlayer_lowered  }
0x9b: {  	s6 =	simm.s32 $0x1BFF;
	s21 =	sshll.u32 s5, $0x1;
	s3 =	sadd.s32 s20, s19  }
0x9c: {  	s22 =	simm.s32 $0x0;
	s4 =	sshll.u32 s4, $0x1;
	s5 =	sadd.s32 s21, s3  }
0x9d: {  	[timem:s22], [sflag:s6] =	dma.local [hbm:s5], s4  }
0x9e: {  	_ =	swait.ge [sflag:s6], s4  }
0x9f: {  	s4 =	ssub.s32 $0x0, s4;
	[sflag:s6] =	ssyncset.done $0x0  }
0xa0: {  	[sflag:s6] =	ssyncadd.s32 s4;
	_ =	sdelay $0x1  }
0xa1: {  	s23 =	simm.s32 $0x1B8B  }
0xa2: {  	_ =	swait.ge [sflag:s23], $0x1  }
0xa3: {  	[sflag:s23] =	ssyncset.done $0x0  }
0xa4: {  	[sflag:s23] =	ssyncadd.s32 $0xFFFFFFFF  }
0xa5: {  	s4 =	sld [smem:$0x0]  }
0xa6: {  	s5 =	sand.u32 $0xFFFFFFFE, s1  }
0xa7: {  	p0 =	sne.s32 s1, s5  }
0xa8: {  	s5 =	sshll.u32 @p0 s5, $0xE  }
0xa9: {  	s5 =	sadd.s32 @p0 $0x11B8D, s5;
	s6 =	sshll.u32 @p0 s4, $0x11  }
0xaa: {  	s5 =	sor.u32 @p0 s6, s5  }
0xab: {  	[sflag:s5] =	ssyncadd.remote.s32 @p0 $0x1;
	_ =	sdelay $0x1  }
0xac: {  	s5 =	simm.s32 @p0 $0x1B8D  }
0xad: {  	_ =	swait.eq @p0 [sflag:s5], $0x1  }
0xae: {  	[sflag:s5] =	ssyncadd.s32 @p0 $0xFFFFFFFF  }
0xaf: {  	s6 =	sshll.u32 @!p0 s1, $0xE  }
0xb0: {  	s6 =	sor.u32 @!p0 $0x4000, s6;
	s5 =	simm.s32 @!p0 $0x1B8D  }
0xb1: {  	s4 =	sshll.u32 @!p0 s4, $0x11;
	s6 =	sadd.s32 @!p0 $0x11B8D, s6;
	_ =	swait.eq @!p0 [sflag:s5], $0x1  }
0xb2: {  	s4 =	sor.u32 @!p0 s4, s6;
	[sflag:s5] =	ssyncadd.s32 @!p0 $0xFFFFFFFF  }
0xb3: {  	s25 =	simm.s32 $0x1B8E;
	s24 =	sld [smem:$0x3FFE];
	[sflag:s4] =	ssyncadd.remote.s32 @!p0 $0x1  }
0xb4: {  	s26 =	simm.s32 $execute0_lowered;
	[smem:$0x3FD2] =	sst s25  }
0xb5: {  	s5 =	sshll.u32 s26, $0x1;
	_ =	strace $0x80000049;
	[dreg:$0x1] =	wrdreg $0xFFFFFFFF  }
0xb6: {  	s28 =	simm.s32 $_size_execute0_lowered;
	s3 =	sadd.s32 s3, s5;
	[dreg:$0x0] =	wrdreg $0x0  }
0xb7: {  	s5 =	sshll.u32 s28, $0x1;
	[dreg:$0x2] =	wrdreg s3  }
0xb8: {  	[dreg:$0x3] =	wrdreg s5  }
0xb9: {  	[dreg:$0x4] =	wrdreg $0xC0  }
0xba: {  	_ =	task [dreg:s22], $0x5FFFF  }
0xbb: {  	[dreg:$0x1] =	wrdreg $0xFFFFFFFF  }
0xbc: {  	[dreg:$0x0] =	wrdreg $0x60  }
0xbd: {  	[dreg:$0x2] =	wrdreg s24  }
0xbe: {  	[dreg:$0x3] =	wrdreg $0xA  }
0xbf: {  	_ =	task.clear_ibuf [dreg:s22], $0x4FFFF;
	_ =	strace $0x90000049  }
0xc0: {  	s29 =	simm.s32 $0xA;
	_ =	strace $0x8000004B  }
0xc1: {  	_ =	swait.ge [sflag:s29], $0x1  }
0xc2: {  	[sflag:s29] =	ssyncadd.s32 $0xFFFFFFFF  }
0xc3: {  	_ =	strace $0x9000004B  }
0xc4: {  	_ =	sfence  }
0xc5: {  	s30 =	sld [smem:$0x0];
	_ =	sdelay $0x2  }
0xc6: {  	s31 =	sshll.u32 s1, $0xD;
	s1 =	sshrl.u32 s1, $0x2  }
0xc7: {  	s4 =	sand.u32 $0x4000, s31;
	s1 =	sadd.s32 s1, s30  }
0xc8: {  	s0 =	sor.u32 s4, s0;
	s1 =	sshll.u32 s1, $0x11  }
0xc9: {  	s0 =	sor.u32 s1, s0  }
0xca: {  	s0 =	sadd.s32 $0x8F2B, s0  }
0xcb: {  	[sflag:s0] =	ssyncadd.remote.s32 $0x1  }
0xcc: {  	_ =	sfence.sel $0xFFFF  }
0xcd: {  	[dreg:$0x0] =	wrdreg $0xFFFFFFFF;
	(pc) =	sbr.abs _section_cstart, $3  }
0xce: {  	[dreg:$0x1] =	wrdreg $0xFFFFFFFF  }
0xcf: {  	_ =	task.clear_ibuf [dreg:s22], $0x2FFFF;
	_ =	strace $0x9FFFFFFF  }
0xd0: {  	(tm) =	ssettm $0x7FFFFFFF  }
0xd1: {  	_ =	shalt  }
tec
execute0_lowered:
.L_overlay_start_1:
0x0: {  	(tag) =	ssettag $0x1  }
0x1: {  	s1 =	srdreg.scid  }
0x2: {  	s0 =	stileid.u32;
	s13 =	sand.u32 $0x1, s1  }
0x3: {  	s31 =	sshll.u32 s0, $0x9;
	s2 =	sshll.u32 s13, $0x8  }
0x4: {  	s9 =	rddreg [dreg:$0x0];
	s11 =	sor.u32 s2, s31  }
0x5: {  	s1 =	rddreg [dreg:$0x1];
	s2 =	simm.s32 $0x0;
	s3 =	sshrl.u32 s11, $0x3  }
0x6: {  	[smem:$0x7FF] =	sst s2;
	s3 =	sadd.s32 s3, s9  }
0x7: {  	_ =	strace $0x8000004A;
	s4 =	sadd.s32 $0x1E5800, s3;
	s3 =	simm.s32 $0x2  }
0x8: {  	[tilespmem:s2], [sflag:$0x2] =	stream.linear.gather [hbm4b:s4+s2], $0x100, $0x38;
	[tilespmem:$0xC100] =	vst v63  }
0x9: {  	_ =	swait.ge [sflag:s3], $0x100  }
0xa: {  	s6 =	simm.s32 $0x40;
	s7 =	simm.s32 $0x100;
	[sflag:s3] =	ssyncset.done $0x0  }
0xb: {  	s8 =	simm.s32 $0x1;
	s5 =	sadd.s32 $0x1E5C00, s9;
	[sflag:s3] =	ssyncadd.s32 $0xFFFFFF00  }
0xc: {  	[tilespmem:s7], [sflag:$0x1] =	stream.indirect.gather [hbm4b:s5+s6], $0x300, s2, s6, $0xb8;
	[tilespmem:$0xC100] =	vst v63  }
0xd: {  	s10 =	smul.u32 $0x60, s11;
	_ =	swait.ge [sflag:s8], $0xC000  }
0xe: {  	s12 =	sadd.s32 $0x4B1200, s9;
	[sflag:s8] =	ssyncset.done $0x0  }
0xf: {  	s9 =	sadd.s32 s12, s10;
	[sflag:s8] =	ssyncadd.s32 $0xFFFF4000  }
0x10: {  	[hbm4b:s9+s2] =	stream.linear.scatter [tilespmem:s7], [sflag:$0x2], $0xC000, $0x38;
	[tilespmem:$0xC100] =	vst v63  }
0x11: {  	_ =	swait.ge [sflag:s3], $0xC000  }
0x12: {  	[sflag:s3] =	ssyncset.done $0x0  }
0x13: {  	[sflag:s3] =	ssyncadd.s32 $0xFFFF4000  }
0x14: {  	[tilespmem:s7], [sflag:$0x1] =	stream.indirect.gather [hbm4b:s5+s6], $0x300, s6, s6, $0xb8;
	[tilespmem:$0xC100] =	vst v63  }
0x15: {  	_ =	swait.ge [sflag:s8], $0xC000  }
0x16: {  	[sflag:s8] =	ssyncset.done $0x0  }
0x17: {  	s10 =	sadd.s32 $0x1800, s9;
	[sflag:s8] =	ssyncadd.s32 $0xFFFF4000  }
0x18: {  	[hbm4b:s10+s2] =	stream.linear.scatter [tilespmem:s7], [sflag:$0x2], $0xC000, $0x38;
	[tilespmem:$0xC100] =	vst v63  }
0x19: {  	_ =	swait.ge [sflag:s3], $0xC000  }
0x1a: {  	[sflag:s3] =	ssyncset.done $0x0  }
0x1b: {  	s14 =	smul.u32 $0x300, s11;
	s11 =	simm.s32 $0x80;
	[sflag:s3] =	ssyncadd.s32 $0xFFFF4000  }
0x1c: {  	[tilespmem:s7], [sflag:$0x1] =	stream.indirect.gather [hbm4b:s5+s6], $0x300, s11, s6, $0xb8;
	[tilespmem:$0xC100] =	vst v63  }
0x1d: {  	s14 =	sshrl.u32 s14, $0x3;
	_ =	swait.ge [sflag:s8], $0xC000  }
0x1e: {  	s14 =	sadd.s32 s12, s14;
	[sflag:s8] =	ssyncset.done $0x0  }
0x1f: {  	s15 =	ssub.s32 $0x2, s13;
	s12 =	sadd.s32 $0x3000, s14;
	[sflag:s8] =	ssyncadd.s32 $0xFFFF4000  }
0x20: {  	[hbm4b:s12+s2] =	stream.linear.scatter [tilespmem:s7], [sflag:$0x2], $0xC000, $0x38;
	[tilespmem:$0xC100] =	vst v63  }
0x21: {  	s16 =	sshrl.u32 s15, $0x1;
	_ =	swait.ge [sflag:s3], $0xC000  }
0x22: {  	s15 =	ssub.s32 s15, s16;
	[sflag:s3] =	ssyncset.done $0x0  }
0x23: {  	s13 =	simm.s32 $0xC0;
	s15 =	smax.u32 s15, $0x1;
	[sflag:s3] =	ssyncadd.s32 $0xFFFF4000  }
0x24: {  	[tilespmem:s7], [sflag:$0x1] =	stream.indirect.gather [hbm4b:s5+s6], $0x300, s13, s6, $0xb8;
	[tilespmem:$0xC100] =	vst v63  }
0x25: {  	p0 =	sne.s32 s15, $0x1;
	_ =	swait.ge [sflag:s8], $0xC000  }
.Ltmp0:
0x26: {  	[sflag:s8] =	ssyncset.done $0x0;
	(pc) =	sbr.rel @!p0 .LBB2_2-.Ltmp0, $4  }
0x27: {  	s14 =	sadd.s32 $0x4800, s14;
	[sflag:s8] =	ssyncadd.s32 $0xFFFF4000  }
0x28: {  	[hbm4b:s14+s2] =	stream.linear.scatter [tilespmem:s7], [sflag:$0x2], $0xC000, $0x38;
	[tilespmem:$0xC100] =	vst v63  }
0x29: {  	_ =	swait.ge [sflag:s3], $0xC000  }
0x2a: {  	s15 =	sadd.s32 $0xFFFFFFFF, s15;
	[sflag:s3] =	ssyncset.done $0x0  }
.LBB2_1:
0x2b: {  	p0 =	sne.s32 s15, $0x1;
	s15 =	sadd.s32 $0xFFFFFFFF, s15;
	[sflag:s3] =	ssyncadd.s32 $0xFFFF4000  }
0x2c: {  	[tilespmem:s2], [sflag:$0x2] =	stream.linear.gather [hbm4b:s4+s2], $0x100, $0x38;
	[tilespmem:$0xC100] =	vst v63  }
0x2d: {  	_ =	swait.ge [sflag:s3], $0x100  }
0x2e: {  	[sflag:s3] =	ssyncset.done $0x0  }
0x2f: {  	[sflag:s3] =	ssyncadd.s32 $0xFFFFFF00  }
0x30: {  	[tilespmem:s7], [sflag:$0x1] =	stream.indirect.gather [hbm4b:s5+s6], $0x300, s2, s6, $0xb8;
	[tilespmem:$0xC100] =	vst v63  }
0x31: {  	_ =	swait.ge [sflag:s8], $0xC000  }
0x32: {  	[sflag:s8] =	ssyncset.done $0x0  }
0x33: {  	[sflag:s8] =	ssyncadd.s32 $0xFFFF4000  }
0x34: {  	[hbm4b:s9+s2] =	stream.linear.scatter [tilespmem:s7], [sflag:$0x2], $0xC000, $0x38;
	[tilespmem:$0xC100] =	vst v63  }
0x35: {  	_ =	swait.ge [sflag:s3], $0xC000  }
0x36: {  	[sflag:s3] =	ssyncset.done $0x0  }
0x37: {  	[sflag:s3] =	ssyncadd.s32 $0xFFFF4000  }
0x38: {  	[tilespmem:s7], [sflag:$0x1] =	stream.indirect.gather [hbm4b:s5+s6], $0x300, s6, s6, $0xb8;
	[tilespmem:$0xC100] =	vst v63  }
0x39: {  	_ =	swait.ge [sflag:s8], $0xC000  }
0x3a: {  	[sflag:s8] =	ssyncset.done $0x0  }
0x3b: {  	[sflag:s8] =	ssyncadd.s32 $0xFFFF4000  }
0x3c: {  	[hbm4b:s10+s2] =	stream.linear.scatter [tilespmem:s7], [sflag:$0x2], $0xC000, $0x38;
	[tilespmem:$0xC100] =	vst v63  }
0x3d: {  	_ =	swait.ge [sflag:s3], $0xC000  }
0x3e: {  	[sflag:s3] =	ssyncset.done $0x0  }
0x3f: {  	[sflag:s3] =	ssyncadd.s32 $0xFFFF4000  }
0x40: {  	[tilespmem:s7], [sflag:$0x1] =	stream.indirect.gather [hbm4b:s5+s6], $0x300, s11, s6, $0xb8;
	[tilespmem:$0xC100] =	vst v63  }
0x41: {  	_ =	swait.ge [sflag:s8], $0xC000  }
0x42: {  	[sflag:s8] =	ssyncset.done $0x0  }
0x43: {  	[sflag:s8] =	ssyncadd.s32 $0xFFFF4000  }
0x44: {  	[hbm4b:s12+s2] =	stream.linear.scatter [tilespmem:s7], [sflag:$0x2], $0xC000, $0x38;
	[tilespmem:$0xC100] =	vst v63  }
0x45: {  	_ =	swait.ge [sflag:s3], $0xC000  }
0x46: {  	[sflag:s3] =	ssyncset.done $0x0  }
0x47: {  	[sflag:s3] =	ssyncadd.s32 $0xFFFF4000  }
0x48: {  	[tilespmem:s7], [sflag:$0x1] =	stream.indirect.gather [hbm4b:s5+s6], $0x300, s13, s6, $0xb8;
	[tilespmem:$0xC100] =	vst v63  }
0x49: {  	_ =	swait.ge [sflag:s8], $0xC000  }
.Ltmp1:
0x4a: {  	[sflag:s8] =	ssyncset.done $0x0;
	(pc) =	sbr.rel @p0 .LBB2_1-.Ltmp1, $4  }
0x4b: {  	[sflag:s8] =	ssyncadd.s32 $0xFFFF4000  }
0x4c: {  	[hbm4b:s14+s2] =	stream.linear.scatter [tilespmem:s7], [sflag:$0x2], $0xC000, $0x38;
	[tilespmem:$0xC100] =	vst v63  }
0x4d: {  	_ =	swait.ge [sflag:s3], $0xC000  }
0x4e: {  	[sflag:s3] =	ssyncset.done $0x0  }
.LBB2_2:
0x4f: {  	[sflag:s3] =	ssyncadd.s32 $0xFFFF4000  }
0x50: {  	_ =	sfence.sel $0x180000  }
0x51: {  	[bflag:$0x0] =	sbarrier.arrive $0xFFFF  }
0x52: {  	p0 =	sne.s32 s0, $0x0;
	_ =	strace $0x9000004A  }
0x53: {  	s0 =	sadd.s32 @!p0 $0x100000, s1;
	[bflag:$0x2] =	sbarrier.arrive $0xFFFF  }
0x54: {  	[sflag:s0] =	ssyncadd.tile.s32 @!p0 $0x1;
	_ =	shalt  }
.Lfunc_end2:
_tile_overlayer_lowered:
.L_overlay_start_2:
0x55: {  	(tag) =	ssettag $0x2  }
0x56: {  	s0 =	rddreg [dreg:$0x0];
	s2 =	stileid.u32  }
0x57: {  	s1 =	rddreg [dreg:$0x1];
	p0 =	sne.s32 s2, $0x0  }
0x58: {  	s3 =	rddreg [dreg:$0x2];
	[bflag:$0x3] =	sbarrier.arrive $0xFFFF;
	s2 =	simm.s32 @!p0 $0x1C02  }
0x59: {  	[timem:s3], [sflag:s2] =	dma.local @!p0 [hbm:s0], s1  }
0x5a: {  	s0 =	simm.s32 @!p0 $0x2  }
0x5b: {  	_ =	swait.ge @!p0 [sflag:s0], s1  }
0x5c: {  	s1 =	ssub.s32 @!p0 $0x0, s1;
	[sflag:s0] =	ssyncset.done @!p0 $0x0  }
0x5d: {  	[sflag:s0] =	ssyncadd.s32 @!p0 s1  }
0x5e: {  	[bflag:$0x3] =	sbarrier.arrive $0xFFFF  }
0x5f: {  	_ =	shalt  }

</sc_bundles>
